<compile_context>
chip_gen: v7x
topology: tpu7x:2x2x1
jax: 0.10.2.dev20260603
libtpu: 0.0.44.dev20260713+nightly
codegen_flags: <defaults>
</compile_context>

<pallas_src>
import functools

import jax
import jax.numpy as jnp
from jax import lax
from jax.experimental import pallas as pl
from jax.experimental.pallas import tpu as pltpu
from jax.experimental.pallas import tpu_sc as plsc

VOCAB = 1000
DIM = 32
NC = 2
NS = 16
NW = NC * NS
HC = 5


def _build(batch: int, hist: int):
    assert batch % (NW * 128) == 0 and batch // 128 == NW
    assert hist % (2 * HC) == 0 and hist % 8 == 0
    n_chunks = hist // HC
    n_pairs = n_chunks // 2
    hist_hi = hist // 8

    mesh = plsc.VectorSubcoreMesh(core_axis_name="c", subcore_axis_name="s")

    @functools.partial(
        pl.kernel,
        mesh=mesh,
        compiler_params=pltpu.CompilerParams(
            use_tc_tiling_on_sc=False, needs_layout_passes=False),
        out_type=jax.ShapeDtypeStruct((hist, DIM // 8, NW, 1024), jnp.float32),
        scratch_types=[
            pltpu.VMEM((VOCAB, 40), jnp.float32),
            pltpu.VMEM((hist_hi, 8, 128), jnp.int32),
            pltpu.VMEM((HC, DIM // 8, 1024), jnp.float32),
            pltpu.VMEM((HC, DIM // 8, 1024), jnp.float32),
            pltpu.SemaphoreType.DMA,
            pltpu.SemaphoreType.DMA,
        ],
    )
    def emb(idx_hbm, table_hbm, out_hbm, table_v, idx_v, buf0, buf1,
            wb0, wb1):
        w = lax.axis_index("s") * NC + lax.axis_index("c")
        pltpu.sync_copy(table_hbm, table_v.at[:, pl.ds(0, DIM)])
        pltpu.sync_copy(idx_hbm.at[:, w, :, :], idx_v)

        def compute_chunk(c, buf):
            @plsc.parallel_loop(0, HC * 8)
            def g_body(gi):
                hh = gi // 8
                g16 = (gi % 8) * 16
                h = c * HC + hh
                ids = idx_v[h // 8, h % 8, pl.ds(g16, 16)]
                for e in range(DIM):
                    es = jnp.full((16,), e, jnp.int32)
                    v = plsc.load_gather(table_v, [ids, es])
                    buf[hh, e // 8, pl.ds((e % 8) * 128 + g16, 16)] = v

        def start_wb(c, buf, sem):
            pltpu.async_copy(
                buf, out_hbm.at[pl.ds(c * HC, HC), :, w, :], sem)

        def wait_wb(buf, sem):
            pltpu.make_async_copy(
                buf, out_hbm.at[pl.ds(0, HC), :, 0, :], sem).wait()

        def body(p, carry):
            e = 2 * p

            @pl.when(p > 0)
            def _():
                wait_wb(buf0, wb0)

            compute_chunk(e, buf0)

            @pl.when(p > 0)
            def _():
                wait_wb(buf1, wb1)

            start_wb(e, buf0, wb0)
            compute_chunk(e + 1, buf1)
            start_wb(e + 1, buf1, wb1)
            return carry

        lax.fori_loop(0, n_pairs, body, 0)
        wait_wb(buf0, wb0)
        wait_wb(buf1, wb1)

    return emb


def kernel(tensor, table):
    batch, hist = tensor.shape
    idx4 = tensor.reshape(NW, 128, hist // 8, 8).transpose(2, 0, 3, 1)
    raw = _build(batch, hist)(idx4, table)
    x = raw.reshape(hist, DIM // 8, NW, 8, 128).transpose(2, 4, 0, 1, 3)
    return x.reshape(batch, hist, DIM)

# --- scband reference (transcript-rebuilt; emitter-appended) ---
"""Pipeline reference for scband-embedding-49735721288052 (READ-ONLY COPY).

The authoritative reference and input builder live on the scoring server;
editing this copy changes nothing except your own understanding.
"""

import jax, jax.numpy as jnp
import numpy as np

VOCAB = 1000
DIM = 32
BATCH = 4096
HIST = 200

def setup_inputs(seed: int = 0) -> dict:
    key = jax.random.key(seed)
    k1, k2 = jax.random.split(key)
    # Embedding table per init (vocab=1000 built from train data, dim=32).
    # torch nn.Embedding(padding_idx=0) initializes row 0 to zeros.
    table = jax.random.normal(k1, (VOCAB, DIM), dtype=jnp.float32)
    table = table.at[0].set(0.0)
    tensor = jax.random.randint(k2, (BATCH, HIST), 0, VOCAB, dtype=jnp.int32)
    return {"tensor": tensor, "table": table}

def reference(tensor, table):
    # forward: self.embedding_layer(tensor) -> pure row gather
    return jnp.take(table, tensor, axis=0)

if __name__ == "__main__":
    import jax
    _d = setup_inputs()
    print(jax.jit(kernel)(*tuple(_d.values())))

</pallas_src>

<mosaic_0001>
#map = affine_map<(d0, d1) -> (0, 0, 0, 0)>
#map1 = affine_map<(d0, d1) -> (0, 0)>
module attributes {stable_mosaic.version = 14 : i64} {
  func.func @emb(%arg0: i32, %arg1: i32, %arg2: memref<25x32x8x128xi32, #tpu.memory_space<hbm>>, %arg3: memref<1000x32xf32, #tpu.memory_space<hbm>>, %arg4: memref<200x4x32x1024xf32, #tpu.memory_space<hbm>>, %arg5: memref<1000x40xf32, #tpu.memory_space<vmem>>, %arg6: memref<25x8x128xi32, #tpu.memory_space<vmem>>, %arg7: memref<5x4x1024xf32, #tpu.memory_space<vmem>>, %arg8: memref<5x4x1024xf32, #tpu.memory_space<vmem>>, %arg9: memref<!tpu.dma_semaphore, #tpu.memory_space<semaphore_mem>>, %arg10: memref<!tpu.dma_semaphore, #tpu.memory_space<semaphore_mem>>) attributes {dimension_semantics = [#tpu.dimension_semantics<core_parallel>, #tpu.dimension_semantics<subcore_parallel>], iteration_bounds = array<i64: 2, 16>, scalar_prefetch = 0 : i64, scratch_operands = 6 : i64, tpu.core_type = #tpu.core_type<sc_vector_subcore>, window_params = [{transform_indices = #map}, {transform_indices = #map1}, {transform_indices = #map}]} {
    %mul3A = arith.constant 2 : i32
    %mul3A_0 = arith.muli %arg1, %mul3A : i32
    %add3A = arith.addi %mul3A_0, %arg0 : i32
    "tpu.region"() ({
      %run_scoped3A = tpu.sem_alloc : memref<!tpu.dma_semaphore, #tpu.memory_space<semaphore_mem>>
      %dma_start3A = arith.constant 0 : i32
      %dma_start3A_27 = arith.constant 0 : i32
      %dma_start3A_28 = tpu.memref_slice %arg5[%dma_start3A, %dma_start3A_27] : memref<1000x40xf32, #tpu.memory_space<vmem>> -> memref<1000x32xf32, #tpu.memory_space<vmem>>
      %dma_start3A_29 = arith.constant 0 : i32
      %dma_start3A_30 = arith.constant 0 : i32
      %dma_start3A_31 = tpu.memref_slice %arg5[%dma_start3A_29, %dma_start3A_30] : memref<1000x40xf32, #tpu.memory_space<vmem>> -> memref<1000x32xf32, #tpu.memory_space<vmem>>
      tpu.enqueue_dma source(%arg3 : memref<1000x32xf32, #tpu.memory_space<hbm>>) target(%dma_start3A_31 : memref<1000x32xf32, #tpu.memory_space<vmem>>) target_semaphore(%run_scoped3A : memref<!tpu.dma_semaphore, #tpu.memory_space<semaphore_mem>>)
      %dma_wait3A_32 = arith.constant 0 : i32
      %dma_wait3A_33 = arith.constant 0 : i32
      %dma_wait3A_34 = tpu.memref_slice %arg5[%dma_wait3A_32, %dma_wait3A_33] : memref<1000x40xf32, #tpu.memory_space<vmem>> -> memref<1000x32xf32, #tpu.memory_space<vmem>>
      %dma_wait3A_35 = arith.constant 0 : i32
      %dma_wait3A_36 = arith.constant 0 : i32
      %dma_wait3A_37 = tpu.memref_slice %arg5[%dma_wait3A_35, %dma_wait3A_36] : memref<1000x40xf32, #tpu.memory_space<vmem>> -> memref<1000x32xf32, #tpu.memory_space<vmem>>
      tpu.wait_dma2 semaphore(%run_scoped3A : memref<!tpu.dma_semaphore, #tpu.memory_space<semaphore_mem>>) src(%arg3 : memref<1000x32xf32, #tpu.memory_space<hbm>>) dst(%dma_wait3A_37 : memref<1000x32xf32, #tpu.memory_space<vmem>>)
      tpu.yield
    }) : () -> ()
    "tpu.region"() ({
      %run_scoped3A = tpu.sem_alloc : memref<!tpu.dma_semaphore, #tpu.memory_space<semaphore_mem>>
      %dma_start3A = arith.constant 0 : i32
      %dma_start3A_27 = arith.constant 0 : i32
      %dma_start3A_28 = arith.constant 0 : i32
      %dma_start3A_29 = tpu.memref_slice %arg2[%dma_start3A, %add3A, %dma_start3A_27, %dma_start3A_28] : memref<25x32x8x128xi32, #tpu.memory_space<hbm>> -> memref<25x1x8x128xi32, #tpu.memory_space<hbm>>
      %dma_start3A_30 = tpu.memref_squeeze %dma_start3A_29 : memref<25x1x8x128xi32, #tpu.memory_space<hbm>> -> memref<25x8x128xi32, #tpu.memory_space<hbm>>
      %dma_start3A_31 = arith.constant 0 : i32
      %dma_start3A_32 = arith.constant 0 : i32
      %dma_start3A_33 = arith.constant 0 : i32
      %dma_start3A_34 = tpu.memref_slice %arg2[%dma_start3A_31, %add3A, %dma_start3A_32, %dma_start3A_33] : memref<25x32x8x128xi32, #tpu.memory_space<hbm>> -> memref<25x1x8x128xi32, #tpu.memory_space<hbm>>
      %dma_start3A_35 = tpu.memref_squeeze %dma_start3A_34 : memref<25x1x8x128xi32, #tpu.memory_space<hbm>> -> memref<25x8x128xi32, #tpu.memory_space<hbm>>
      tpu.enqueue_dma source(%dma_start3A_35 : memref<25x8x128xi32, #tpu.memory_space<hbm>>) target(%arg6 : memref<25x8x128xi32, #tpu.memory_space<vmem>>) target_semaphore(%run_scoped3A : memref<!tpu.dma_semaphore, #tpu.memory_space<semaphore_mem>>)
      %dma_wait3A_36 = arith.constant 0 : i32
      %dma_wait3A_37 = arith.constant 0 : i32
      %dma_wait3A_38 = arith.constant 0 : i32
      %dma_wait3A_39 = tpu.memref_slice %arg2[%dma_wait3A_36, %add3A, %dma_wait3A_37, %dma_wait3A_38] : memref<25x32x8x128xi32, #tpu.memory_space<hbm>> -> memref<25x1x8x128xi32, #tpu.memory_space<hbm>>
      %dma_wait3A_40 = tpu.memref_squeeze %dma_wait3A_39 : memref<25x1x8x128xi32, #tpu.memory_space<hbm>> -> memref<25x8x128xi32, #tpu.memory_space<hbm>>
      %dma_wait3A_41 = arith.constant 0 : i32
      %dma_wait3A_42 = arith.constant 0 : i32
      %dma_wait3A_43 = arith.constant 0 : i32
      %dma_wait3A_44 = tpu.memref_slice %arg2[%dma_wait3A_41, %add3A, %dma_wait3A_42, %dma_wait3A_43] : memref<25x32x8x128xi32, #tpu.memory_space<hbm>> -> memref<25x1x8x128xi32, #tpu.memory_space<hbm>>
      %dma_wait3A_45 = tpu.memref_squeeze %dma_wait3A_44 : memref<25x1x8x128xi32, #tpu.memory_space<hbm>> -> memref<25x8x128xi32, #tpu.memory_space<hbm>>
      tpu.wait_dma2 semaphore(%run_scoped3A : memref<!tpu.dma_semaphore, #tpu.memory_space<semaphore_mem>>) src(%dma_wait3A_45 : memref<25x8x128xi32, #tpu.memory_space<hbm>>) dst(%arg6 : memref<25x8x128xi32, #tpu.memory_space<vmem>>)
      tpu.yield
    }) : () -> ()
    %scan3A = arith.constant 0 : i32
    %scan3A_1 = arith.constant 0 : i32
    %scan3A_2 = arith.constant 20 : i32
    %scan3A_3 = arith.addi %scan3A_1, %scan3A_2 : i32
    %scan3A_4 = arith.constant 1 : i32
    scf.for %scan3A_27 = %scan3A_1 to %scan3A_3 step %scan3A_4  : i32 {
      %mul3A_28 = arith.constant 2 : i32
      %mul3A_29 = arith.muli %mul3A_28, %scan3A_27 : i32
      %gt3A = arith.constant 0 : i32
      %gt3A_30 = arith.cmpi sgt, %scan3A_27, %gt3A : i32
      %convert_element_type3A = arith.extui %gt3A_30 : i1 to i32
      %cond3A = arith.constant 0 : i32
      %cond3A_31 = arith.cmpi ne, %convert_element_type3A, %cond3A : i32
      scf.if %cond3A_31 {
        %dma_wait3A_65 = arith.constant 0 : i32
        %dma_wait3A_66 = arith.constant 0 : i32
        %dma_wait3A_67 = arith.constant 0 : i32
        %dma_wait3A_68 = arith.constant 0 : i32
        %dma_wait3A_69 = tpu.memref_slice %arg4[%dma_wait3A_66, %dma_wait3A_67, %dma_wait3A_65, %dma_wait3A_68] : memref<200x4x32x1024xf32, #tpu.memory_space<hbm>> -> memref<5x4x1x1024xf32, #tpu.memory_space<hbm>>
        %dma_wait3A_70 = tpu.memref_squeeze %dma_wait3A_69 : memref<5x4x1x1024xf32, #tpu.memory_space<hbm>> -> memref<5x4x1024xf32, #tpu.memory_space<hbm>>
        %dma_wait3A_71 = arith.constant 0 : i32
        %dma_wait3A_72 = arith.constant 0 : i32
        %dma_wait3A_73 = arith.constant 0 : i32
        %dma_wait3A_74 = tpu.memref_slice %arg4[%dma_wait3A_71, %dma_wait3A_72, %dma_wait3A_65, %dma_wait3A_73] : memref<200x4x32x1024xf32, #tpu.memory_space<hbm>> -> memref<5x4x1x1024xf32, #tpu.memory_space<hbm>>
        %dma_wait3A_75 = tpu.memref_squeeze %dma_wait3A_74 : memref<5x4x1x1024xf32, #tpu.memory_space<hbm>> -> memref<5x4x1024xf32, #tpu.memory_space<hbm>>
        tpu.wait_dma2 semaphore(%arg9 : memref<!tpu.dma_semaphore, #tpu.memory_space<semaphore_mem>>) src(%arg7 : memref<5x4x1024xf32, #tpu.memory_space<vmem>>) dst(%dma_wait3A_75 : memref<5x4x1024xf32, #tpu.memory_space<hbm>>)
      } else {
      }
      %parallel_loop3A = arith.constant 0 : i32
      %parallel_loop3A_32 = arith.constant 40 : i32
      %parallel_loop3A_33 = arith.constant 1 : i32
      scf.for %parallel_loop3A_65 = %parallel_loop3A to %parallel_loop3A_32 step %parallel_loop3A_33  : i32 {
        %parallel_loop3A_66 = arith.constant 8 : i32
        %parallel_loop3A_67 = arith.divsi %parallel_loop3A_65, %parallel_loop3A_66 : i32
        %parallel_loop3A_68 = arith.constant 0 : i32
        %parallel_loop3A_69 = arith.cmpi sgt, %parallel_loop3A_65, %parallel_loop3A_68 : i32
        %parallel_loop3A_70 = arith.extui %parallel_loop3A_69 : i1 to i32
        %parallel_loop3A_71 = arith.constant 0 : i32
        %parallel_loop3A_72 = arith.cmpi slt, %parallel_loop3A_65, %parallel_loop3A_71 : i32
        %parallel_loop3A_73 = arith.extui %parallel_loop3A_72 : i1 to i32
        %parallel_loop3A_74 = arith.subi %parallel_loop3A_70, %parallel_loop3A_73 : i32
        %parallel_loop3A_75 = arith.constant 0 : i32
        %parallel_loop3A_76 = arith.cmpi sgt, %parallel_loop3A_66, %parallel_loop3A_75 : i32
        %parallel_loop3A_77 = arith.extui %parallel_loop3A_76 : i1 to i32
        %parallel_loop3A_78 = arith.constant 0 : i32
        %parallel_loop3A_79 = arith.cmpi slt, %parallel_loop3A_66, %parallel_loop3A_78 : i32
        %parallel_loop3A_80 = arith.extui %parallel_loop3A_79 : i1 to i32
        %parallel_loop3A_81 = arith.subi %parallel_loop3A_77, %parallel_loop3A_80 : i32
        %parallel_loop3A_82 = arith.cmpi ne, %parallel_loop3A_74, %parallel_loop3A_81 : i32
        %parallel_loop3A_83 = arith.remsi %parallel_loop3A_65, %parallel_loop3A_66 : i32
        %parallel_loop3A_84 = arith.constant 0 : i32
        %parallel_loop3A_85 = arith.cmpi ne, %parallel_loop3A_83, %parallel_loop3A_84 : i32
        %parallel_loop3A_86 = arith.andi %parallel_loop3A_82, %parallel_loop3A_85 : i1
        %parallel_loop3A_87 = arith.constant 1 : i32
        %parallel_loop3A_88 = arith.subi %parallel_loop3A_67, %parallel_loop3A_87 : i32
        %parallel_loop3A_89 = arith.select %parallel_loop3A_86, %parallel_loop3A_88, %parallel_loop3A_67 : i32
        %parallel_loop3A_90 = arith.constant 8 : i32
        %parallel_loop3A_91 = arith.constant 0 : i32
        %parallel_loop3A_92 = arith.cmpi eq, %parallel_loop3A_90, %parallel_loop3A_91 : i32
        %parallel_loop3A_93 = arith.constant 1 : i32
        %parallel_loop3A_94 = arith.select %parallel_loop3A_92, %parallel_loop3A_93, %parallel_loop3A_90 : i32
        %parallel_loop3A_95 = arith.remsi %parallel_loop3A_65, %parallel_loop3A_94 : i32
        %parallel_loop3A_96 = arith.constant 0 : i32
        %parallel_loop3A_97 = arith.cmpi ne, %parallel_loop3A_95, %parallel_loop3A_96 : i32
        %parallel_loop3A_98 = arith.constant 0 : i32
        %parallel_loop3A_99 = arith.cmpi slt, %parallel_loop3A_95, %parallel_loop3A_98 : i32
        %parallel_loop3A_100 = arith.constant 0 : i32
        %parallel_loop3A_101 = arith.cmpi slt, %parallel_loop3A_94, %parallel_loop3A_100 : i32
        %parallel_loop3A_102 = arith.xori %parallel_loop3A_99, %parallel_loop3A_101 : i1
        %parallel_loop3A_103 = arith.andi %parallel_loop3A_102, %parallel_loop3A_97 : i1
        %parallel_loop3A_104 = arith.addi %parallel_loop3A_95, %parallel_loop3A_94 : i32
        %parallel_loop3A_105 = arith.select %parallel_loop3A_103, %parallel_loop3A_104, %parallel_loop3A_95 : i32
        %parallel_loop3A_106 = arith.constant 16 : i32
        %parallel_loop3A_107 = arith.muli %parallel_loop3A_105, %parallel_loop3A_106 : i32
        %parallel_loop3A_108 = arith.constant 5 : i32
        %parallel_loop3A_109 = arith.muli %mul3A_29, %parallel_loop3A_108 : i32
        %parallel_loop3A_110 = arith.addi %parallel_loop3A_109, %parallel_loop3A_89 : i32
        %parallel_loop3A_111 = arith.constant 8 : i32
        %parallel_loop3A_112 = arith.divsi %parallel_loop3A_110, %parallel_loop3A_111 : i32
        %parallel_loop3A_113 = arith.constant 0 : i32
        %parallel_loop3A_114 = arith.cmpi sgt, %parallel_loop3A_110, %parallel_loop3A_113 : i32
        %parallel_loop3A_115 = arith.extui %parallel_loop3A_114 : i1 to i32
        %parallel_loop3A_116 = arith.constant 0 : i32
        %parallel_loop3A_117 = arith.cmpi slt, %parallel_loop3A_110, %parallel_loop3A_116 : i32
        %parallel_loop3A_118 = arith.extui %parallel_loop3A_117 : i1 to i32
        %parallel_loop3A_119 = arith.subi %parallel_loop3A_115, %parallel_loop3A_118 : i32
        %parallel_loop3A_120 = arith.constant 0 : i32
        %parallel_loop3A_121 = arith.cmpi sgt, %parallel_loop3A_111, %parallel_loop3A_120 : i32
        %parallel_loop3A_122 = arith.extui %parallel_loop3A_121 : i1 to i32
        %parallel_loop3A_123 = arith.constant 0 : i32
        %parallel_loop3A_124 = arith.cmpi slt, %parallel_loop3A_111, %parallel_loop3A_123 : i32
        %parallel_loop3A_125 = arith.extui %parallel_loop3A_124 : i1 to i32
        %parallel_loop3A_126 = arith.subi %parallel_loop3A_122, %parallel_loop3A_125 : i32
        %parallel_loop3A_127 = arith.cmpi ne, %parallel_loop3A_119, %parallel_loop3A_126 : i32
        %parallel_loop3A_128 = arith.remsi %parallel_loop3A_110, %parallel_loop3A_111 : i32
        %parallel_loop3A_129 = arith.constant 0 : i32
        %parallel_loop3A_130 = arith.cmpi ne, %parallel_loop3A_128, %parallel_loop3A_129 : i32
        %parallel_loop3A_131 = arith.andi %parallel_loop3A_127, %parallel_loop3A_130 : i1
        %parallel_loop3A_132 = arith.constant 1 : i32
        %parallel_loop3A_133 = arith.subi %parallel_loop3A_112, %parallel_loop3A_132 : i32
        %parallel_loop3A_134 = arith.select %parallel_loop3A_131, %parallel_loop3A_133, %parallel_loop3A_112 : i32
        %parallel_loop3A_135 = arith.constant 8 : i32
        %parallel_loop3A_136 = arith.constant 0 : i32
        %parallel_loop3A_137 = arith.cmpi eq, %parallel_loop3A_135, %parallel_loop3A_136 : i32
        %parallel_loop3A_138 = arith.constant 1 : i32
        %parallel_loop3A_139 = arith.select %parallel_loop3A_137, %parallel_loop3A_138, %parallel_loop3A_135 : i32
        %parallel_loop3A_140 = arith.remsi %parallel_loop3A_110, %parallel_loop3A_139 : i32
        %parallel_loop3A_141 = arith.constant 0 : i32
        %parallel_loop3A_142 = arith.cmpi ne, %parallel_loop3A_140, %parallel_loop3A_141 : i32
        %parallel_loop3A_143 = arith.constant 0 : i32
        %parallel_loop3A_144 = arith.cmpi slt, %parallel_loop3A_140, %parallel_loop3A_143 : i32
        %parallel_loop3A_145 = arith.constant 0 : i32
        %parallel_loop3A_146 = arith.cmpi slt, %parallel_loop3A_139, %parallel_loop3A_145 : i32
        %parallel_loop3A_147 = arith.xori %parallel_loop3A_144, %parallel_loop3A_146 : i1
        %parallel_loop3A_148 = arith.andi %parallel_loop3A_147, %parallel_loop3A_142 : i1
        %parallel_loop3A_149 = arith.addi %parallel_loop3A_140, %parallel_loop3A_139 : i32
        %parallel_loop3A_150 = arith.select %parallel_loop3A_148, %parallel_loop3A_149, %parallel_loop3A_140 : i32
        %parallel_loop3A_151 = arith.index_cast %parallel_loop3A_134 : i32 to index
        %parallel_loop3A_152 = arith.index_cast %parallel_loop3A_150 : i32 to index
        %parallel_loop3A_153 = arith.index_cast %parallel_loop3A_107 : i32 to index
        %parallel_loop3A_154 = tpu.vector_load %arg6[%parallel_loop3A_151, %parallel_loop3A_152, %parallel_loop3A_153] {strides = array<i32>} : memref<25x8x128xi32, #tpu.memory_space<vmem>>, vector<16xi32>,
        %parallel_loop3A_155 = arith.constant 0 : i32
        %parallel_loop3A_156 = vector.broadcast %parallel_loop3A_155 : i32 to vector<16xi32>
        %parallel_loop3A_157 = tpu.vector_load_idx %arg5[%parallel_loop3A_154, %parallel_loop3A_156] : memref<1000x40xf32, #tpu.memory_space<vmem>>[vector<16xi32>, vector<16xi32>], vector<16xf32>,
        %parallel_loop3A_158 = arith.constant 0 : i32
        %parallel_loop3A_159 = arith.addi %parallel_loop3A_158, %parallel_loop3A_107 : i32
        %parallel_loop3A_160 = arith.constant 0 : i32
        %parallel_loop3A_161 = arith.index_cast %parallel_loop3A_89 : i32 to index
        %parallel_loop3A_162 = arith.index_cast %parallel_loop3A_160 : i32 to index
        %parallel_loop3A_163 = arith.index_cast %parallel_loop3A_159 : i32 to index
        %parallel_loop3A_164 = tpu.vector_load %arg7[%parallel_loop3A_161, %parallel_loop3A_162, %parallel_loop3A_163] {strides = array<i32>} : memref<5x4x1024xf32, #tpu.memory_space<vmem>>, vector<16xf32>,
        tpu.vector_store %arg7[%parallel_loop3A_161, %parallel_loop3A_162, %parallel_loop3A_163], %parallel_loop3A_157 {strides = array<i32>} : memref<5x4x1024xf32, #tpu.memory_space<vmem>>, vector<16xf32>,
        %parallel_loop3A_165 = arith.constant 1 : i32
        %parallel_loop3A_166 = vector.broadcast %parallel_loop3A_165 : i32 to vector<16xi32>
        %parallel_loop3A_167 = tpu.vector_load_idx %arg5[%parallel_loop3A_154, %parallel_loop3A_166] : memref<1000x40xf32, #tpu.memory_space<vmem>>[vector<16xi32>, vector<16xi32>], vector<16xf32>,
        %parallel_loop3A_168 = arith.constant 128 : i32
        %parallel_loop3A_169 = arith.addi %parallel_loop3A_168, %parallel_loop3A_107 : i32
        %parallel_loop3A_170 = arith.constant 0 : i32
        %parallel_loop3A_171 = arith.index_cast %parallel_loop3A_89 : i32 to index
        %parallel_loop3A_172 = arith.index_cast %parallel_loop3A_170 : i32 to index
        %parallel_loop3A_173 = arith.index_cast %parallel_loop3A_169 : i32 to index
        %parallel_loop3A_174 = tpu.vector_load %arg7[%parallel_loop3A_171, %parallel_loop3A_172, %parallel_loop3A_173] {strides = array<i32>} : memref<5x4x1024xf32, #tpu.memory_space<vmem>>, vector<16xf32>,
        tpu.vector_store %arg7[%parallel_loop3A_171, %parallel_loop3A_172, %parallel_loop3A_173], %parallel_loop3A_167 {strides = array<i32>} : memref<5x4x1024xf32, #tpu.memory_space<vmem>>, vector<16xf32>,
        %parallel_loop3A_175 = arith.constant 2 : i32
        %parallel_loop3A_176 = vector.broadcast %parallel_loop3A_175 : i32 to vector<16xi32>
        %parallel_loop3A_177 = tpu.vector_load_idx %arg5[%parallel_loop3A_154, %parallel_loop3A_176] : memref<1000x40xf32, #tpu.memory_space<vmem>>[vector<16xi32>, vector<16xi32>], vector<16xf32>,
        %parallel_loop3A_178 = arith.constant 256 : i32
        %parallel_loop3A_179 = arith.addi %parallel_loop3A_178, %parallel_loop3A_107 : i32
        %parallel_loop3A_180 = arith.constant 0 : i32
        %parallel_loop3A_181 = arith.index_cast %parallel_loop3A_89 : i32 to index
        %parallel_loop3A_182 = arith.index_cast %parallel_loop3A_180 : i32 to index
        %parallel_loop3A_183 = arith.index_cast %parallel_loop3A_179 : i32 to index
        %parallel_loop3A_184 = tpu.vector_load %arg7[%parallel_loop3A_181, %parallel_loop3A_182, %parallel_loop3A_183] {strides = array<i32>} : memref<5x4x1024xf32, #tpu.memory_space<vmem>>, vector<16xf32>,
        tpu.vector_store %arg7[%parallel_loop3A_181, %parallel_loop3A_182, %parallel_loop3A_183], %parallel_loop3A_177 {strides = array<i32>} : memref<5x4x1024xf32, #tpu.memory_space<vmem>>, vector<16xf32>,
        %parallel_loop3A_185 = arith.constant 3 : i32
        %parallel_loop3A_186 = vector.broadcast %parallel_loop3A_185 : i32 to vector<16xi32>
        %parallel_loop3A_187 = tpu.vector_load_idx %arg5[%parallel_loop3A_154, %parallel_loop3A_186] : memref<1000x40xf32, #tpu.memory_space<vmem>>[vector<16xi32>, vector<16xi32>], vector<16xf32>,
        %parallel_loop3A_188 = arith.constant 384 : i32
        %parallel_loop3A_189 = arith.addi %parallel_loop3A_188, %parallel_loop3A_107 : i32
        %parallel_loop3A_190 = arith.constant 0 : i32
        %parallel_loop3A_191 = arith.index_cast %parallel_loop3A_89 : i32 to index
        %parallel_loop3A_192 = arith.index_cast %parallel_loop3A_190 : i32 to index
        %parallel_loop3A_193 = arith.index_cast %parallel_loop3A_189 : i32 to index
        %parallel_loop3A_194 = tpu.vector_load %arg7[%parallel_loop3A_191, %parallel_loop3A_192, %parallel_loop3A_193] {strides = array<i32>} : memref<5x4x1024xf32, #tpu.memory_space<vmem>>, vector<16xf32>,
        tpu.vector_store %arg7[%parallel_loop3A_191, %parallel_loop3A_192, %parallel_loop3A_193], %parallel_loop3A_187 {strides = array<i32>} : memref<5x4x1024xf32, #tpu.memory_space<vmem>>, vector<16xf32>,
        %parallel_loop3A_195 = arith.constant 4 : i32
        %parallel_loop3A_196 = vector.broadcast %parallel_loop3A_195 : i32 to vector<16xi32>
        %parallel_loop3A_197 = tpu.vector_load_idx %arg5[%parallel_loop3A_154, %parallel_loop3A_196] : memref<1000x40xf32, #tpu.memory_space<vmem>>[vector<16xi32>, vector<16xi32>], vector<16xf32>,
        %parallel_loop3A_198 = arith.constant 512 : i32
        %parallel_loop3A_199 = arith.addi %parallel_loop3A_198, %parallel_loop3A_107 : i32
        %parallel_loop3A_200 = arith.constant 0 : i32
        %parallel_loop3A_201 = arith.index_cast %parallel_loop3A_89 : i32 to index
        %parallel_loop3A_202 = arith.index_cast %parallel_loop3A_200 : i32 to index
        %parallel_loop3A_203 = arith.index_cast %parallel_loop3A_199 : i32 to index
        %parallel_loop3A_204 = tpu.vector_load %arg7[%parallel_loop3A_201, %parallel_loop3A_202, %parallel_loop3A_203] {strides = array<i32>} : memref<5x4x1024xf32, #tpu.memory_space<vmem>>, vector<16xf32>,
        tpu.vector_store %arg7[%parallel_loop3A_201, %parallel_loop3A_202, %parallel_loop3A_203], %parallel_loop3A_197 {strides = array<i32>} : memref<5x4x1024xf32, #tpu.memory_space<vmem>>, vector<16xf32>,
        %parallel_loop3A_205 = arith.constant 5 : i32
        %parallel_loop3A_206 = vector.broadcast %parallel_loop3A_205 : i32 to vector<16xi32>
        %parallel_loop3A_207 = tpu.vector_load_idx %arg5[%parallel_loop3A_154, %parallel_loop3A_206] : memref<1000x40xf32, #tpu.memory_space<vmem>>[vector<16xi32>, vector<16xi32>], vector<16xf32>,
        %parallel_loop3A_208 = arith.constant 640 : i32
        %parallel_loop3A_209 = arith.addi %parallel_loop3A_208, %parallel_loop3A_107 : i32
        %parallel_loop3A_210 = arith.constant 0 : i32
        %parallel_loop3A_211 = arith.index_cast %parallel_loop3A_89 : i32 to index
        %parallel_loop3A_212 = arith.index_cast %parallel_loop3A_210 : i32 to index
        %parallel_loop3A_213 = arith.index_cast %parallel_loop3A_209 : i32 to index
        %parallel_loop3A_214 = tpu.vector_load %arg7[%parallel_loop3A_211, %parallel_loop3A_212, %parallel_loop3A_213] {strides = array<i32>} : memref<5x4x1024xf32, #tpu.memory_space<vmem>>, vector<16xf32>,
        tpu.vector_store %arg7[%parallel_loop3A_211, %parallel_loop3A_212, %parallel_loop3A_213], %parallel_loop3A_207 {strides = array<i32>} : memref<5x4x1024xf32, #tpu.memory_space<vmem>>, vector<16xf32>,
        %parallel_loop3A_215 = arith.constant 6 : i32
        %parallel_loop3A_216 = vector.broadcast %parallel_loop3A_215 : i32 to vector<16xi32>
        %parallel_loop3A_217 = tpu.vector_load_idx %arg5[%parallel_loop3A_154, %parallel_loop3A_216] : memref<1000x40xf32, #tpu.memory_space<vmem>>[vector<16xi32>, vector<16xi32>], vector<16xf32>,
        %parallel_loop3A_218 = arith.constant 768 : i32
        %parallel_loop3A_219 = arith.addi %parallel_loop3A_218, %parallel_loop3A_107 : i32
        %parallel_loop3A_220 = arith.constant 0 : i32
        %parallel_loop3A_221 = arith.index_cast %parallel_loop3A_89 : i32 to index
        %parallel_loop3A_222 = arith.index_cast %parallel_loop3A_220 : i32 to index
        %parallel_loop3A_223 = arith.index_cast %parallel_loop3A_219 : i32 to index
        %parallel_loop3A_224 = tpu.vector_load %arg7[%parallel_loop3A_221, %parallel_loop3A_222, %parallel_loop3A_223] {strides = array<i32>} : memref<5x4x1024xf32, #tpu.memory_space<vmem>>, vector<16xf32>,
        tpu.vector_store %arg7[%parallel_loop3A_221, %parallel_loop3A_222, %parallel_loop3A_223], %parallel_loop3A_217 {strides = array<i32>} : memref<5x4x1024xf32, #tpu.memory_space<vmem>>, vector<16xf32>,
        %parallel_loop3A_225 = arith.constant 7 : i32
        %parallel_loop3A_226 = vector.broadcast %parallel_loop3A_225 : i32 to vector<16xi32>
        %parallel_loop3A_227 = tpu.vector_load_idx %arg5[%parallel_loop3A_154, %parallel_loop3A_226] : memref<1000x40xf32, #tpu.memory_space<vmem>>[vector<16xi32>, vector<16xi32>], vector<16xf32>,
        %parallel_loop3A_228 = arith.constant 896 : i32
        %parallel_loop3A_229 = arith.addi %parallel_loop3A_228, %parallel_loop3A_107 : i32
        %parallel_loop3A_230 = arith.constant 0 : i32
        %parallel_loop3A_231 = arith.index_cast %parallel_loop3A_89 : i32 to index
        %parallel_loop3A_232 = arith.index_cast %parallel_loop3A_230 : i32 to index
        %parallel_loop3A_233 = arith.index_cast %parallel_loop3A_229 : i32 to index
        %parallel_loop3A_234 = tpu.vector_load %arg7[%parallel_loop3A_231, %parallel_loop3A_232, %parallel_loop3A_233] {strides = array<i32>} : memref<5x4x1024xf32, #tpu.memory_space<vmem>>, vector<16xf32>,
        tpu.vector_store %arg7[%parallel_loop3A_231, %parallel_loop3A_232, %parallel_loop3A_233], %parallel_loop3A_227 {strides = array<i32>} : memref<5x4x1024xf32, #tpu.memory_space<vmem>>, vector<16xf32>,
        %parallel_loop3A_235 = arith.constant 8 : i32
        %parallel_loop3A_236 = vector.broadcast %parallel_loop3A_235 : i32 to vector<16xi32>
        %parallel_loop3A_237 = tpu.vector_load_idx %arg5[%parallel_loop3A_154, %parallel_loop3A_236] : memref<1000x40xf32, #tpu.memory_space<vmem>>[vector<16xi32>, vector<16xi32>], vector<16xf32>,
        %parallel_loop3A_238 = arith.constant 0 : i32
        %parallel_loop3A_239 = arith.addi %parallel_loop3A_238, %parallel_loop3A_107 : i32
        %parallel_loop3A_240 = arith.constant 1 : i32
        %parallel_loop3A_241 = arith.index_cast %parallel_loop3A_89 : i32 to index
        %parallel_loop3A_242 = arith.index_cast %parallel_loop3A_240 : i32 to index
        %parallel_loop3A_243 = arith.index_cast %parallel_loop3A_239 : i32 to index
        %parallel_loop3A_244 = tpu.vector_load %arg7[%parallel_loop3A_241, %parallel_loop3A_242, %parallel_loop3A_243] {strides = array<i32>} : memref<5x4x1024xf32, #tpu.memory_space<vmem>>, vector<16xf32>,
        tpu.vector_store %arg7[%parallel_loop3A_241, %parallel_loop3A_242, %parallel_loop3A_243], %parallel_loop3A_237 {strides = array<i32>} : memref<5x4x1024xf32, #tpu.memory_space<vmem>>, vector<16xf32>,
        %parallel_loop3A_245 = arith.constant 9 : i32
        %parallel_loop3A_246 = vector.broadcast %parallel_loop3A_245 : i32 to vector<16xi32>
        %parallel_loop3A_247 = tpu.vector_load_idx %arg5[%parallel_loop3A_154, %parallel_loop3A_246] : memref<1000x40xf32, #tpu.memory_space<vmem>>[vector<16xi32>, vector<16xi32>], vector<16xf32>,
        %parallel_loop3A_248 = arith.constant 128 : i32
        %parallel_loop3A_249 = arith.addi %parallel_loop3A_248, %parallel_loop3A_107 : i32
        %parallel_loop3A_250 = arith.constant 1 : i32
        %parallel_loop3A_251 = arith.index_cast %parallel_loop3A_89 : i32 to index
        %parallel_loop3A_252 = arith.index_cast %parallel_loop3A_250 : i32 to index
        %parallel_loop3A_253 = arith.index_cast %parallel_loop3A_249 : i32 to index
        %parallel_loop3A_254 = tpu.vector_load %arg7[%parallel_loop3A_251, %parallel_loop3A_252, %parallel_loop3A_253] {strides = array<i32>} : memref<5x4x1024xf32, #tpu.memory_space<vmem>>, vector<16xf32>,
        tpu.vector_store %arg7[%parallel_loop3A_251, %parallel_loop3A_252, %parallel_loop3A_253], %parallel_loop3A_247 {strides = array<i32>} : memref<5x4x1024xf32, #tpu.memory_space<vmem>>, vector<16xf32>,
        %parallel_loop3A_255 = arith.constant 10 : i32
        %parallel_loop3A_256 = vector.broadcast %parallel_loop3A_255 : i32 to vector<16xi32>
        %parallel_loop3A_257 = tpu.vector_load_idx %arg5[%parallel_loop3A_154, %parallel_loop3A_256] : memref<1000x40xf32, #tpu.memory_space<vmem>>[vector<16xi32>, vector<16xi32>], vector<16xf32>,
        %parallel_loop3A_258 = arith.constant 256 : i32
        %parallel_loop3A_259 = arith.addi %parallel_loop3A_258, %parallel_loop3A_107 : i32
        %parallel_loop3A_260 = arith.constant 1 : i32
        %parallel_loop3A_261 = arith.index_cast %parallel_loop3A_89 : i32 to index
        %parallel_loop3A_262 = arith.index_cast %parallel_loop3A_260 : i32 to index
        %parallel_loop3A_263 = arith.index_cast %parallel_loop3A_259 : i32 to index
        %parallel_loop3A_264 = tpu.vector_load %arg7[%parallel_loop3A_261, %parallel_loop3A_262, %parallel_loop3A_263] {strides = array<i32>} : memref<5x4x1024xf32, #tpu.memory_space<vmem>>, vector<16xf32>,
        tpu.vector_store %arg7[%parallel_loop3A_261, %parallel_loop3A_262, %parallel_loop3A_263], %parallel_loop3A_257 {strides = array<i32>} : memref<5x4x1024xf32, #tpu.memory_space<vmem>>, vector<16xf32>,
        %parallel_loop3A_265 = arith.constant 11 : i32
        %parallel_loop3A_266 = vector.broadcast %parallel_loop3A_265 : i32 to vector<16xi32>
        %parallel_loop3A_267 = tpu.vector_load_idx %arg5[%parallel_loop3A_154, %parallel_loop3A_266] : memref<1000x40xf32, #tpu.memory_space<vmem>>[vector<16xi32>, vector<16xi32>], vector<16xf32>,
        %parallel_loop3A_268 = arith.constant 384 : i32
        %parallel_loop3A_269 = arith.addi %parallel_loop3A_268, %parallel_loop3A_107 : i32
        %parallel_loop3A_270 = arith.constant 1 : i32
        %parallel_loop3A_271 = arith.index_cast %parallel_loop3A_89 : i32 to index
        %parallel_loop3A_272 = arith.index_cast %parallel_loop3A_270 : i32 to index
        %parallel_loop3A_273 = arith.index_cast %parallel_loop3A_269 : i32 to index
        %parallel_loop3A_274 = tpu.vector_load %arg7[%parallel_loop3A_271, %parallel_loop3A_272, %parallel_loop3A_273] {strides = array<i32>} : memref<5x4x1024xf32, #tpu.memory_space<vmem>>, vector<16xf32>,
        tpu.vector_store %arg7[%parallel_loop3A_271, %parallel_loop3A_272, %parallel_loop3A_273], %parallel_loop3A_267 {strides = array<i32>} : memref<5x4x1024xf32, #tpu.memory_space<vmem>>, vector<16xf32>,
        %parallel_loop3A_275 = arith.constant 12 : i32
        %parallel_loop3A_276 = vector.broadcast %parallel_loop3A_275 : i32 to vector<16xi32>
        %parallel_loop3A_277 = tpu.vector_load_idx %arg5[%parallel_loop3A_154, %parallel_loop3A_276] : memref<1000x40xf32, #tpu.memory_space<vmem>>[vector<16xi32>, vector<16xi32>], vector<16xf32>,
        %parallel_loop3A_278 = arith.constant 512 : i32
        %parallel_loop3A_279 = arith.addi %parallel_loop3A_278, %parallel_loop3A_107 : i32
        %parallel_loop3A_280 = arith.constant 1 : i32
        %parallel_loop3A_281 = arith.index_cast %parallel_loop3A_89 : i32 to index
        %parallel_loop3A_282 = arith.index_cast %parallel_loop3A_280 : i32 to index
        %parallel_loop3A_283 = arith.index_cast %parallel_loop3A_279 : i32 to index
        %parallel_loop3A_284 = tpu.vector_load %arg7[%parallel_loop3A_281, %parallel_loop3A_282, %parallel_loop3A_283] {strides = array<i32>} : memref<5x4x1024xf32, #tpu.memory_space<vmem>>, vector<16xf32>,
        tpu.vector_store %arg7[%parallel_loop3A_281, %parallel_loop3A_282, %parallel_loop3A_283], %parallel_loop3A_277 {strides = array<i32>} : memref<5x4x1024xf32, #tpu.memory_space<vmem>>, vector<16xf32>,
        %parallel_loop3A_285 = arith.constant 13 : i32
        %parallel_loop3A_286 = vector.broadcast %parallel_loop3A_285 : i32 to vector<16xi32>
        %parallel_loop3A_287 = tpu.vector_load_idx %arg5[%parallel_loop3A_154, %parallel_loop3A_286] : memref<1000x40xf32, #tpu.memory_space<vmem>>[vector<16xi32>, vector<16xi32>], vector<16xf32>,
        %parallel_loop3A_288 = arith.constant 640 : i32
        %parallel_loop3A_289 = arith.addi %parallel_loop3A_288, %parallel_loop3A_107 : i32
        %parallel_loop3A_290 = arith.constant 1 : i32
        %parallel_loop3A_291 = arith.index_cast %parallel_loop3A_89 : i32 to index
        %parallel_loop3A_292 = arith.index_cast %parallel_loop3A_290 : i32 to index
        %parallel_loop3A_293 = arith.index_cast %parallel_loop3A_289 : i32 to index
        %parallel_loop3A_294 = tpu.vector_load %arg7[%parallel_loop3A_291, %parallel_loop3A_292, %parallel_loop3A_293] {strides = array<i32>} : memref<5x4x1024xf32, #tpu.memory_space<vmem>>, vector<16xf32>,
        tpu.vector_store %arg7[%parallel_loop3A_291, %parallel_loop3A_292, %parallel_loop3A_293], %parallel_loop3A_287 {strides = array<i32>} : memref<5x4x1024xf32, #tpu.memory_space<vmem>>, vector<16xf32>,
        %parallel_loop3A_295 = arith.constant 14 : i32
        %parallel_loop3A_296 = vector.broadcast %parallel_loop3A_295 : i32 to vector<16xi32>
        %parallel_loop3A_297 = tpu.vector_load_idx %arg5[%parallel_loop3A_154, %parallel_loop3A_296] : memref<1000x40xf32, #tpu.memory_space<vmem>>[vector<16xi32>, vector<16xi32>], vector<16xf32>,
        %parallel_loop3A_298 = arith.constant 768 : i32
        %parallel_loop3A_299 = arith.addi %parallel_loop3A_298, %parallel_loop3A_107 : i32
        %parallel_loop3A_300 = arith.constant 1 : i32
        %parallel_loop3A_301 = arith.index_cast %parallel_loop3A_89 : i32 to index
        %parallel_loop3A_302 = arith.index_cast %parallel_loop3A_300 : i32 to index
        %parallel_loop3A_303 = arith.index_cast %parallel_loop3A_299 : i32 to index
        %parallel_loop3A_304 = tpu.vector_load %arg7[%parallel_loop3A_301, %parallel_loop3A_302, %parallel_loop3A_303] {strides = array<i32>} : memref<5x4x1024xf32, #tpu.memory_space<vmem>>, vector<16xf32>,
        tpu.vector_store %arg7[%parallel_loop3A_301, %parallel_loop3A_302, %parallel_loop3A_303], %parallel_loop3A_297 {strides = array<i32>} : memref<5x4x1024xf32, #tpu.memory_space<vmem>>, vector<16xf32>,
        %parallel_loop3A_305 = arith.constant 15 : i32
        %parallel_loop3A_306 = vector.broadcast %parallel_loop3A_305 : i32 to vector<16xi32>
        %parallel_loop3A_307 = tpu.vector_load_idx %arg5[%parallel_loop3A_154, %parallel_loop3A_306] : memref<1000x40xf32, #tpu.memory_space<vmem>>[vector<16xi32>, vector<16xi32>], vector<16xf32>,
        %parallel_loop3A_308 = arith.constant 896 : i32
        %parallel_loop3A_309 = arith.addi %parallel_loop3A_308, %parallel_loop3A_107 : i32
        %parallel_loop3A_310 = arith.constant 1 : i32
        %parallel_loop3A_311 = arith.index_cast %parallel_loop3A_89 : i32 to index
        %parallel_loop3A_312 = arith.index_cast %parallel_loop3A_310 : i32 to index
        %parallel_loop3A_313 = arith.index_cast %parallel_loop3A_309 : i32 to index
        %parallel_loop3A_314 = tpu.vector_load %arg7[%parallel_loop3A_311, %parallel_loop3A_312, %parallel_loop3A_313] {strides = array<i32>} : memref<5x4x1024xf32, #tpu.memory_space<vmem>>, vector<16xf32>,
        tpu.vector_store %arg7[%parallel_loop3A_311, %parallel_loop3A_312, %parallel_loop3A_313], %parallel_loop3A_307 {strides = array<i32>} : memref<5x4x1024xf32, #tpu.memory_space<vmem>>, vector<16xf32>,
        %parallel_loop3A_315 = arith.constant 16 : i32
        %parallel_loop3A_316 = vector.broadcast %parallel_loop3A_315 : i32 to vector<16xi32>
        %parallel_loop3A_317 = tpu.vector_load_idx %arg5[%parallel_loop3A_154, %parallel_loop3A_316] : memref<1000x40xf32, #tpu.memory_space<vmem>>[vector<16xi32>, vector<16xi32>], vector<16xf32>,
        %parallel_loop3A_318 = arith.constant 0 : i32
        %parallel_loop3A_319 = arith.addi %parallel_loop3A_318, %parallel_loop3A_107 : i32
        %parallel_loop3A_320 = arith.constant 2 : i32
        %parallel_loop3A_321 = arith.index_cast %parallel_loop3A_89 : i32 to index
        %parallel_loop3A_322 = arith.index_cast %parallel_loop3A_320 : i32 to index
        %parallel_loop3A_323 = arith.index_cast %parallel_loop3A_319 : i32 to index
        %parallel_loop3A_324 = tpu.vector_load %arg7[%parallel_loop3A_321, %parallel_loop3A_322, %parallel_loop3A_323] {strides = array<i32>} : memref<5x4x1024xf32, #tpu.memory_space<vmem>>, vector<16xf32>,
        tpu.vector_store %arg7[%parallel_loop3A_321, %parallel_loop3A_322, %parallel_loop3A_323], %parallel_loop3A_317 {strides = array<i32>} : memref<5x4x1024xf32, #tpu.memory_space<vmem>>, vector<16xf32>,
        %parallel_loop3A_325 = arith.constant 17 : i32
        %parallel_loop3A_326 = vector.broadcast %parallel_loop3A_325 : i32 to vector<16xi32>
        %parallel_loop3A_327 = tpu.vector_load_idx %arg5[%parallel_loop3A_154, %parallel_loop3A_326] : memref<1000x40xf32, #tpu.memory_space<vmem>>[vector<16xi32>, vector<16xi32>], vector<16xf32>,
        %parallel_loop3A_328 = arith.constant 128 : i32
        %parallel_loop3A_329 = arith.addi %parallel_loop3A_328, %parallel_loop3A_107 : i32
        %parallel_loop3A_330 = arith.constant 2 : i32
        %parallel_loop3A_331 = arith.index_cast %parallel_loop3A_89 : i32 to index
        %parallel_loop3A_332 = arith.index_cast %parallel_loop3A_330 : i32 to index
        %parallel_loop3A_333 = arith.index_cast %parallel_loop3A_329 : i32 to index
        %parallel_loop3A_334 = tpu.vector_load %arg7[%parallel_loop3A_331, %parallel_loop3A_332, %parallel_loop3A_333] {strides = array<i32>} : memref<5x4x1024xf32, #tpu.memory_space<vmem>>, vector<16xf32>,
        tpu.vector_store %arg7[%parallel_loop3A_331, %parallel_loop3A_332, %parallel_loop3A_333], %parallel_loop3A_327 {strides = array<i32>} : memref<5x4x1024xf32, #tpu.memory_space<vmem>>, vector<16xf32>,
        %parallel_loop3A_335 = arith.constant 18 : i32
        %parallel_loop3A_336 = vector.broadcast %parallel_loop3A_335 : i32 to vector<16xi32>
        %parallel_loop3A_337 = tpu.vector_load_idx %arg5[%parallel_loop3A_154, %parallel_loop3A_336] : memref<1000x40xf32, #tpu.memory_space<vmem>>[vector<16xi32>, vector<16xi32>], vector<16xf32>,
        %parallel_loop3A_338 = arith.constant 256 : i32
        %parallel_loop3A_339 = arith.addi %parallel_loop3A_338, %parallel_loop3A_107 : i32
        %parallel_loop3A_340 = arith.constant 2 : i32
        %parallel_loop3A_341 = arith.index_cast %parallel_loop3A_89 : i32 to index
        %parallel_loop3A_342 = arith.index_cast %parallel_loop3A_340 : i32 to index
        %parallel_loop3A_343 = arith.index_cast %parallel_loop3A_339 : i32 to index
        %parallel_loop3A_344 = tpu.vector_load %arg7[%parallel_loop3A_341, %parallel_loop3A_342, %parallel_loop3A_343] {strides = array<i32>} : memref<5x4x1024xf32, #tpu.memory_space<vmem>>, vector<16xf32>,
        tpu.vector_store %arg7[%parallel_loop3A_341, %parallel_loop3A_342, %parallel_loop3A_343], %parallel_loop3A_337 {strides = array<i32>} : memref<5x4x1024xf32, #tpu.memory_space<vmem>>, vector<16xf32>,
        %parallel_loop3A_345 = arith.constant 19 : i32
        %parallel_loop3A_346 = vector.broadcast %parallel_loop3A_345 : i32 to vector<16xi32>
        %parallel_loop3A_347 = tpu.vector_load_idx %arg5[%parallel_loop3A_154, %parallel_loop3A_346] : memref<1000x40xf32, #tpu.memory_space<vmem>>[vector<16xi32>, vector<16xi32>], vector<16xf32>,
        %parallel_loop3A_348 = arith.constant 384 : i32
        %parallel_loop3A_349 = arith.addi %parallel_loop3A_348, %parallel_loop3A_107 : i32
        %parallel_loop3A_350 = arith.constant 2 : i32
        %parallel_loop3A_351 = arith.index_cast %parallel_loop3A_89 : i32 to index
        %parallel_loop3A_352 = arith.index_cast %parallel_loop3A_350 : i32 to index
        %parallel_loop3A_353 = arith.index_cast %parallel_loop3A_349 : i32 to index
        %parallel_loop3A_354 = tpu.vector_load %arg7[%parallel_loop3A_351, %parallel_loop3A_352, %parallel_loop3A_353] {strides = array<i32>} : memref<5x4x1024xf32, #tpu.memory_space<vmem>>, vector<16xf32>,
        tpu.vector_store %arg7[%parallel_loop3A_351, %parallel_loop3A_352, %parallel_loop3A_353], %parallel_loop3A_347 {strides = array<i32>} : memref<5x4x1024xf32, #tpu.memory_space<vmem>>, vector<16xf32>,
        %parallel_loop3A_355 = arith.constant 20 : i32
        %parallel_loop3A_356 = vector.broadcast %parallel_loop3A_355 : i32 to vector<16xi32>
        %parallel_loop3A_357 = tpu.vector_load_idx %arg5[%parallel_loop3A_154, %parallel_loop3A_356] : memref<1000x40xf32, #tpu.memory_space<vmem>>[vector<16xi32>, vector<16xi32>], vector<16xf32>,
        %parallel_loop3A_358 = arith.constant 512 : i32
        %parallel_loop3A_359 = arith.addi %parallel_loop3A_358, %parallel_loop3A_107 : i32
        %parallel_loop3A_360 = arith.constant 2 : i32
        %parallel_loop3A_361 = arith.index_cast %parallel_loop3A_89 : i32 to index
        %parallel_loop3A_362 = arith.index_cast %parallel_loop3A_360 : i32 to index
        %parallel_loop3A_363 = arith.index_cast %parallel_loop3A_359 : i32 to index
        %parallel_loop3A_364 = tpu.vector_load %arg7[%parallel_loop3A_361, %parallel_loop3A_362, %parallel_loop3A_363] {strides = array<i32>} : memref<5x4x1024xf32, #tpu.memory_space<vmem>>, vector<16xf32>,
        tpu.vector_store %arg7[%parallel_loop3A_361, %parallel_loop3A_362, %parallel_loop3A_363], %parallel_loop3A_357 {strides = array<i32>} : memref<5x4x1024xf32, #tpu.memory_space<vmem>>, vector<16xf32>,
        %parallel_loop3A_365 = arith.constant 21 : i32
        %parallel_loop3A_366 = vector.broadcast %parallel_loop3A_365 : i32 to vector<16xi32>
        %parallel_loop3A_367 = tpu.vector_load_idx %arg5[%parallel_loop3A_154, %parallel_loop3A_366] : memref<1000x40xf32, #tpu.memory_space<vmem>>[vector<16xi32>, vector<16xi32>], vector<16xf32>,
        %parallel_loop3A_368 = arith.constant 640 : i32
        %parallel_loop3A_369 = arith.addi %parallel_loop3A_368, %parallel_loop3A_107 : i32
        %parallel_loop3A_370 = arith.constant 2 : i32
        %parallel_loop3A_371 = arith.index_cast %parallel_loop3A_89 : i32 to index
        %parallel_loop3A_372 = arith.index_cast %parallel_loop3A_370 : i32 to index
        %parallel_loop3A_373 = arith.index_cast %parallel_loop3A_369 : i32 to index
        %parallel_loop3A_374 = tpu.vector_load %arg7[%parallel_loop3A_371, %parallel_loop3A_372, %parallel_loop3A_373] {strides = array<i32>} : memref<5x4x1024xf32, #tpu.memory_space<vmem>>, vector<16xf32>,
        tpu.vector_store %arg7[%parallel_loop3A_371, %parallel_loop3A_372, %parallel_loop3A_373], %parallel_loop3A_367 {strides = array<i32>} : memref<5x4x1024xf32, #tpu.memory_space<vmem>>, vector<16xf32>,
        %parallel_loop3A_375 = arith.constant 22 : i32
        %parallel_loop3A_376 = vector.broadcast %parallel_loop3A_375 : i32 to vector<16xi32>
        %parallel_loop3A_377 = tpu.vector_load_idx %arg5[%parallel_loop3A_154, %parallel_loop3A_376] : memref<1000x40xf32, #tpu.memory_space<vmem>>[vector<16xi32>, vector<16xi32>], vector<16xf32>,
        %parallel_loop3A_378 = arith.constant 768 : i32
        %parallel_loop3A_379 = arith.addi %parallel_loop3A_378, %parallel_loop3A_107 : i32
        %parallel_loop3A_380 = arith.constant 2 : i32
        %parallel_loop3A_381 = arith.index_cast %parallel_loop3A_89 : i32 to index
        %parallel_loop3A_382 = arith.index_cast %parallel_loop3A_380 : i32 to index
        %parallel_loop3A_383 = arith.index_cast %parallel_loop3A_379 : i32 to index
        %parallel_loop3A_384 = tpu.vector_load %arg7[%parallel_loop3A_381, %parallel_loop3A_382, %parallel_loop3A_383] {strides = array<i32>} : memref<5x4x1024xf32, #tpu.memory_space<vmem>>, vector<16xf32>,
        tpu.vector_store %arg7[%parallel_loop3A_381, %parallel_loop3A_382, %parallel_loop3A_383], %parallel_loop3A_377 {strides = array<i32>} : memref<5x4x1024xf32, #tpu.memory_space<vmem>>, vector<16xf32>,
        %parallel_loop3A_385 = arith.constant 23 : i32
        %parallel_loop3A_386 = vector.broadcast %parallel_loop3A_385 : i32 to vector<16xi32>
        %parallel_loop3A_387 = tpu.vector_load_idx %arg5[%parallel_loop3A_154, %parallel_loop3A_386] : memref<1000x40xf32, #tpu.memory_space<vmem>>[vector<16xi32>, vector<16xi32>], vector<16xf32>,
        %parallel_loop3A_388 = arith.constant 896 : i32
        %parallel_loop3A_389 = arith.addi %parallel_loop3A_388, %parallel_loop3A_107 : i32
        %parallel_loop3A_390 = arith.constant 2 : i32
        %parallel_loop3A_391 = arith.index_cast %parallel_loop3A_89 : i32 to index
        %parallel_loop3A_392 = arith.index_cast %parallel_loop3A_390 : i32 to index
        %parallel_loop3A_393 = arith.index_cast %parallel_loop3A_389 : i32 to index
        %parallel_loop3A_394 = tpu.vector_load %arg7[%parallel_loop3A_391, %parallel_loop3A_392, %parallel_loop3A_393] {strides = array<i32>} : memref<5x4x1024xf32, #tpu.memory_space<vmem>>, vector<16xf32>,
        tpu.vector_store %arg7[%parallel_loop3A_391, %parallel_loop3A_392, %parallel_loop3A_393], %parallel_loop3A_387 {strides = array<i32>} : memref<5x4x1024xf32, #tpu.memory_space<vmem>>, vector<16xf32>,
        %parallel_loop3A_395 = arith.constant 24 : i32
        %parallel_loop3A_396 = vector.broadcast %parallel_loop3A_395 : i32 to vector<16xi32>
        %parallel_loop3A_397 = tpu.vector_load_idx %arg5[%parallel_loop3A_154, %parallel_loop3A_396] : memref<1000x40xf32, #tpu.memory_space<vmem>>[vector<16xi32>, vector<16xi32>], vector<16xf32>,
        %parallel_loop3A_398 = arith.constant 0 : i32
        %parallel_loop3A_399 = arith.addi %parallel_loop3A_398, %parallel_loop3A_107 : i32
        %parallel_loop3A_400 = arith.constant 3 : i32
        %parallel_loop3A_401 = arith.index_cast %parallel_loop3A_89 : i32 to index
        %parallel_loop3A_402 = arith.index_cast %parallel_loop3A_400 : i32 to index
        %parallel_loop3A_403 = arith.index_cast %parallel_loop3A_399 : i32 to index
        %parallel_loop3A_404 = tpu.vector_load %arg7[%parallel_loop3A_401, %parallel_loop3A_402, %parallel_loop3A_403] {strides = array<i32>} : memref<5x4x1024xf32, #tpu.memory_space<vmem>>, vector<16xf32>,
        tpu.vector_store %arg7[%parallel_loop3A_401, %parallel_loop3A_402, %parallel_loop3A_403], %parallel_loop3A_397 {strides = array<i32>} : memref<5x4x1024xf32, #tpu.memory_space<vmem>>, vector<16xf32>,
        %parallel_loop3A_405 = arith.constant 25 : i32
        %parallel_loop3A_406 = vector.broadcast %parallel_loop3A_405 : i32 to vector<16xi32>
        %parallel_loop3A_407 = tpu.vector_load_idx %arg5[%parallel_loop3A_154, %parallel_loop3A_406] : memref<1000x40xf32, #tpu.memory_space<vmem>>[vector<16xi32>, vector<16xi32>], vector<16xf32>,
        %parallel_loop3A_408 = arith.constant 128 : i32
        %parallel_loop3A_409 = arith.addi %parallel_loop3A_408, %parallel_loop3A_107 : i32
        %parallel_loop3A_410 = arith.constant 3 : i32
        %parallel_loop3A_411 = arith.index_cast %parallel_loop3A_89 : i32 to index
        %parallel_loop3A_412 = arith.index_cast %parallel_loop3A_410 : i32 to index
        %parallel_loop3A_413 = arith.index_cast %parallel_loop3A_409 : i32 to index
        %parallel_loop3A_414 = tpu.vector_load %arg7[%parallel_loop3A_411, %parallel_loop3A_412, %parallel_loop3A_413] {strides = array<i32>} : memref<5x4x1024xf32, #tpu.memory_space<vmem>>, vector<16xf32>,
        tpu.vector_store %arg7[%parallel_loop3A_411, %parallel_loop3A_412, %parallel_loop3A_413], %parallel_loop3A_407 {strides = array<i32>} : memref<5x4x1024xf32, #tpu.memory_space<vmem>>, vector<16xf32>,
        %parallel_loop3A_415 = arith.constant 26 : i32
        %parallel_loop3A_416 = vector.broadcast %parallel_loop3A_415 : i32 to vector<16xi32>
        %parallel_loop3A_417 = tpu.vector_load_idx %arg5[%parallel_loop3A_154, %parallel_loop3A_416] : memref<1000x40xf32, #tpu.memory_space<vmem>>[vector<16xi32>, vector<16xi32>], vector<16xf32>,
        %parallel_loop3A_418 = arith.constant 256 : i32
        %parallel_loop3A_419 = arith.addi %parallel_loop3A_418, %parallel_loop3A_107 : i32
        %parallel_loop3A_420 = arith.constant 3 : i32
        %parallel_loop3A_421 = arith.index_cast %parallel_loop3A_89 : i32 to index
        %parallel_loop3A_422 = arith.index_cast %parallel_loop3A_420 : i32 to index
        %parallel_loop3A_423 = arith.index_cast %parallel_loop3A_419 : i32 to index
        %parallel_loop3A_424 = tpu.vector_load %arg7[%parallel_loop3A_421, %parallel_loop3A_422, %parallel_loop3A_423] {strides = array<i32>} : memref<5x4x1024xf32, #tpu.memory_space<vmem>>, vector<16xf32>,
        tpu.vector_store %arg7[%parallel_loop3A_421, %parallel_loop3A_422, %parallel_loop3A_423], %parallel_loop3A_417 {strides = array<i32>} : memref<5x4x1024xf32, #tpu.memory_space<vmem>>, vector<16xf32>,
        %parallel_loop3A_425 = arith.constant 27 : i32
        %parallel_loop3A_426 = vector.broadcast %parallel_loop3A_425 : i32 to vector<16xi32>
        %parallel_loop3A_427 = tpu.vector_load_idx %arg5[%parallel_loop3A_154, %parallel_loop3A_426] : memref<1000x40xf32, #tpu.memory_space<vmem>>[vector<16xi32>, vector<16xi32>], vector<16xf32>,
        %parallel_loop3A_428 = arith.constant 384 : i32
        %parallel_loop3A_429 = arith.addi %parallel_loop3A_428, %parallel_loop3A_107 : i32
        %parallel_loop3A_430 = arith.constant 3 : i32
        %parallel_loop3A_431 = arith.index_cast %parallel_loop3A_89 : i32 to index
        %parallel_loop3A_432 = arith.index_cast %parallel_loop3A_430 : i32 to index
        %parallel_loop3A_433 = arith.index_cast %parallel_loop3A_429 : i32 to index
        %parallel_loop3A_434 = tpu.vector_load %arg7[%parallel_loop3A_431, %parallel_loop3A_432, %parallel_loop3A_433] {strides = array<i32>} : memref<5x4x1024xf32, #tpu.memory_space<vmem>>, vector<16xf32>,
        tpu.vector_store %arg7[%parallel_loop3A_431, %parallel_loop3A_432, %parallel_loop3A_433], %parallel_loop3A_427 {strides = array<i32>} : memref<5x4x1024xf32, #tpu.memory_space<vmem>>, vector<16xf32>,
        %parallel_loop3A_435 = arith.constant 28 : i32
        %parallel_loop3A_436 = vector.broadcast %parallel_loop3A_435 : i32 to vector<16xi32>
        %parallel_loop3A_437 = tpu.vector_load_idx %arg5[%parallel_loop3A_154, %parallel_loop3A_436] : memref<1000x40xf32, #tpu.memory_space<vmem>>[vector<16xi32>, vector<16xi32>], vector<16xf32>,
        %parallel_loop3A_438 = arith.constant 512 : i32
        %parallel_loop3A_439 = arith.addi %parallel_loop3A_438, %parallel_loop3A_107 : i32
        %parallel_loop3A_440 = arith.constant 3 : i32
        %parallel_loop3A_441 = arith.index_cast %parallel_loop3A_89 : i32 to index
        %parallel_loop3A_442 = arith.index_cast %parallel_loop3A_440 : i32 to index
        %parallel_loop3A_443 = arith.index_cast %parallel_loop3A_439 : i32 to index
        %parallel_loop3A_444 = tpu.vector_load %arg7[%parallel_loop3A_441, %parallel_loop3A_442, %parallel_loop3A_443] {strides = array<i32>} : memref<5x4x1024xf32, #tpu.memory_space<vmem>>, vector<16xf32>,
        tpu.vector_store %arg7[%parallel_loop3A_441, %parallel_loop3A_442, %parallel_loop3A_443], %parallel_loop3A_437 {strides = array<i32>} : memref<5x4x1024xf32, #tpu.memory_space<vmem>>, vector<16xf32>,
        %parallel_loop3A_445 = arith.constant 29 : i32
        %parallel_loop3A_446 = vector.broadcast %parallel_loop3A_445 : i32 to vector<16xi32>
        %parallel_loop3A_447 = tpu.vector_load_idx %arg5[%parallel_loop3A_154, %parallel_loop3A_446] : memref<1000x40xf32, #tpu.memory_space<vmem>>[vector<16xi32>, vector<16xi32>], vector<16xf32>,
        %parallel_loop3A_448 = arith.constant 640 : i32
        %parallel_loop3A_449 = arith.addi %parallel_loop3A_448, %parallel_loop3A_107 : i32
        %parallel_loop3A_450 = arith.constant 3 : i32
        %parallel_loop3A_451 = arith.index_cast %parallel_loop3A_89 : i32 to index
        %parallel_loop3A_452 = arith.index_cast %parallel_loop3A_450 : i32 to index
        %parallel_loop3A_453 = arith.index_cast %parallel_loop3A_449 : i32 to index
        %parallel_loop3A_454 = tpu.vector_load %arg7[%parallel_loop3A_451, %parallel_loop3A_452, %parallel_loop3A_453] {strides = array<i32>} : memref<5x4x1024xf32, #tpu.memory_space<vmem>>, vector<16xf32>,
        tpu.vector_store %arg7[%parallel_loop3A_451, %parallel_loop3A_452, %parallel_loop3A_453], %parallel_loop3A_447 {strides = array<i32>} : memref<5x4x1024xf32, #tpu.memory_space<vmem>>, vector<16xf32>,
        %parallel_loop3A_455 = arith.constant 30 : i32
        %parallel_loop3A_456 = vector.broadcast %parallel_loop3A_455 : i32 to vector<16xi32>
        %parallel_loop3A_457 = tpu.vector_load_idx %arg5[%parallel_loop3A_154, %parallel_loop3A_456] : memref<1000x40xf32, #tpu.memory_space<vmem>>[vector<16xi32>, vector<16xi32>], vector<16xf32>,
        %parallel_loop3A_458 = arith.constant 768 : i32
        %parallel_loop3A_459 = arith.addi %parallel_loop3A_458, %parallel_loop3A_107 : i32
        %parallel_loop3A_460 = arith.constant 3 : i32
        %parallel_loop3A_461 = arith.index_cast %parallel_loop3A_89 : i32 to index
        %parallel_loop3A_462 = arith.index_cast %parallel_loop3A_460 : i32 to index
        %parallel_loop3A_463 = arith.index_cast %parallel_loop3A_459 : i32 to index
        %parallel_loop3A_464 = tpu.vector_load %arg7[%parallel_loop3A_461, %parallel_loop3A_462, %parallel_loop3A_463] {strides = array<i32>} : memref<5x4x1024xf32, #tpu.memory_space<vmem>>, vector<16xf32>,
        tpu.vector_store %arg7[%parallel_loop3A_461, %parallel_loop3A_462, %parallel_loop3A_463], %parallel_loop3A_457 {strides = array<i32>} : memref<5x4x1024xf32, #tpu.memory_space<vmem>>, vector<16xf32>,
        %parallel_loop3A_465 = arith.constant 31 : i32
        %parallel_loop3A_466 = vector.broadcast %parallel_loop3A_465 : i32 to vector<16xi32>
        %parallel_loop3A_467 = tpu.vector_load_idx %arg5[%parallel_loop3A_154, %parallel_loop3A_466] : memref<1000x40xf32, #tpu.memory_space<vmem>>[vector<16xi32>, vector<16xi32>], vector<16xf32>,
        %parallel_loop3A_468 = arith.constant 896 : i32
        %parallel_loop3A_469 = arith.addi %parallel_loop3A_468, %parallel_loop3A_107 : i32
        %parallel_loop3A_470 = arith.constant 3 : i32
        %parallel_loop3A_471 = arith.index_cast %parallel_loop3A_89 : i32 to index
        %parallel_loop3A_472 = arith.index_cast %parallel_loop3A_470 : i32 to index
        %parallel_loop3A_473 = arith.index_cast %parallel_loop3A_469 : i32 to index
        %parallel_loop3A_474 = tpu.vector_load %arg7[%parallel_loop3A_471, %parallel_loop3A_472, %parallel_loop3A_473] {strides = array<i32>} : memref<5x4x1024xf32, #tpu.memory_space<vmem>>, vector<16xf32>,
        tpu.vector_store %arg7[%parallel_loop3A_471, %parallel_loop3A_472, %parallel_loop3A_473], %parallel_loop3A_467 {strides = array<i32>} : memref<5x4x1024xf32, #tpu.memory_space<vmem>>, vector<16xf32>,
      } {sc.loop_unroll_factor = 1 : i64, sc.parallel_access}
      %gt3A_34 = arith.constant 0 : i32
      %gt3A_35 = arith.cmpi sgt, %scan3A_27, %gt3A_34 : i32
      %convert_element_type3A_36 = arith.extui %gt3A_35 : i1 to i32
      %cond3A_37 = arith.constant 0 : i32
      %cond3A_38 = arith.cmpi ne, %convert_element_type3A_36, %cond3A_37 : i32
      scf.if %cond3A_38 {
        %dma_wait3A_65 = arith.constant 0 : i32
        %dma_wait3A_66 = arith.constant 0 : i32
        %dma_wait3A_67 = arith.constant 0 : i32
        %dma_wait3A_68 = arith.constant 0 : i32
        %dma_wait3A_69 = tpu.memref_slice %arg4[%dma_wait3A_66, %dma_wait3A_67, %dma_wait3A_65, %dma_wait3A_68] : memref<200x4x32x1024xf32, #tpu.memory_space<hbm>> -> memref<5x4x1x1024xf32, #tpu.memory_space<hbm>>
        %dma_wait3A_70 = tpu.memref_squeeze %dma_wait3A_69 : memref<5x4x1x1024xf32, #tpu.memory_space<hbm>> -> memref<5x4x1024xf32, #tpu.memory_space<hbm>>
        %dma_wait3A_71 = arith.constant 0 : i32
        %dma_wait3A_72 = arith.constant 0 : i32
        %dma_wait3A_73 = arith.constant 0 : i32
        %dma_wait3A_74 = tpu.memref_slice %arg4[%dma_wait3A_71, %dma_wait3A_72, %dma_wait3A_65, %dma_wait3A_73] : memref<200x4x32x1024xf32, #tpu.memory_space<hbm>> -> memref<5x4x1x1024xf32, #tpu.memory_space<hbm>>
        %dma_wait3A_75 = tpu.memref_squeeze %dma_wait3A_74 : memref<5x4x1x1024xf32, #tpu.memory_space<hbm>> -> memref<5x4x1024xf32, #tpu.memory_space<hbm>>
        tpu.wait_dma2 semaphore(%arg10 : memref<!tpu.dma_semaphore, #tpu.memory_space<semaphore_mem>>) src(%arg8 : memref<5x4x1024xf32, #tpu.memory_space<vmem>>) dst(%dma_wait3A_75 : memref<5x4x1024xf32, #tpu.memory_space<hbm>>)
      } else {
      }
      %mul3A_39 = arith.constant 5 : i32
      %mul3A_40 = arith.muli %mul3A_29, %mul3A_39 : i32
      %dma_start3A = arith.constant 0 : i32
      %dma_start3A_41 = arith.constant 0 : i32
      %dma_start3A_42 = tpu.memref_slice %arg4[%mul3A_40, %dma_start3A, %add3A, %dma_start3A_41] : memref<200x4x32x1024xf32, #tpu.memory_space<hbm>> -> memref<5x4x1x1024xf32, #tpu.memory_space<hbm>>
      %dma_start3A_43 = tpu.memref_squeeze %dma_start3A_42 : memref<5x4x1x1024xf32, #tpu.memory_space<hbm>> -> memref<5x4x1024xf32, #tpu.memory_space<hbm>>
      %dma_start3A_44 = arith.constant 0 : i32
      %dma_start3A_45 = arith.constant 0 : i32
      %dma_start3A_46 = tpu.memref_slice %arg4[%mul3A_40, %dma_start3A_44, %add3A, %dma_start3A_45] : memref<200x4x32x1024xf32, #tpu.memory_space<hbm>> -> memref<5x4x1x1024xf32, #tpu.memory_space<hbm>>
      %dma_start3A_47 = tpu.memref_squeeze %dma_start3A_46 : memref<5x4x1x1024xf32, #tpu.memory_space<hbm>> -> memref<5x4x1024xf32, #tpu.memory_space<hbm>>
      tpu.enqueue_dma source(%arg7 : memref<5x4x1024xf32, #tpu.memory_space<vmem>>) target(%dma_start3A_47 : memref<5x4x1024xf32, #tpu.memory_space<hbm>>) target_semaphore(%arg9 : memref<!tpu.dma_semaphore, #tpu.memory_space<semaphore_mem>>)
      %add3A_48 = arith.constant 1 : i32
      %add3A_49 = arith.addi %mul3A_29, %add3A_48 : i32
      %parallel_loop3A_50 = arith.constant 0 : i32
      %parallel_loop3A_51 = arith.constant 40 : i32
      %parallel_loop3A_52 = arith.constant 1 : i32
      scf.for %parallel_loop3A_65 = %parallel_loop3A_50 to %parallel_loop3A_51 step %parallel_loop3A_52  : i32 {
        %parallel_loop3A_66 = arith.constant 8 : i32
        %parallel_loop3A_67 = arith.divsi %parallel_loop3A_65, %parallel_loop3A_66 : i32
        %parallel_loop3A_68 = arith.constant 0 : i32
        %parallel_loop3A_69 = arith.cmpi sgt, %parallel_loop3A_65, %parallel_loop3A_68 : i32
        %parallel_loop3A_70 = arith.extui %parallel_loop3A_69 : i1 to i32
        %parallel_loop3A_71 = arith.constant 0 : i32
        %parallel_loop3A_72 = arith.cmpi slt, %parallel_loop3A_65, %parallel_loop3A_71 : i32
        %parallel_loop3A_73 = arith.extui %parallel_loop3A_72 : i1 to i32
        %parallel_loop3A_74 = arith.subi %parallel_loop3A_70, %parallel_loop3A_73 : i32
        %parallel_loop3A_75 = arith.constant 0 : i32
        %parallel_loop3A_76 = arith.cmpi sgt, %parallel_loop3A_66, %parallel_loop3A_75 : i32
        %parallel_loop3A_77 = arith.extui %parallel_loop3A_76 : i1 to i32
        %parallel_loop3A_78 = arith.constant 0 : i32
        %parallel_loop3A_79 = arith.cmpi slt, %parallel_loop3A_66, %parallel_loop3A_78 : i32
        %parallel_loop3A_80 = arith.extui %parallel_loop3A_79 : i1 to i32
        %parallel_loop3A_81 = arith.subi %parallel_loop3A_77, %parallel_loop3A_80 : i32
        %parallel_loop3A_82 = arith.cmpi ne, %parallel_loop3A_74, %parallel_loop3A_81 : i32
        %parallel_loop3A_83 = arith.remsi %parallel_loop3A_65, %parallel_loop3A_66 : i32
        %parallel_loop3A_84 = arith.constant 0 : i32
        %parallel_loop3A_85 = arith.cmpi ne, %parallel_loop3A_83, %parallel_loop3A_84 : i32
        %parallel_loop3A_86 = arith.andi %parallel_loop3A_82, %parallel_loop3A_85 : i1
        %parallel_loop3A_87 = arith.constant 1 : i32
        %parallel_loop3A_88 = arith.subi %parallel_loop3A_67, %parallel_loop3A_87 : i32
        %parallel_loop3A_89 = arith.select %parallel_loop3A_86, %parallel_loop3A_88, %parallel_loop3A_67 : i32
        %parallel_loop3A_90 = arith.constant 8 : i32
        %parallel_loop3A_91 = arith.constant 0 : i32
        %parallel_loop3A_92 = arith.cmpi eq, %parallel_loop3A_90, %parallel_loop3A_91 : i32
        %parallel_loop3A_93 = arith.constant 1 : i32
        %parallel_loop3A_94 = arith.select %parallel_loop3A_92, %parallel_loop3A_93, %parallel_loop3A_90 : i32
        %parallel_loop3A_95 = arith.remsi %parallel_loop3A_65, %parallel_loop3A_94 : i32
        %parallel_loop3A_96 = arith.constant 0 : i32
        %parallel_loop3A_97 = arith.cmpi ne, %parallel_loop3A_95, %parallel_loop3A_96 : i32
        %parallel_loop3A_98 = arith.constant 0 : i32
        %parallel_loop3A_99 = arith.cmpi slt, %parallel_loop3A_95, %parallel_loop3A_98 : i32
        %parallel_loop3A_100 = arith.constant 0 : i32
        %parallel_loop3A_101 = arith.cmpi slt, %parallel_loop3A_94, %parallel_loop3A_100 : i32
        %parallel_loop3A_102 = arith.xori %parallel_loop3A_99, %parallel_loop3A_101 : i1
        %parallel_loop3A_103 = arith.andi %parallel_loop3A_102, %parallel_loop3A_97 : i1
        %parallel_loop3A_104 = arith.addi %parallel_loop3A_95, %parallel_loop3A_94 : i32
        %parallel_loop3A_105 = arith.select %parallel_loop3A_103, %parallel_loop3A_104, %parallel_loop3A_95 : i32
        %parallel_loop3A_106 = arith.constant 16 : i32
        %parallel_loop3A_107 = arith.muli %parallel_loop3A_105, %parallel_loop3A_106 : i32
        %parallel_loop3A_108 = arith.constant 5 : i32
        %parallel_loop3A_109 = arith.muli %add3A_49, %parallel_loop3A_108 : i32
        %parallel_loop3A_110 = arith.addi %parallel_loop3A_109, %parallel_loop3A_89 : i32
        %parallel_loop3A_111 = arith.constant 8 : i32
        %parallel_loop3A_112 = arith.divsi %parallel_loop3A_110, %parallel_loop3A_111 : i32
        %parallel_loop3A_113 = arith.constant 0 : i32
        %parallel_loop3A_114 = arith.cmpi sgt, %parallel_loop3A_110, %parallel_loop3A_113 : i32
        %parallel_loop3A_115 = arith.extui %parallel_loop3A_114 : i1 to i32
        %parallel_loop3A_116 = arith.constant 0 : i32
        %parallel_loop3A_117 = arith.cmpi slt, %parallel_loop3A_110, %parallel_loop3A_116 : i32
        %parallel_loop3A_118 = arith.extui %parallel_loop3A_117 : i1 to i32
        %parallel_loop3A_119 = arith.subi %parallel_loop3A_115, %parallel_loop3A_118 : i32
        %parallel_loop3A_120 = arith.constant 0 : i32
        %parallel_loop3A_121 = arith.cmpi sgt, %parallel_loop3A_111, %parallel_loop3A_120 : i32
        %parallel_loop3A_122 = arith.extui %parallel_loop3A_121 : i1 to i32
        %parallel_loop3A_123 = arith.constant 0 : i32
        %parallel_loop3A_124 = arith.cmpi slt, %parallel_loop3A_111, %parallel_loop3A_123 : i32
        %parallel_loop3A_125 = arith.extui %parallel_loop3A_124 : i1 to i32
        %parallel_loop3A_126 = arith.subi %parallel_loop3A_122, %parallel_loop3A_125 : i32
        %parallel_loop3A_127 = arith.cmpi ne, %parallel_loop3A_119, %parallel_loop3A_126 : i32
        %parallel_loop3A_128 = arith.remsi %parallel_loop3A_110, %parallel_loop3A_111 : i32
        %parallel_loop3A_129 = arith.constant 0 : i32
        %parallel_loop3A_130 = arith.cmpi ne, %parallel_loop3A_128, %parallel_loop3A_129 : i32
        %parallel_loop3A_131 = arith.andi %parallel_loop3A_127, %parallel_loop3A_130 : i1
        %parallel_loop3A_132 = arith.constant 1 : i32
        %parallel_loop3A_133 = arith.subi %parallel_loop3A_112, %parallel_loop3A_132 : i32
        %parallel_loop3A_134 = arith.select %parallel_loop3A_131, %parallel_loop3A_133, %parallel_loop3A_112 : i32
        %parallel_loop3A_135 = arith.constant 8 : i32
        %parallel_loop3A_136 = arith.constant 0 : i32
        %parallel_loop3A_137 = arith.cmpi eq, %parallel_loop3A_135, %parallel_loop3A_136 : i32
        %parallel_loop3A_138 = arith.constant 1 : i32
        %parallel_loop3A_139 = arith.select %parallel_loop3A_137, %parallel_loop3A_138, %parallel_loop3A_135 : i32
        %parallel_loop3A_140 = arith.remsi %parallel_loop3A_110, %parallel_loop3A_139 : i32
        %parallel_loop3A_141 = arith.constant 0 : i32
        %parallel_loop3A_142 = arith.cmpi ne, %parallel_loop3A_140, %parallel_loop3A_141 : i32
        %parallel_loop3A_143 = arith.constant 0 : i32
        %parallel_loop3A_144 = arith.cmpi slt, %parallel_loop3A_140, %parallel_loop3A_143 : i32
        %parallel_loop3A_145 = arith.constant 0 : i32
        %parallel_loop3A_146 = arith.cmpi slt, %parallel_loop3A_139, %parallel_loop3A_145 : i32
        %parallel_loop3A_147 = arith.xori %parallel_loop3A_144, %parallel_loop3A_146 : i1
        %parallel_loop3A_148 = arith.andi %parallel_loop3A_147, %parallel_loop3A_142 : i1
        %parallel_loop3A_149 = arith.addi %parallel_loop3A_140, %parallel_loop3A_139 : i32
        %parallel_loop3A_150 = arith.select %parallel_loop3A_148, %parallel_loop3A_149, %parallel_loop3A_140 : i32
        %parallel_loop3A_151 = arith.index_cast %parallel_loop3A_134 : i32 to index
        %parallel_loop3A_152 = arith.index_cast %parallel_loop3A_150 : i32 to index
        %parallel_loop3A_153 = arith.index_cast %parallel_loop3A_107 : i32 to index
        %parallel_loop3A_154 = tpu.vector_load %arg6[%parallel_loop3A_151, %parallel_loop3A_152, %parallel_loop3A_153] {strides = array<i32>} : memref<25x8x128xi32, #tpu.memory_space<vmem>>, vector<16xi32>,
        %parallel_loop3A_155 = arith.constant 0 : i32
        %parallel_loop3A_156 = vector.broadcast %parallel_loop3A_155 : i32 to vector<16xi32>
        %parallel_loop3A_157 = tpu.vector_load_idx %arg5[%parallel_loop3A_154, %parallel_loop3A_156] : memref<1000x40xf32, #tpu.memory_space<vmem>>[vector<16xi32>, vector<16xi32>], vector<16xf32>,
        %parallel_loop3A_158 = arith.constant 0 : i32
        %parallel_loop3A_159 = arith.addi %parallel_loop3A_158, %parallel_loop3A_107 : i32
        %parallel_loop3A_160 = arith.constant 0 : i32
        %parallel_loop3A_161 = arith.index_cast %parallel_loop3A_89 : i32 to index
        %parallel_loop3A_162 = arith.index_cast %parallel_loop3A_160 : i32 to index
        %parallel_loop3A_163 = arith.index_cast %parallel_loop3A_159 : i32 to index
        %parallel_loop3A_164 = tpu.vector_load %arg8[%parallel_loop3A_161, %parallel_loop3A_162, %parallel_loop3A_163] {strides = array<i32>} : memref<5x4x1024xf32, #tpu.memory_space<vmem>>, vector<16xf32>,
        tpu.vector_store %arg8[%parallel_loop3A_161, %parallel_loop3A_162, %parallel_loop3A_163], %parallel_loop3A_157 {strides = array<i32>} : memref<5x4x1024xf32, #tpu.memory_space<vmem>>, vector<16xf32>,
        %parallel_loop3A_165 = arith.constant 1 : i32
        %parallel_loop3A_166 = vector.broadcast %parallel_loop3A_165 : i32 to vector<16xi32>
        %parallel_loop3A_167 = tpu.vector_load_idx %arg5[%parallel_loop3A_154, %parallel_loop3A_166] : memref<1000x40xf32, #tpu.memory_space<vmem>>[vector<16xi32>, vector<16xi32>], vector<16xf32>,
        %parallel_loop3A_168 = arith.constant 128 : i32
        %parallel_loop3A_169 = arith.addi %parallel_loop3A_168, %parallel_loop3A_107 : i32
        %parallel_loop3A_170 = arith.constant 0 : i32
        %parallel_loop3A_171 = arith.index_cast %parallel_loop3A_89 : i32 to index
        %parallel_loop3A_172 = arith.index_cast %parallel_loop3A_170 : i32 to index
        %parallel_loop3A_173 = arith.index_cast %parallel_loop3A_169 : i32 to index
        %parallel_loop3A_174 = tpu.vector_load %arg8[%parallel_loop3A_171, %parallel_loop3A_172, %parallel_loop3A_173] {strides = array<i32>} : memref<5x4x1024xf32, #tpu.memory_space<vmem>>, vector<16xf32>,
        tpu.vector_store %arg8[%parallel_loop3A_171, %parallel_loop3A_172, %parallel_loop3A_173], %parallel_loop3A_167 {strides = array<i32>} : memref<5x4x1024xf32, #tpu.memory_space<vmem>>, vector<16xf32>,
        %parallel_loop3A_175 = arith.constant 2 : i32
        %parallel_loop3A_176 = vector.broadcast %parallel_loop3A_175 : i32 to vector<16xi32>
        %parallel_loop3A_177 = tpu.vector_load_idx %arg5[%parallel_loop3A_154, %parallel_loop3A_176] : memref<1000x40xf32, #tpu.memory_space<vmem>>[vector<16xi32>, vector<16xi32>], vector<16xf32>,
        %parallel_loop3A_178 = arith.constant 256 : i32
        %parallel_loop3A_179 = arith.addi %parallel_loop3A_178, %parallel_loop3A_107 : i32
        %parallel_loop3A_180 = arith.constant 0 : i32
        %parallel_loop3A_181 = arith.index_cast %parallel_loop3A_89 : i32 to index
        %parallel_loop3A_182 = arith.index_cast %parallel_loop3A_180 : i32 to index
        %parallel_loop3A_183 = arith.index_cast %parallel_loop3A_179 : i32 to index
        %parallel_loop3A_184 = tpu.vector_load %arg8[%parallel_loop3A_181, %parallel_loop3A_182, %parallel_loop3A_183] {strides = array<i32>} : memref<5x4x1024xf32, #tpu.memory_space<vmem>>, vector<16xf32>,
        tpu.vector_store %arg8[%parallel_loop3A_181, %parallel_loop3A_182, %parallel_loop3A_183], %parallel_loop3A_177 {strides = array<i32>} : memref<5x4x1024xf32, #tpu.memory_space<vmem>>, vector<16xf32>,
        %parallel_loop3A_185 = arith.constant 3 : i32
        %parallel_loop3A_186 = vector.broadcast %parallel_loop3A_185 : i32 to vector<16xi32>
        %parallel_loop3A_187 = tpu.vector_load_idx %arg5[%parallel_loop3A_154, %parallel_loop3A_186] : memref<1000x40xf32, #tpu.memory_space<vmem>>[vector<16xi32>, vector<16xi32>], vector<16xf32>,
        %parallel_loop3A_188 = arith.constant 384 : i32
        %parallel_loop3A_189 = arith.addi %parallel_loop3A_188, %parallel_loop3A_107 : i32
        %parallel_loop3A_190 = arith.constant 0 : i32
        %parallel_loop3A_191 = arith.index_cast %parallel_loop3A_89 : i32 to index
        %parallel_loop3A_192 = arith.index_cast %parallel_loop3A_190 : i32 to index
        %parallel_loop3A_193 = arith.index_cast %parallel_loop3A_189 : i32 to index
        %parallel_loop3A_194 = tpu.vector_load %arg8[%parallel_loop3A_191, %parallel_loop3A_192, %parallel_loop3A_193] {strides = array<i32>} : memref<5x4x1024xf32, #tpu.memory_space<vmem>>, vector<16xf32>,
        tpu.vector_store %arg8[%parallel_loop3A_191, %parallel_loop3A_192, %parallel_loop3A_193], %parallel_loop3A_187 {strides = array<i32>} : memref<5x4x1024xf32, #tpu.memory_space<vmem>>, vector<16xf32>,
        %parallel_loop3A_195 = arith.constant 4 : i32
        %parallel_loop3A_196 = vector.broadcast %parallel_loop3A_195 : i32 to vector<16xi32>
        %parallel_loop3A_197 = tpu.vector_load_idx %arg5[%parallel_loop3A_154, %parallel_loop3A_196] : memref<1000x40xf32, #tpu.memory_space<vmem>>[vector<16xi32>, vector<16xi32>], vector<16xf32>,
        %parallel_loop3A_198 = arith.constant 512 : i32
        %parallel_loop3A_199 = arith.addi %parallel_loop3A_198, %parallel_loop3A_107 : i32
        %parallel_loop3A_200 = arith.constant 0 : i32
        %parallel_loop3A_201 = arith.index_cast %parallel_loop3A_89 : i32 to index
        %parallel_loop3A_202 = arith.index_cast %parallel_loop3A_200 : i32 to index
        %parallel_loop3A_203 = arith.index_cast %parallel_loop3A_199 : i32 to index
        %parallel_loop3A_204 = tpu.vector_load %arg8[%parallel_loop3A_201, %parallel_loop3A_202, %parallel_loop3A_203] {strides = array<i32>} : memref<5x4x1024xf32, #tpu.memory_space<vmem>>, vector<16xf32>,
        tpu.vector_store %arg8[%parallel_loop3A_201, %parallel_loop3A_202, %parallel_loop3A_203], %parallel_loop3A_197 {strides = array<i32>} : memref<5x4x1024xf32, #tpu.memory_space<vmem>>, vector<16xf32>,
        %parallel_loop3A_205 = arith.constant 5 : i32
        %parallel_loop3A_206 = vector.broadcast %parallel_loop3A_205 : i32 to vector<16xi32>
        %parallel_loop3A_207 = tpu.vector_load_idx %arg5[%parallel_loop3A_154, %parallel_loop3A_206] : memref<1000x40xf32, #tpu.memory_space<vmem>>[vector<16xi32>, vector<16xi32>], vector<16xf32>,
        %parallel_loop3A_208 = arith.constant 640 : i32
        %parallel_loop3A_209 = arith.addi %parallel_loop3A_208, %parallel_loop3A_107 : i32
        %parallel_loop3A_210 = arith.constant 0 : i32
        %parallel_loop3A_211 = arith.index_cast %parallel_loop3A_89 : i32 to index
        %parallel_loop3A_212 = arith.index_cast %parallel_loop3A_210 : i32 to index
        %parallel_loop3A_213 = arith.index_cast %parallel_loop3A_209 : i32 to index
        %parallel_loop3A_214 = tpu.vector_load %arg8[%parallel_loop3A_211, %parallel_loop3A_212, %parallel_loop3A_213] {strides = array<i32>} : memref<5x4x1024xf32, #tpu.memory_space<vmem>>, vector<16xf32>,
        tpu.vector_store %arg8[%parallel_loop3A_211, %parallel_loop3A_212, %parallel_loop3A_213], %parallel_loop3A_207 {strides = array<i32>} : memref<5x4x1024xf32, #tpu.memory_space<vmem>>, vector<16xf32>,
        %parallel_loop3A_215 = arith.constant 6 : i32
        %parallel_loop3A_216 = vector.broadcast %parallel_loop3A_215 : i32 to vector<16xi32>
        %parallel_loop3A_217 = tpu.vector_load_idx %arg5[%parallel_loop3A_154, %parallel_loop3A_216] : memref<1000x40xf32, #tpu.memory_space<vmem>>[vector<16xi32>, vector<16xi32>], vector<16xf32>,
        %parallel_loop3A_218 = arith.constant 768 : i32
        %parallel_loop3A_219 = arith.addi %parallel_loop3A_218, %parallel_loop3A_107 : i32
        %parallel_loop3A_220 = arith.constant 0 : i32
        %parallel_loop3A_221 = arith.index_cast %parallel_loop3A_89 : i32 to index
        %parallel_loop3A_222 = arith.index_cast %parallel_loop3A_220 : i32 to index
        %parallel_loop3A_223 = arith.index_cast %parallel_loop3A_219 : i32 to index
        %parallel_loop3A_224 = tpu.vector_load %arg8[%parallel_loop3A_221, %parallel_loop3A_222, %parallel_loop3A_223] {strides = array<i32>} : memref<5x4x1024xf32, #tpu.memory_space<vmem>>, vector<16xf32>,
        tpu.vector_store %arg8[%parallel_loop3A_221, %parallel_loop3A_222, %parallel_loop3A_223], %parallel_loop3A_217 {strides = array<i32>} : memref<5x4x1024xf32, #tpu.memory_space<vmem>>, vector<16xf32>,
        %parallel_loop3A_225 = arith.constant 7 : i32
        %parallel_loop3A_226 = vector.broadcast %parallel_loop3A_225 : i32 to vector<16xi32>
        %parallel_loop3A_227 = tpu.vector_load_idx %arg5[%parallel_loop3A_154, %parallel_loop3A_226] : memref<1000x40xf32, #tpu.memory_space<vmem>>[vector<16xi32>, vector<16xi32>], vector<16xf32>,
        %parallel_loop3A_228 = arith.constant 896 : i32
        %parallel_loop3A_229 = arith.addi %parallel_loop3A_228, %parallel_loop3A_107 : i32
        %parallel_loop3A_230 = arith.constant 0 : i32
        %parallel_loop3A_231 = arith.index_cast %parallel_loop3A_89 : i32 to index
        %parallel_loop3A_232 = arith.index_cast %parallel_loop3A_230 : i32 to index
        %parallel_loop3A_233 = arith.index_cast %parallel_loop3A_229 : i32 to index
        %parallel_loop3A_234 = tpu.vector_load %arg8[%parallel_loop3A_231, %parallel_loop3A_232, %parallel_loop3A_233] {strides = array<i32>} : memref<5x4x1024xf32, #tpu.memory_space<vmem>>, vector<16xf32>,
        tpu.vector_store %arg8[%parallel_loop3A_231, %parallel_loop3A_232, %parallel_loop3A_233], %parallel_loop3A_227 {strides = array<i32>} : memref<5x4x1024xf32, #tpu.memory_space<vmem>>, vector<16xf32>,
        %parallel_loop3A_235 = arith.constant 8 : i32
        %parallel_loop3A_236 = vector.broadcast %parallel_loop3A_235 : i32 to vector<16xi32>
        %parallel_loop3A_237 = tpu.vector_load_idx %arg5[%parallel_loop3A_154, %parallel_loop3A_236] : memref<1000x40xf32, #tpu.memory_space<vmem>>[vector<16xi32>, vector<16xi32>], vector<16xf32>,
        %parallel_loop3A_238 = arith.constant 0 : i32
        %parallel_loop3A_239 = arith.addi %parallel_loop3A_238, %parallel_loop3A_107 : i32
        %parallel_loop3A_240 = arith.constant 1 : i32
        %parallel_loop3A_241 = arith.index_cast %parallel_loop3A_89 : i32 to index
        %parallel_loop3A_242 = arith.index_cast %parallel_loop3A_240 : i32 to index
        %parallel_loop3A_243 = arith.index_cast %parallel_loop3A_239 : i32 to index
        %parallel_loop3A_244 = tpu.vector_load %arg8[%parallel_loop3A_241, %parallel_loop3A_242, %parallel_loop3A_243] {strides = array<i32>} : memref<5x4x1024xf32, #tpu.memory_space<vmem>>, vector<16xf32>,
        tpu.vector_store %arg8[%parallel_loop3A_241, %parallel_loop3A_242, %parallel_loop3A_243], %parallel_loop3A_237 {strides = array<i32>} : memref<5x4x1024xf32, #tpu.memory_space<vmem>>, vector<16xf32>,
        %parallel_loop3A_245 = arith.constant 9 : i32
        %parallel_loop3A_246 = vector.broadcast %parallel_loop3A_245 : i32 to vector<16xi32>
        %parallel_loop3A_247 = tpu.vector_load_idx %arg5[%parallel_loop3A_154, %parallel_loop3A_246] : memref<1000x40xf32, #tpu.memory_space<vmem>>[vector<16xi32>, vector<16xi32>], vector<16xf32>,
        %parallel_loop3A_248 = arith.constant 128 : i32
        %parallel_loop3A_249 = arith.addi %parallel_loop3A_248, %parallel_loop3A_107 : i32
        %parallel_loop3A_250 = arith.constant 1 : i32
        %parallel_loop3A_251 = arith.index_cast %parallel_loop3A_89 : i32 to index
        %parallel_loop3A_252 = arith.index_cast %parallel_loop3A_250 : i32 to index
        %parallel_loop3A_253 = arith.index_cast %parallel_loop3A_249 : i32 to index
        %parallel_loop3A_254 = tpu.vector_load %arg8[%parallel_loop3A_251, %parallel_loop3A_252, %parallel_loop3A_253] {strides = array<i32>} : memref<5x4x1024xf32, #tpu.memory_space<vmem>>, vector<16xf32>,
        tpu.vector_store %arg8[%parallel_loop3A_251, %parallel_loop3A_252, %parallel_loop3A_253], %parallel_loop3A_247 {strides = array<i32>} : memref<5x4x1024xf32, #tpu.memory_space<vmem>>, vector<16xf32>,
        %parallel_loop3A_255 = arith.constant 10 : i32
        %parallel_loop3A_256 = vector.broadcast %parallel_loop3A_255 : i32 to vector<16xi32>
        %parallel_loop3A_257 = tpu.vector_load_idx %arg5[%parallel_loop3A_154, %parallel_loop3A_256] : memref<1000x40xf32, #tpu.memory_space<vmem>>[vector<16xi32>, vector<16xi32>], vector<16xf32>,
        %parallel_loop3A_258 = arith.constant 256 : i32
        %parallel_loop3A_259 = arith.addi %parallel_loop3A_258, %parallel_loop3A_107 : i32
        %parallel_loop3A_260 = arith.constant 1 : i32
        %parallel_loop3A_261 = arith.index_cast %parallel_loop3A_89 : i32 to index
        %parallel_loop3A_262 = arith.index_cast %parallel_loop3A_260 : i32 to index
        %parallel_loop3A_263 = arith.index_cast %parallel_loop3A_259 : i32 to index
        %parallel_loop3A_264 = tpu.vector_load %arg8[%parallel_loop3A_261, %parallel_loop3A_262, %parallel_loop3A_263] {strides = array<i32>} : memref<5x4x1024xf32, #tpu.memory_space<vmem>>, vector<16xf32>,
        tpu.vector_store %arg8[%parallel_loop3A_261, %parallel_loop3A_262, %parallel_loop3A_263], %parallel_loop3A_257 {strides = array<i32>} : memref<5x4x1024xf32, #tpu.memory_space<vmem>>, vector<16xf32>,
        %parallel_loop3A_265 = arith.constant 11 : i32
        %parallel_loop3A_266 = vector.broadcast %parallel_loop3A_265 : i32 to vector<16xi32>
        %parallel_loop3A_267 = tpu.vector_load_idx %arg5[%parallel_loop3A_154, %parallel_loop3A_266] : memref<1000x40xf32, #tpu.memory_space<vmem>>[vector<16xi32>, vector<16xi32>], vector<16xf32>,
        %parallel_loop3A_268 = arith.constant 384 : i32
        %parallel_loop3A_269 = arith.addi %parallel_loop3A_268, %parallel_loop3A_107 : i32
        %parallel_loop3A_270 = arith.constant 1 : i32
        %parallel_loop3A_271 = arith.index_cast %parallel_loop3A_89 : i32 to index
        %parallel_loop3A_272 = arith.index_cast %parallel_loop3A_270 : i32 to index
        %parallel_loop3A_273 = arith.index_cast %parallel_loop3A_269 : i32 to index
        %parallel_loop3A_274 = tpu.vector_load %arg8[%parallel_loop3A_271, %parallel_loop3A_272, %parallel_loop3A_273] {strides = array<i32>} : memref<5x4x1024xf32, #tpu.memory_space<vmem>>, vector<16xf32>,
        tpu.vector_store %arg8[%parallel_loop3A_271, %parallel_loop3A_272, %parallel_loop3A_273], %parallel_loop3A_267 {strides = array<i32>} : memref<5x4x1024xf32, #tpu.memory_space<vmem>>, vector<16xf32>,
        %parallel_loop3A_275 = arith.constant 12 : i32
        %parallel_loop3A_276 = vector.broadcast %parallel_loop3A_275 : i32 to vector<16xi32>
        %parallel_loop3A_277 = tpu.vector_load_idx %arg5[%parallel_loop3A_154, %parallel_loop3A_276] : memref<1000x40xf32, #tpu.memory_space<vmem>>[vector<16xi32>, vector<16xi32>], vector<16xf32>,
        %parallel_loop3A_278 = arith.constant 512 : i32
        %parallel_loop3A_279 = arith.addi %parallel_loop3A_278, %parallel_loop3A_107 : i32
        %parallel_loop3A_280 = arith.constant 1 : i32
        %parallel_loop3A_281 = arith.index_cast %parallel_loop3A_89 : i32 to index
        %parallel_loop3A_282 = arith.index_cast %parallel_loop3A_280 : i32 to index
        %parallel_loop3A_283 = arith.index_cast %parallel_loop3A_279 : i32 to index
        %parallel_loop3A_284 = tpu.vector_load %arg8[%parallel_loop3A_281, %parallel_loop3A_282, %parallel_loop3A_283] {strides = array<i32>} : memref<5x4x1024xf32, #tpu.memory_space<vmem>>, vector<16xf32>,
        tpu.vector_store %arg8[%parallel_loop3A_281, %parallel_loop3A_282, %parallel_loop3A_283], %parallel_loop3A_277 {strides = array<i32>} : memref<5x4x1024xf32, #tpu.memory_space<vmem>>, vector<16xf32>,
        %parallel_loop3A_285 = arith.constant 13 : i32
        %parallel_loop3A_286 = vector.broadcast %parallel_loop3A_285 : i32 to vector<16xi32>
        %parallel_loop3A_287 = tpu.vector_load_idx %arg5[%parallel_loop3A_154, %parallel_loop3A_286] : memref<1000x40xf32, #tpu.memory_space<vmem>>[vector<16xi32>, vector<16xi32>], vector<16xf32>,
        %parallel_loop3A_288 = arith.constant 640 : i32
        %parallel_loop3A_289 = arith.addi %parallel_loop3A_288, %parallel_loop3A_107 : i32
        %parallel_loop3A_290 = arith.constant 1 : i32
        %parallel_loop3A_291 = arith.index_cast %parallel_loop3A_89 : i32 to index
        %parallel_loop3A_292 = arith.index_cast %parallel_loop3A_290 : i32 to index
        %parallel_loop3A_293 = arith.index_cast %parallel_loop3A_289 : i32 to index
        %parallel_loop3A_294 = tpu.vector_load %arg8[%parallel_loop3A_291, %parallel_loop3A_292, %parallel_loop3A_293] {strides = array<i32>} : memref<5x4x1024xf32, #tpu.memory_space<vmem>>, vector<16xf32>,
        tpu.vector_store %arg8[%parallel_loop3A_291, %parallel_loop3A_292, %parallel_loop3A_293], %parallel_loop3A_287 {strides = array<i32>} : memref<5x4x1024xf32, #tpu.memory_space<vmem>>, vector<16xf32>,
        %parallel_loop3A_295 = arith.constant 14 : i32
        %parallel_loop3A_296 = vector.broadcast %parallel_loop3A_295 : i32 to vector<16xi32>
        %parallel_loop3A_297 = tpu.vector_load_idx %arg5[%parallel_loop3A_154, %parallel_loop3A_296] : memref<1000x40xf32, #tpu.memory_space<vmem>>[vector<16xi32>, vector<16xi32>], vector<16xf32>,
        %parallel_loop3A_298 = arith.constant 768 : i32
        %parallel_loop3A_299 = arith.addi %parallel_loop3A_298, %parallel_loop3A_107 : i32
        %parallel_loop3A_300 = arith.constant 1 : i32
        %parallel_loop3A_301 = arith.index_cast %parallel_loop3A_89 : i32 to index
        %parallel_loop3A_302 = arith.index_cast %parallel_loop3A_300 : i32 to index
        %parallel_loop3A_303 = arith.index_cast %parallel_loop3A_299 : i32 to index
        %parallel_loop3A_304 = tpu.vector_load %arg8[%parallel_loop3A_301, %parallel_loop3A_302, %parallel_loop3A_303] {strides = array<i32>} : memref<5x4x1024xf32, #tpu.memory_space<vmem>>, vector<16xf32>,
        tpu.vector_store %arg8[%parallel_loop3A_301, %parallel_loop3A_302, %parallel_loop3A_303], %parallel_loop3A_297 {strides = array<i32>} : memref<5x4x1024xf32, #tpu.memory_space<vmem>>, vector<16xf32>,
        %parallel_loop3A_305 = arith.constant 15 : i32
        %parallel_loop3A_306 = vector.broadcast %parallel_loop3A_305 : i32 to vector<16xi32>
        %parallel_loop3A_307 = tpu.vector_load_idx %arg5[%parallel_loop3A_154, %parallel_loop3A_306] : memref<1000x40xf32, #tpu.memory_space<vmem>>[vector<16xi32>, vector<16xi32>], vector<16xf32>,
        %parallel_loop3A_308 = arith.constant 896 : i32
        %parallel_loop3A_309 = arith.addi %parallel_loop3A_308, %parallel_loop3A_107 : i32
        %parallel_loop3A_310 = arith.constant 1 : i32
        %parallel_loop3A_311 = arith.index_cast %parallel_loop3A_89 : i32 to index
        %parallel_loop3A_312 = arith.index_cast %parallel_loop3A_310 : i32 to index
        %parallel_loop3A_313 = arith.index_cast %parallel_loop3A_309 : i32 to index
        %parallel_loop3A_314 = tpu.vector_load %arg8[%parallel_loop3A_311, %parallel_loop3A_312, %parallel_loop3A_313] {strides = array<i32>} : memref<5x4x1024xf32, #tpu.memory_space<vmem>>, vector<16xf32>,
        tpu.vector_store %arg8[%parallel_loop3A_311, %parallel_loop3A_312, %parallel_loop3A_313], %parallel_loop3A_307 {strides = array<i32>} : memref<5x4x1024xf32, #tpu.memory_space<vmem>>, vector<16xf32>,
        %parallel_loop3A_315 = arith.constant 16 : i32
        %parallel_loop3A_316 = vector.broadcast %parallel_loop3A_315 : i32 to vector<16xi32>
        %parallel_loop3A_317 = tpu.vector_load_idx %arg5[%parallel_loop3A_154, %parallel_loop3A_316] : memref<1000x40xf32, #tpu.memory_space<vmem>>[vector<16xi32>, vector<16xi32>], vector<16xf32>,
        %parallel_loop3A_318 = arith.constant 0 : i32
        %parallel_loop3A_319 = arith.addi %parallel_loop3A_318, %parallel_loop3A_107 : i32
        %parallel_loop3A_320 = arith.constant 2 : i32
        %parallel_loop3A_321 = arith.index_cast %parallel_loop3A_89 : i32 to index
        %parallel_loop3A_322 = arith.index_cast %parallel_loop3A_320 : i32 to index
        %parallel_loop3A_323 = arith.index_cast %parallel_loop3A_319 : i32 to index
        %parallel_loop3A_324 = tpu.vector_load %arg8[%parallel_loop3A_321, %parallel_loop3A_322, %parallel_loop3A_323] {strides = array<i32>} : memref<5x4x1024xf32, #tpu.memory_space<vmem>>, vector<16xf32>,
        tpu.vector_store %arg8[%parallel_loop3A_321, %parallel_loop3A_322, %parallel_loop3A_323], %parallel_loop3A_317 {strides = array<i32>} : memref<5x4x1024xf32, #tpu.memory_space<vmem>>, vector<16xf32>,
        %parallel_loop3A_325 = arith.constant 17 : i32
        %parallel_loop3A_326 = vector.broadcast %parallel_loop3A_325 : i32 to vector<16xi32>
        %parallel_loop3A_327 = tpu.vector_load_idx %arg5[%parallel_loop3A_154, %parallel_loop3A_326] : memref<1000x40xf32, #tpu.memory_space<vmem>>[vector<16xi32>, vector<16xi32>], vector<16xf32>,
        %parallel_loop3A_328 = arith.constant 128 : i32
        %parallel_loop3A_329 = arith.addi %parallel_loop3A_328, %parallel_loop3A_107 : i32
        %parallel_loop3A_330 = arith.constant 2 : i32
        %parallel_loop3A_331 = arith.index_cast %parallel_loop3A_89 : i32 to index
        %parallel_loop3A_332 = arith.index_cast %parallel_loop3A_330 : i32 to index
        %parallel_loop3A_333 = arith.index_cast %parallel_loop3A_329 : i32 to index
        %parallel_loop3A_334 = tpu.vector_load %arg8[%parallel_loop3A_331, %parallel_loop3A_332, %parallel_loop3A_333] {strides = array<i32>} : memref<5x4x1024xf32, #tpu.memory_space<vmem>>, vector<16xf32>,
        tpu.vector_store %arg8[%parallel_loop3A_331, %parallel_loop3A_332, %parallel_loop3A_333], %parallel_loop3A_327 {strides = array<i32>} : memref<5x4x1024xf32, #tpu.memory_space<vmem>>, vector<16xf32>,
        %parallel_loop3A_335 = arith.constant 18 : i32
        %parallel_loop3A_336 = vector.broadcast %parallel_loop3A_335 : i32 to vector<16xi32>
        %parallel_loop3A_337 = tpu.vector_load_idx %arg5[%parallel_loop3A_154, %parallel_loop3A_336] : memref<1000x40xf32, #tpu.memory_space<vmem>>[vector<16xi32>, vector<16xi32>], vector<16xf32>,
        %parallel_loop3A_338 = arith.constant 256 : i32
        %parallel_loop3A_339 = arith.addi %parallel_loop3A_338, %parallel_loop3A_107 : i32
        %parallel_loop3A_340 = arith.constant 2 : i32
        %parallel_loop3A_341 = arith.index_cast %parallel_loop3A_89 : i32 to index
        %parallel_loop3A_342 = arith.index_cast %parallel_loop3A_340 : i32 to index
        %parallel_loop3A_343 = arith.index_cast %parallel_loop3A_339 : i32 to index
        %parallel_loop3A_344 = tpu.vector_load %arg8[%parallel_loop3A_341, %parallel_loop3A_342, %parallel_loop3A_343] {strides = array<i32>} : memref<5x4x1024xf32, #tpu.memory_space<vmem>>, vector<16xf32>,
        tpu.vector_store %arg8[%parallel_loop3A_341, %parallel_loop3A_342, %parallel_loop3A_343], %parallel_loop3A_337 {strides = array<i32>} : memref<5x4x1024xf32, #tpu.memory_space<vmem>>, vector<16xf32>,
        %parallel_loop3A_345 = arith.constant 19 : i32
        %parallel_loop3A_346 = vector.broadcast %parallel_loop3A_345 : i32 to vector<16xi32>
        %parallel_loop3A_347 = tpu.vector_load_idx %arg5[%parallel_loop3A_154, %parallel_loop3A_346] : memref<1000x40xf32, #tpu.memory_space<vmem>>[vector<16xi32>, vector<16xi32>], vector<16xf32>,
        %parallel_loop3A_348 = arith.constant 384 : i32
        %parallel_loop3A_349 = arith.addi %parallel_loop3A_348, %parallel_loop3A_107 : i32
        %parallel_loop3A_350 = arith.constant 2 : i32
        %parallel_loop3A_351 = arith.index_cast %parallel_loop3A_89 : i32 to index
        %parallel_loop3A_352 = arith.index_cast %parallel_loop3A_350 : i32 to index
        %parallel_loop3A_353 = arith.index_cast %parallel_loop3A_349 : i32 to index
        %parallel_loop3A_354 = tpu.vector_load %arg8[%parallel_loop3A_351, %parallel_loop3A_352, %parallel_loop3A_353] {strides = array<i32>} : memref<5x4x1024xf32, #tpu.memory_space<vmem>>, vector<16xf32>,
        tpu.vector_store %arg8[%parallel_loop3A_351, %parallel_loop3A_352, %parallel_loop3A_353], %parallel_loop3A_347 {strides = array<i32>} : memref<5x4x1024xf32, #tpu.memory_space<vmem>>, vector<16xf32>,
        %parallel_loop3A_355 = arith.constant 20 : i32
        %parallel_loop3A_356 = vector.broadcast %parallel_loop3A_355 : i32 to vector<16xi32>
        %parallel_loop3A_357 = tpu.vector_load_idx %arg5[%parallel_loop3A_154, %parallel_loop3A_356] : memref<1000x40xf32, #tpu.memory_space<vmem>>[vector<16xi32>, vector<16xi32>], vector<16xf32>,
        %parallel_loop3A_358 = arith.constant 512 : i32
        %parallel_loop3A_359 = arith.addi %parallel_loop3A_358, %parallel_loop3A_107 : i32
        %parallel_loop3A_360 = arith.constant 2 : i32
        %parallel_loop3A_361 = arith.index_cast %parallel_loop3A_89 : i32 to index
        %parallel_loop3A_362 = arith.index_cast %parallel_loop3A_360 : i32 to index
        %parallel_loop3A_363 = arith.index_cast %parallel_loop3A_359 : i32 to index
        %parallel_loop3A_364 = tpu.vector_load %arg8[%parallel_loop3A_361, %parallel_loop3A_362, %parallel_loop3A_363] {strides = array<i32>} : memref<5x4x1024xf32, #tpu.memory_space<vmem>>, vector<16xf32>,
        tpu.vector_store %arg8[%parallel_loop3A_361, %parallel_loop3A_362, %parallel_loop3A_363], %parallel_loop3A_357 {strides = array<i32>} : memref<5x4x1024xf32, #tpu.memory_space<vmem>>, vector<16xf32>,
        %parallel_loop3A_365 = arith.constant 21 : i32
        %parallel_loop3A_366 = vector.broadcast %parallel_loop3A_365 : i32 to vector<16xi32>
        %parallel_loop3A_367 = tpu.vector_load_idx %arg5[%parallel_loop3A_154, %parallel_loop3A_366] : memref<1000x40xf32, #tpu.memory_space<vmem>>[vector<16xi32>, vector<16xi32>], vector<16xf32>,
        %parallel_loop3A_368 = arith.constant 640 : i32
        %parallel_loop3A_369 = arith.addi %parallel_loop3A_368, %parallel_loop3A_107 : i32
        %parallel_loop3A_370 = arith.constant 2 : i32
        %parallel_loop3A_371 = arith.index_cast %parallel_loop3A_89 : i32 to index
        %parallel_loop3A_372 = arith.index_cast %parallel_loop3A_370 : i32 to index
        %parallel_loop3A_373 = arith.index_cast %parallel_loop3A_369 : i32 to index
        %parallel_loop3A_374 = tpu.vector_load %arg8[%parallel_loop3A_371, %parallel_loop3A_372, %parallel_loop3A_373] {strides = array<i32>} : memref<5x4x1024xf32, #tpu.memory_space<vmem>>, vector<16xf32>,
        tpu.vector_store %arg8[%parallel_loop3A_371, %parallel_loop3A_372, %parallel_loop3A_373], %parallel_loop3A_367 {strides = array<i32>} : memref<5x4x1024xf32, #tpu.memory_space<vmem>>, vector<16xf32>,
        %parallel_loop3A_375 = arith.constant 22 : i32
        %parallel_loop3A_376 = vector.broadcast %parallel_loop3A_375 : i32 to vector<16xi32>
        %parallel_loop3A_377 = tpu.vector_load_idx %arg5[%parallel_loop3A_154, %parallel_loop3A_376] : memref<1000x40xf32, #tpu.memory_space<vmem>>[vector<16xi32>, vector<16xi32>], vector<16xf32>,
        %parallel_loop3A_378 = arith.constant 768 : i32
        %parallel_loop3A_379 = arith.addi %parallel_loop3A_378, %parallel_loop3A_107 : i32
        %parallel_loop3A_380 = arith.constant 2 : i32
        %parallel_loop3A_381 = arith.index_cast %parallel_loop3A_89 : i32 to index
        %parallel_loop3A_382 = arith.index_cast %parallel_loop3A_380 : i32 to index
        %parallel_loop3A_383 = arith.index_cast %parallel_loop3A_379 : i32 to index
        %parallel_loop3A_384 = tpu.vector_load %arg8[%parallel_loop3A_381, %parallel_loop3A_382, %parallel_loop3A_383] {strides = array<i32>} : memref<5x4x1024xf32, #tpu.memory_space<vmem>>, vector<16xf32>,
        tpu.vector_store %arg8[%parallel_loop3A_381, %parallel_loop3A_382, %parallel_loop3A_383], %parallel_loop3A_377 {strides = array<i32>} : memref<5x4x1024xf32, #tpu.memory_space<vmem>>, vector<16xf32>,
        %parallel_loop3A_385 = arith.constant 23 : i32
        %parallel_loop3A_386 = vector.broadcast %parallel_loop3A_385 : i32 to vector<16xi32>
        %parallel_loop3A_387 = tpu.vector_load_idx %arg5[%parallel_loop3A_154, %parallel_loop3A_386] : memref<1000x40xf32, #tpu.memory_space<vmem>>[vector<16xi32>, vector<16xi32>], vector<16xf32>,
        %parallel_loop3A_388 = arith.constant 896 : i32
        %parallel_loop3A_389 = arith.addi %parallel_loop3A_388, %parallel_loop3A_107 : i32
        %parallel_loop3A_390 = arith.constant 2 : i32
        %parallel_loop3A_391 = arith.index_cast %parallel_loop3A_89 : i32 to index
        %parallel_loop3A_392 = arith.index_cast %parallel_loop3A_390 : i32 to index
        %parallel_loop3A_393 = arith.index_cast %parallel_loop3A_389 : i32 to index
        %parallel_loop3A_394 = tpu.vector_load %arg8[%parallel_loop3A_391, %parallel_loop3A_392, %parallel_loop3A_393] {strides = array<i32>} : memref<5x4x1024xf32, #tpu.memory_space<vmem>>, vector<16xf32>,
        tpu.vector_store %arg8[%parallel_loop3A_391, %parallel_loop3A_392, %parallel_loop3A_393], %parallel_loop3A_387 {strides = array<i32>} : memref<5x4x1024xf32, #tpu.memory_space<vmem>>, vector<16xf32>,
        %parallel_loop3A_395 = arith.constant 24 : i32
        %parallel_loop3A_396 = vector.broadcast %parallel_loop3A_395 : i32 to vector<16xi32>
        %parallel_loop3A_397 = tpu.vector_load_idx %arg5[%parallel_loop3A_154, %parallel_loop3A_396] : memref<1000x40xf32, #tpu.memory_space<vmem>>[vector<16xi32>, vector<16xi32>], vector<16xf32>,
        %parallel_loop3A_398 = arith.constant 0 : i32
        %parallel_loop3A_399 = arith.addi %parallel_loop3A_398, %parallel_loop3A_107 : i32
        %parallel_loop3A_400 = arith.constant 3 : i32
        %parallel_loop3A_401 = arith.index_cast %parallel_loop3A_89 : i32 to index
        %parallel_loop3A_402 = arith.index_cast %parallel_loop3A_400 : i32 to index
        %parallel_loop3A_403 = arith.index_cast %parallel_loop3A_399 : i32 to index
        %parallel_loop3A_404 = tpu.vector_load %arg8[%parallel_loop3A_401, %parallel_loop3A_402, %parallel_loop3A_403] {strides = array<i32>} : memref<5x4x1024xf32, #tpu.memory_space<vmem>>, vector<16xf32>,
        tpu.vector_store %arg8[%parallel_loop3A_401, %parallel_loop3A_402, %parallel_loop3A_403], %parallel_loop3A_397 {strides = array<i32>} : memref<5x4x1024xf32, #tpu.memory_space<vmem>>, vector<16xf32>,
        %parallel_loop3A_405 = arith.constant 25 : i32
        %parallel_loop3A_406 = vector.broadcast %parallel_loop3A_405 : i32 to vector<16xi32>
        %parallel_loop3A_407 = tpu.vector_load_idx %arg5[%parallel_loop3A_154, %parallel_loop3A_406] : memref<1000x40xf32, #tpu.memory_space<vmem>>[vector<16xi32>, vector<16xi32>], vector<16xf32>,
        %parallel_loop3A_408 = arith.constant 128 : i32
        %parallel_loop3A_409 = arith.addi %parallel_loop3A_408, %parallel_loop3A_107 : i32
        %parallel_loop3A_410 = arith.constant 3 : i32
        %parallel_loop3A_411 = arith.index_cast %parallel_loop3A_89 : i32 to index
        %parallel_loop3A_412 = arith.index_cast %parallel_loop3A_410 : i32 to index
        %parallel_loop3A_413 = arith.index_cast %parallel_loop3A_409 : i32 to index
        %parallel_loop3A_414 = tpu.vector_load %arg8[%parallel_loop3A_411, %parallel_loop3A_412, %parallel_loop3A_413] {strides = array<i32>} : memref<5x4x1024xf32, #tpu.memory_space<vmem>>, vector<16xf32>,
        tpu.vector_store %arg8[%parallel_loop3A_411, %parallel_loop3A_412, %parallel_loop3A_413], %parallel_loop3A_407 {strides = array<i32>} : memref<5x4x1024xf32, #tpu.memory_space<vmem>>, vector<16xf32>,
        %parallel_loop3A_415 = arith.constant 26 : i32
        %parallel_loop3A_416 = vector.broadcast %parallel_loop3A_415 : i32 to vector<16xi32>
        %parallel_loop3A_417 = tpu.vector_load_idx %arg5[%parallel_loop3A_154, %parallel_loop3A_416] : memref<1000x40xf32, #tpu.memory_space<vmem>>[vector<16xi32>, vector<16xi32>], vector<16xf32>,
        %parallel_loop3A_418 = arith.constant 256 : i32
        %parallel_loop3A_419 = arith.addi %parallel_loop3A_418, %parallel_loop3A_107 : i32
        %parallel_loop3A_420 = arith.constant 3 : i32
        %parallel_loop3A_421 = arith.index_cast %parallel_loop3A_89 : i32 to index
        %parallel_loop3A_422 = arith.index_cast %parallel_loop3A_420 : i32 to index
        %parallel_loop3A_423 = arith.index_cast %parallel_loop3A_419 : i32 to index
        %parallel_loop3A_424 = tpu.vector_load %arg8[%parallel_loop3A_421, %parallel_loop3A_422, %parallel_loop3A_423] {strides = array<i32>} : memref<5x4x1024xf32, #tpu.memory_space<vmem>>, vector<16xf32>,
        tpu.vector_store %arg8[%parallel_loop3A_421, %parallel_loop3A_422, %parallel_loop3A_423], %parallel_loop3A_417 {strides = array<i32>} : memref<5x4x1024xf32, #tpu.memory_space<vmem>>, vector<16xf32>,
        %parallel_loop3A_425 = arith.constant 27 : i32
        %parallel_loop3A_426 = vector.broadcast %parallel_loop3A_425 : i32 to vector<16xi32>
        %parallel_loop3A_427 = tpu.vector_load_idx %arg5[%parallel_loop3A_154, %parallel_loop3A_426] : memref<1000x40xf32, #tpu.memory_space<vmem>>[vector<16xi32>, vector<16xi32>], vector<16xf32>,
        %parallel_loop3A_428 = arith.constant 384 : i32
        %parallel_loop3A_429 = arith.addi %parallel_loop3A_428, %parallel_loop3A_107 : i32
        %parallel_loop3A_430 = arith.constant 3 : i32
        %parallel_loop3A_431 = arith.index_cast %parallel_loop3A_89 : i32 to index
        %parallel_loop3A_432 = arith.index_cast %parallel_loop3A_430 : i32 to index
        %parallel_loop3A_433 = arith.index_cast %parallel_loop3A_429 : i32 to index
        %parallel_loop3A_434 = tpu.vector_load %arg8[%parallel_loop3A_431, %parallel_loop3A_432, %parallel_loop3A_433] {strides = array<i32>} : memref<5x4x1024xf32, #tpu.memory_space<vmem>>, vector<16xf32>,
        tpu.vector_store %arg8[%parallel_loop3A_431, %parallel_loop3A_432, %parallel_loop3A_433], %parallel_loop3A_427 {strides = array<i32>} : memref<5x4x1024xf32, #tpu.memory_space<vmem>>, vector<16xf32>,
        %parallel_loop3A_435 = arith.constant 28 : i32
        %parallel_loop3A_436 = vector.broadcast %parallel_loop3A_435 : i32 to vector<16xi32>
        %parallel_loop3A_437 = tpu.vector_load_idx %arg5[%parallel_loop3A_154, %parallel_loop3A_436] : memref<1000x40xf32, #tpu.memory_space<vmem>>[vector<16xi32>, vector<16xi32>], vector<16xf32>,
        %parallel_loop3A_438 = arith.constant 512 : i32
        %parallel_loop3A_439 = arith.addi %parallel_loop3A_438, %parallel_loop3A_107 : i32
        %parallel_loop3A_440 = arith.constant 3 : i32
        %parallel_loop3A_441 = arith.index_cast %parallel_loop3A_89 : i32 to index
        %parallel_loop3A_442 = arith.index_cast %parallel_loop3A_440 : i32 to index
        %parallel_loop3A_443 = arith.index_cast %parallel_loop3A_439 : i32 to index
        %parallel_loop3A_444 = tpu.vector_load %arg8[%parallel_loop3A_441, %parallel_loop3A_442, %parallel_loop3A_443] {strides = array<i32>} : memref<5x4x1024xf32, #tpu.memory_space<vmem>>, vector<16xf32>,
        tpu.vector_store %arg8[%parallel_loop3A_441, %parallel_loop3A_442, %parallel_loop3A_443], %parallel_loop3A_437 {strides = array<i32>} : memref<5x4x1024xf32, #tpu.memory_space<vmem>>, vector<16xf32>,
        %parallel_loop3A_445 = arith.constant 29 : i32
        %parallel_loop3A_446 = vector.broadcast %parallel_loop3A_445 : i32 to vector<16xi32>
        %parallel_loop3A_447 = tpu.vector_load_idx %arg5[%parallel_loop3A_154, %parallel_loop3A_446] : memref<1000x40xf32, #tpu.memory_space<vmem>>[vector<16xi32>, vector<16xi32>], vector<16xf32>,
        %parallel_loop3A_448 = arith.constant 640 : i32
        %parallel_loop3A_449 = arith.addi %parallel_loop3A_448, %parallel_loop3A_107 : i32
        %parallel_loop3A_450 = arith.constant 3 : i32
        %parallel_loop3A_451 = arith.index_cast %parallel_loop3A_89 : i32 to index
        %parallel_loop3A_452 = arith.index_cast %parallel_loop3A_450 : i32 to index
        %parallel_loop3A_453 = arith.index_cast %parallel_loop3A_449 : i32 to index
        %parallel_loop3A_454 = tpu.vector_load %arg8[%parallel_loop3A_451, %parallel_loop3A_452, %parallel_loop3A_453] {strides = array<i32>} : memref<5x4x1024xf32, #tpu.memory_space<vmem>>, vector<16xf32>,
        tpu.vector_store %arg8[%parallel_loop3A_451, %parallel_loop3A_452, %parallel_loop3A_453], %parallel_loop3A_447 {strides = array<i32>} : memref<5x4x1024xf32, #tpu.memory_space<vmem>>, vector<16xf32>,
        %parallel_loop3A_455 = arith.constant 30 : i32
        %parallel_loop3A_456 = vector.broadcast %parallel_loop3A_455 : i32 to vector<16xi32>
        %parallel_loop3A_457 = tpu.vector_load_idx %arg5[%parallel_loop3A_154, %parallel_loop3A_456] : memref<1000x40xf32, #tpu.memory_space<vmem>>[vector<16xi32>, vector<16xi32>], vector<16xf32>,
        %parallel_loop3A_458 = arith.constant 768 : i32
        %parallel_loop3A_459 = arith.addi %parallel_loop3A_458, %parallel_loop3A_107 : i32
        %parallel_loop3A_460 = arith.constant 3 : i32
        %parallel_loop3A_461 = arith.index_cast %parallel_loop3A_89 : i32 to index
        %parallel_loop3A_462 = arith.index_cast %parallel_loop3A_460 : i32 to index
        %parallel_loop3A_463 = arith.index_cast %parallel_loop3A_459 : i32 to index
        %parallel_loop3A_464 = tpu.vector_load %arg8[%parallel_loop3A_461, %parallel_loop3A_462, %parallel_loop3A_463] {strides = array<i32>} : memref<5x4x1024xf32, #tpu.memory_space<vmem>>, vector<16xf32>,
        tpu.vector_store %arg8[%parallel_loop3A_461, %parallel_loop3A_462, %parallel_loop3A_463], %parallel_loop3A_457 {strides = array<i32>} : memref<5x4x1024xf32, #tpu.memory_space<vmem>>, vector<16xf32>,
        %parallel_loop3A_465 = arith.constant 31 : i32
        %parallel_loop3A_466 = vector.broadcast %parallel_loop3A_465 : i32 to vector<16xi32>
        %parallel_loop3A_467 = tpu.vector_load_idx %arg5[%parallel_loop3A_154, %parallel_loop3A_466] : memref<1000x40xf32, #tpu.memory_space<vmem>>[vector<16xi32>, vector<16xi32>], vector<16xf32>,
        %parallel_loop3A_468 = arith.constant 896 : i32
        %parallel_loop3A_469 = arith.addi %parallel_loop3A_468, %parallel_loop3A_107 : i32
        %parallel_loop3A_470 = arith.constant 3 : i32
        %parallel_loop3A_471 = arith.index_cast %parallel_loop3A_89 : i32 to index
        %parallel_loop3A_472 = arith.index_cast %parallel_loop3A_470 : i32 to index
        %parallel_loop3A_473 = arith.index_cast %parallel_loop3A_469 : i32 to index
        %parallel_loop3A_474 = tpu.vector_load %arg8[%parallel_loop3A_471, %parallel_loop3A_472, %parallel_loop3A_473] {strides = array<i32>} : memref<5x4x1024xf32, #tpu.memory_space<vmem>>, vector<16xf32>,
        tpu.vector_store %arg8[%parallel_loop3A_471, %parallel_loop3A_472, %parallel_loop3A_473], %parallel_loop3A_467 {strides = array<i32>} : memref<5x4x1024xf32, #tpu.memory_space<vmem>>, vector<16xf32>,
      } {sc.loop_unroll_factor = 1 : i64, sc.parallel_access}
      %add3A_53 = arith.constant 1 : i32
      %add3A_54 = arith.addi %mul3A_29, %add3A_53 : i32
      %mul3A_55 = arith.constant 5 : i32
      %mul3A_56 = arith.muli %add3A_54, %mul3A_55 : i32
      %dma_start3A_57 = arith.constant 0 : i32
      %dma_start3A_58 = arith.constant 0 : i32
      %dma_start3A_59 = tpu.memref_slice %arg4[%mul3A_56, %dma_start3A_57, %add3A, %dma_start3A_58] : memref<200x4x32x1024xf32, #tpu.memory_space<hbm>> -> memref<5x4x1x1024xf32, #tpu.memory_space<hbm>>
      %dma_start3A_60 = tpu.memref_squeeze %dma_start3A_59 : memref<5x4x1x1024xf32, #tpu.memory_space<hbm>> -> memref<5x4x1024xf32, #tpu.memory_space<hbm>>
      %dma_start3A_61 = arith.constant 0 : i32
      %dma_start3A_62 = arith.constant 0 : i32
      %dma_start3A_63 = tpu.memref_slice %arg4[%mul3A_56, %dma_start3A_61, %add3A, %dma_start3A_62] : memref<200x4x32x1024xf32, #tpu.memory_space<hbm>> -> memref<5x4x1x1024xf32, #tpu.memory_space<hbm>>
      %dma_start3A_64 = tpu.memref_squeeze %dma_start3A_63 : memref<5x4x1x1024xf32, #tpu.memory_space<hbm>> -> memref<5x4x1024xf32, #tpu.memory_space<hbm>>
      tpu.enqueue_dma source(%arg8 : memref<5x4x1024xf32, #tpu.memory_space<vmem>>) target(%dma_start3A_64 : memref<5x4x1024xf32, #tpu.memory_space<hbm>>) target_semaphore(%arg10 : memref<!tpu.dma_semaphore, #tpu.memory_space<semaphore_mem>>)
    }
    %scan3A_5 = arith.constant 20 : i32
    %dma_wait3A = arith.constant 0 : i32
    %dma_wait3A_6 = arith.constant 0 : i32
    %dma_wait3A_7 = arith.constant 0 : i32
    %dma_wait3A_8 = arith.constant 0 : i32
    %dma_wait3A_9 = tpu.memref_slice %arg4[%dma_wait3A_6, %dma_wait3A_7, %dma_wait3A, %dma_wait3A_8] : memref<200x4x32x1024xf32, #tpu.memory_space<hbm>> -> memref<5x4x1x1024xf32, #tpu.memory_space<hbm>>
    %dma_wait3A_10 = tpu.memref_squeeze %dma_wait3A_9 : memref<5x4x1x1024xf32, #tpu.memory_space<hbm>> -> memref<5x4x1024xf32, #tpu.memory_space<hbm>>
    %dma_wait3A_11 = arith.constant 0 : i32
    %dma_wait3A_12 = arith.constant 0 : i32
    %dma_wait3A_13 = arith.constant 0 : i32
    %dma_wait3A_14 = tpu.memref_slice %arg4[%dma_wait3A_11, %dma_wait3A_12, %dma_wait3A, %dma_wait3A_13] : memref<200x4x32x1024xf32, #tpu.memory_space<hbm>> -> memref<5x4x1x1024xf32, #tpu.memory_space<hbm>>
    %dma_wait3A_15 = tpu.memref_squeeze %dma_wait3A_14 : memref<5x4x1x1024xf32, #tpu.memory_space<hbm>> -> memref<5x4x1024xf32, #tpu.memory_space<hbm>>
    tpu.wait_dma2 semaphore(%arg9 : memref<!tpu.dma_semaphore, #tpu.memory_space<semaphore_mem>>) src(%arg7 : memref<5x4x1024xf32, #tpu.memory_space<vmem>>) dst(%dma_wait3A_15 : memref<5x4x1024xf32, #tpu.memory_space<hbm>>)
    %dma_wait3A_16 = arith.constant 0 : i32
    %dma_wait3A_17 = arith.constant 0 : i32
    %dma_wait3A_18 = arith.constant 0 : i32
    %dma_wait3A_19 = arith.constant 0 : i32
    %dma_wait3A_20 = tpu.memref_slice %arg4[%dma_wait3A_17, %dma_wait3A_18, %dma_wait3A_16, %dma_wait3A_19] : memref<200x4x32x1024xf32, #tpu.memory_space<hbm>> -> memref<5x4x1x1024xf32, #tpu.memory_space<hbm>>
    %dma_wait3A_21 = tpu.memref_squeeze %dma_wait3A_20 : memref<5x4x1x1024xf32, #tpu.memory_space<hbm>> -> memref<5x4x1024xf32, #tpu.memory_space<hbm>>
    %dma_wait3A_22 = arith.constant 0 : i32
    %dma_wait3A_23 = arith.constant 0 : i32
    %dma_wait3A_24 = arith.constant 0 : i32
    %dma_wait3A_25 = tpu.memref_slice %arg4[%dma_wait3A_22, %dma_wait3A_23, %dma_wait3A_16, %dma_wait3A_24] : memref<200x4x32x1024xf32, #tpu.memory_space<hbm>> -> memref<5x4x1x1024xf32, #tpu.memory_space<hbm>>
    %dma_wait3A_26 = tpu.memref_squeeze %dma_wait3A_25 : memref<5x4x1x1024xf32, #tpu.memory_space<hbm>> -> memref<5x4x1024xf32, #tpu.memory_space<hbm>>
    tpu.wait_dma2 semaphore(%arg10 : memref<!tpu.dma_semaphore, #tpu.memory_space<semaphore_mem>>) src(%arg8 : memref<5x4x1024xf32, #tpu.memory_space<vmem>>) dst(%dma_wait3A_26 : memref<5x4x1024xf32, #tpu.memory_space<hbm>>)
    return
  }
}

</mosaic_0001>

<sc_bundles>
// kernel: kernel.3.cloned.1.call-start
scs
__scs_entry_jumppad:
0x0: {  	(pc) =	sbr.rel $0x88, $3  }
0x1: {  	(tag) =	ssettag $0x0;
	lr =	simm.s32 $0x1  }
0x2: {  	[smem:$0x3F9F] =	sst lr;
	_ =	strace $0xD0000000  }
0x3: {  	_ = 	snop  }
0x4: {  	_ = 	snop  }
0x5: {  	_ = 	snop  }
0x6: {  	_ = 	snop  }
0x7: {  	_ = 	snop  }
__scs_overlays_trampoline_lowered:
0x8: {  	[smem:$0x3FAE] =	sst s0  }
0x9: {  	[smem:$0x3FAF] =	sst s1  }
0xa: {  	[smem:$0x3FB0] =	sst s2  }
0xb: {  	[smem:$0x3FB1] =	sst s3  }
0xc: {  	[smem:$0x3FB2] =	sst s4  }
0xd: {  	[smem:$0x3FB3] =	sst s5  }
0xe: {  	[smem:$0x3FB4] =	sst s6  }
0xf: {  	[smem:$0x3FB5] =	sst s7  }
0x10: {  	[smem:$0x3FB6] =	sst s8  }
0x11: {  	[smem:$0x3FB7] =	sst s9;
	s0 =	simm.s32 @!p0 $0x0  }
0x12: {  	s1 =	sld [smem:$0x3F9D];
	s0 =	simm.s32 @p0 $0x1  }
0x13: {  	[smem:$0x3FB8] =	sst s0;
	s0 =	simm.s32 @!p1 $0x0  }
0x14: {  	s2 =	sld [smem:$0x3F9C];
	s0 =	simm.s32 @p1 $0x1  }
0x15: {  	[smem:$0x3FB9] =	sst s0;
	s0 =	simm.s32 @!p2 $0x0  }
0x16: {  	s3 =	sld [smem:$0x3FDB];
	s0 =	simm.s32 @p2 $0x1  }
0x17: {  	s4 =	simm.s32 $0x1BF5;
	[smem:$0x3FBB] =	sst s0  }
0x18: {  	s0 =	sld [smem:$0x3F9E];
	_ =	swait.ge [sflag:s4], $0x0  }
0x19: {  	s7 =	sld [smem:$0x3F9F]  }
0x1a: {  	s8 =	sadd.s32 $0xFFFFE003, lr  }
0x1b: {  	s9 =	sadd.s32 $0xFFFFFEF7, lr;
	s5 =	simm.s32 $0xFFFFFFFF;
	p2 =	slt.u32 s8, $0xFFFFF086  }
0x1c: {  	p1 =	slt.u32 s9, $0xF7A;
	s5 =	simm.s32 @!p2 $0x0  }
0x1d: {  	s5 =	simm.s32 @p1 $0x1;
	p0 =	seq.s32 s7, s2  }
0x1e: {  	s7 =	smul.u32 @!p0 $0xF7A, s2;
	p2 =	seq.s32 @!p0 s5, $0x0  }
0x1f: {  	s9 =	smul.u32 $0xF7A, s1;
	s8 =	simm.s32 @!p0 $0x1BF5;
	p2 =	por !p2, p0  }
0x20: {  	[sflag:s8] =	ssyncset.s32 @!p0 $0xFFFFF086;
	s6 =	sadd.s32 @!p0 s3, s7;
	s7 =	simm.s32 @!p0 $0x108  }
0x21: {  	s3 =	sadd.s32 s3, s9;
	s6 =	sadd.s32 @!p0 $0x88, s6;
	s7 =	simm.s32 @p2 $0x1082  }
0x22: {  	[simem:s7], [sflag:s8] =	dma.local @!p0 [hbm:s6], $0xF7A  }
0x23: {  	s9 =	sor.u32 $0xD0000000, s2;
	s6 =	simm.s32 $0x108;
	_ =	swait.ge @!p0 [sflag:s8], $0x0  }
0x24: {  	s3 =	sadd.s32 $0x88, s3;
	s6 =	simm.s32 @!p1 $0x1082;
	[sflag:s4] =	ssyncset.s32 $0xFFFFF086  }
0x25: {  	[simem:s6], [sflag:s4] =	dma.local [hbm:s3], $0xF7A  }
0x26: {  	[smem:$0x3F9F] =	sst s1;
	(tag) =	ssettag s2;
	_ =	strace s9  }
0x27: {  	s1 =	sld [smem:$0x3FAF]  }
0x28: {  	s2 =	sld [smem:$0x3FB0]  }
0x29: {  	s4 =	sld [smem:$0x3FB2]  }
0x2a: {  	p0 =	seq.s32 s5, $0x0;
	s5 =	sld [smem:$0x3FB3]  }
0x2b: {  	s6 =	sld [smem:$0x3FB4]  }
0x2c: {  	s7 =	sld [smem:$0x3FB5]  }
0x2d: {  	s3 =	simm.s32 $0x108;
	s8 =	sld [smem:$0x3FB6]  }
0x2e: {  	s3 =	simm.s32 @!p0 $0x1082;
	s9 =	sld [smem:$0x3FB7]  }
0x2f: {  	lr =	sadd.s32 s0, s3;
	s0 =	sld [smem:$0x3FAE]  }
0x30: {  	s3 =	sld [smem:$0x3FB1]  }
0x31: {  	[smem:$0x3FBA] =	sst s10  }
0x32: {  	s10 =	sld [smem:$0x3FB8];
	_ =	sdelay $0x3  }
0x33: {  	p0 =	seq.s32 s10, $0x1;
	s10 =	sld [smem:$0x3FBA];
	_ =	sdelay $0x3  }
0x34: {  	[smem:$0x3FBA] =	sst s10  }
0x35: {  	s10 =	sld [smem:$0x3FB9];
	_ =	sdelay $0x3  }
0x36: {  	p1 =	seq.s32 s10, $0x1;
	s10 =	sld [smem:$0x3FBA];
	_ =	sdelay $0x3  }
0x37: {  	[smem:$0x3FBA] =	sst s10  }
0x38: {  	s10 =	sld [smem:$0x3FBB]  }
0x39: {  	_ = 	snop;
	(pc) =	sbr.ind lr, $3  }
0x3a: {  	_ = 	snop  }
0x3b: {  	_ = 	snop  }
0x3c: {  	p2 =	seq.s32 s10, $0x1;
	s10 =	sld [smem:$0x3FBA]  }
0x3d: {  	_ =	shalt  }
0x3e: {  	_ =	shalt  }
0x3f: {  	_ =	shalt  }
0x40: {  	_ =	shalt  }
0x41: {  	_ =	shalt  }
0x42: {  	_ =	shalt  }
0x43: {  	_ =	shalt  }
0x44: {  	_ =	shalt  }
0x45: {  	_ =	shalt  }
0x46: {  	_ =	shalt  }
0x47: {  	_ =	shalt  }
0x48: {  	_ =	shalt  }
0x49: {  	_ =	shalt  }
0x4a: {  	_ =	shalt  }
0x4b: {  	_ =	shalt  }
0x4c: {  	_ =	shalt  }
0x4d: {  	_ =	shalt  }
0x4e: {  	_ =	shalt  }
0x4f: {  	_ =	shalt  }
0x50: {  	_ =	shalt  }
0x51: {  	_ =	shalt  }
0x52: {  	_ =	shalt  }
0x53: {  	_ =	shalt  }
0x54: {  	_ =	shalt  }
0x55: {  	_ =	shalt  }
0x56: {  	_ =	shalt  }
0x57: {  	_ =	shalt  }
0x58: {  	_ =	shalt  }
0x59: {  	_ =	shalt  }
0x5a: {  	_ =	shalt  }
0x5b: {  	_ =	shalt  }
0x5c: {  	_ =	shalt  }
0x5d: {  	_ =	shalt  }
0x5e: {  	_ =	shalt  }
0x5f: {  	_ =	shalt  }
0x60: {  	_ =	shalt  }
0x61: {  	_ =	shalt  }
0x62: {  	_ =	shalt  }
0x63: {  	_ =	shalt  }
0x64: {  	_ =	shalt  }
0x65: {  	_ =	shalt  }
0x66: {  	_ =	shalt  }
0x67: {  	_ =	shalt  }
0x68: {  	_ =	shalt  }
0x69: {  	_ =	shalt  }
0x6a: {  	_ =	shalt  }
0x6b: {  	_ =	shalt  }
0x6c: {  	_ =	shalt  }
0x6d: {  	_ =	shalt  }
0x6e: {  	_ =	shalt  }
0x6f: {  	_ =	shalt  }
0x70: {  	_ =	shalt  }
0x71: {  	_ =	shalt  }
0x72: {  	_ =	shalt  }
0x73: {  	_ =	shalt  }
0x74: {  	_ =	shalt  }
0x75: {  	_ =	shalt  }
0x76: {  	_ =	shalt  }
0x77: {  	_ =	shalt  }
0x78: {  	_ =	shalt  }
0x79: {  	_ =	shalt  }
0x7a: {  	_ =	shalt  }
0x7b: {  	_ =	shalt  }
0x7c: {  	_ =	shalt  }
0x7d: {  	_ =	shalt  }
0x7e: {  	_ =	shalt  }
0x7f: {  	_ =	shalt  }
0x80: {  	_ =	shalt  }
0x81: {  	_ =	shalt  }
0x82: {  	_ =	shalt  }
0x83: {  	_ =	shalt  }
0x84: {  	_ =	shalt  }
0x85: {  	_ =	shalt  }
0x86: {  	_ =	shalt  }
0x87: {  	_ =	shalt  }
.Lfunc_end0:
.L_simem_size_0:
called_computation_lowered:
.L_overlay_start_0:
0x88: {  	s2 =	sld [smem:$0x3FD9]  }
0x89: {  	s3 =	sld [smem:$0x3FFE];
	_ =	sdelay $0x1  }
0x8a: {  	s1 =	srdreg.scid  }
0x8b: {  	s0 =	sand.u32 $0x1, s1  }
0x8c: {  	s17 =	sshll.u32 s0, $0xA;
	s2 =	sadd.s32 s3, s2  }
0x8d: {  	s2 =	sadd.s32 s2, s17  }
0x8e: {  	[smem:$0x3FC6] =	sst s2  }
0x8f: {  	_ = 	snop  }
0x90: {  	s2 =	sld [smem:$0x3FC9]  }
0x91: {  	s18 =	sld [smem:$0x3FD0];
	(tm) =	ssettm $0x1  }
0x92: {  	s4 =	sld [smem:$0x3FFB];
	_ =	sdelay $0x3  }
0x93: {  	_ =	strace s4  }
0x94: {  	s4 =	sld [smem:$0x3FFC];
	_ =	sdelay $0x3  }
0x95: {  	_ =	strace s4  }
0x96: {  	s4 =	sld [smem:$0x3FFD];
	_ =	sdelay $0x3  }
0x97: {  	_ =	strace s4  }
0x98: {  	_ =	strace $0x8FFFFFFF  }
0x99: {  	s19 =	sld [smem:$0x3FDB];
	_ =	sdelay $0x1  }
0x9a: {  	s5 =	simm.s32 $_scs_section_size  }
0x9b: {  	s6 =	simm.s32 $_size__tile_overlayer_lowered;
	s7 =	simm.s32 $_tile_overlayer_lowered  }
0x9c: {  	s22 =	simm.s32 $0x1BFF;
	s21 =	sshll.u32 s7, $0x1;
	s4 =	sadd.s32 s5, s19  }
0x9d: {  	s8 =	simm.s32 $0x0;
	s20 =	sshll.u32 s6, $0x1;
	s6 =	sadd.s32 s21, s4  }
0x9e: {  	[timem:s8], [sflag:s22] =	dma.local [hbm:s6], s20  }
0x9f: {  	_ =	swait.ge [sflag:s22], s20  }
0xa0: {  	s5 =	ssub.s32 $0x0, s20;
	[sflag:s22] =	ssyncset.done $0x0  }
0xa1: {  	[sflag:s22] =	ssyncadd.s32 s5;
	_ =	sdelay $0x1  }
0xa2: {  	s23 =	simm.s32 $0x1B8B  }
0xa3: {  	_ =	swait.ge [sflag:s23], $0x1  }
0xa4: {  	[sflag:s23] =	ssyncset.done $0x0  }
0xa5: {  	s25 =	simm.s32 $0x1B8E;
	s24 =	sld [smem:$0x3FFE];
	[sflag:s23] =	ssyncadd.s32 $0xFFFFFFFF  }
0xa6: {  	s26 =	simm.s32 $execute0_lowered;
	[smem:$0x3FD2] =	sst s25  }
0xa7: {  	s6 =	sshll.u32 s26, $0x1;
	_ =	strace $0x80000046;
	[dreg:$0x1] =	wrdreg $0xFFFFFFFF  }
0xa8: {  	s28 =	simm.s32 $_size_execute0_lowered;
	s4 =	sadd.s32 s4, s6;
	[dreg:$0x0] =	wrdreg $0x0  }
0xa9: {  	s6 =	sshll.u32 s28, $0x1;
	[dreg:$0x2] =	wrdreg s4  }
0xaa: {  	[dreg:$0x3] =	wrdreg s6  }
0xab: {  	[dreg:$0x4] =	wrdreg $0xC0  }
0xac: {  	_ =	task [dreg:s8], $0x5FFFF  }
0xad: {  	[dreg:$0x1] =	wrdreg $0xFFFFFFFF  }
0xae: {  	[dreg:$0x0] =	wrdreg $0x60  }
0xaf: {  	[dreg:$0x2] =	wrdreg s2  }
0xb0: {  	[dreg:$0x3] =	wrdreg s24  }
0xb1: {  	[dreg:$0x4] =	wrdreg s18  }
0xb2: {  	[dreg:$0x5] =	wrdreg $0x9  }
0xb3: {  	_ =	task.clear_ibuf [dreg:s8], $0x6FFFF;
	_ =	strace $0x90000046  }
0xb4: {  	s29 =	simm.s32 $0x9;
	_ =	strace $0x80000048  }
0xb5: {  	_ =	swait.ge [sflag:s29], $0x1  }
0xb6: {  	[sflag:s29] =	ssyncadd.s32 $0xFFFFFFFF  }
0xb7: {  	_ =	strace $0x90000048  }
0xb8: {  	_ =	sfence  }
0xb9: {  	s30 =	sld [smem:$0x0];
	_ =	sdelay $0x2  }
0xba: {  	s31 =	sshll.u32 s1, $0xD;
	s1 =	sshrl.u32 s1, $0x2  }
0xbb: {  	s3 =	sand.u32 $0x4000, s31;
	s1 =	sadd.s32 s1, s30  }
0xbc: {  	s0 =	sor.u32 s3, s0;
	s1 =	sshll.u32 s1, $0x11  }
0xbd: {  	s0 =	sor.u32 s1, s0  }
0xbe: {  	s0 =	sadd.s32 $0x8F2B, s0  }
0xbf: {  	[sflag:s0] =	ssyncadd.remote.s32 $0x1  }
0xc0: {  	_ =	sfence.sel $0xFFFF  }
0xc1: {  	[dreg:$0x0] =	wrdreg $0xFFFFFFFF;
	(pc) =	sbr.abs _section_cstart, $3  }
0xc2: {  	[dreg:$0x1] =	wrdreg $0xFFFFFFFF  }
0xc3: {  	_ =	task.clear_ibuf [dreg:s8], $0x2FFFF;
	_ =	strace $0x9FFFFFFF  }
0xc4: {  	(tm) =	ssettm $0x7FFFFFFF  }
0xc5: {  	_ =	shalt  }
tec
execute0_lowered:
.L_overlay_start_1:
0x0: {  	(tag) =	ssettag $0x1  }
0x1: {  	s0 =	rddreg [dreg:$0x0]  }
0x2: {  	s1 =	rddreg [dreg:$0x1]  }
0x3: {  	s2 =	srdreg.scid;
	s5 =	stileid.u32  }
0x4: {  	s3 =	simm.s32 $0x0;
	s2 =	sand.u32 $0x1, s2;
	s5 =	sshll.u32 s5, $0xB  }
0x5: {  	[smem:$0x7FF] =	sst s3;
	s4 =	ssub.s32 $0x2, s2;
	s2 =	sshll.u32 s2, $0xA  }
0x6: {  	_ =	strace $0x80000047;
	s6 =	sshrl.u32 s4, $0x1;
	s5 =	sor.u32 s2, s5  }
0x7: {  	[smem:$0x7FA] =	sst s5;
	s30 =	sshrl.u32 s5, $0x3;
	s5 =	sadd.s32 $0x400, s1  }
0x8: {  	s29 =	ssub.s32 s4, s6;
	s0 =	sadd.s32 s0, s30;
	[smem:$0x7FD] =	sst s5  }
0x9: {  	s31 =	smax.u32 s29, $0x1;
	[smem:$0x7FB] =	sst s0  }
0xa: {  	s2 =	simm.s32 $0x0;
	[smem:$0x7FC] =	sst s31  }
.LBB2_1:
0xb: {  	[smem:$0x7F9] =	sst s2;
	s0 =	simm.s32 $0x4  }
0xc: {  	s4 =	sadd.s32 $0x0, s5;
	s1 =	simm.s32 $0x28;
	s2 =	simm.s32 $0x0  }
.LBB2_2:
0xd: {  	[tilespmem:s2], [sflag:$0x3] =	stream.linear.gather [hbm4b:s4+s3], $0x20, $0x38;
	[tilespmem:$0x1A040] =	vst v63  }
0xe: {  	s4 =	smov.u32 s0;
	s2 =	smov.u32 s1;
	p0 =	sne.s32 s0, $0xF9C  }
.Ltmp0:
0xf: {  	s0 =	sadd.s32 $0x4, s0;
	(pc) =	sbr.rel @p0 .LBB2_2-.Ltmp0, $2  }
0x10: {  	_ =	sdelay $0x2  }
0x11: {  	s1 =	sadd.s32 $0x28, s1;
	s4 =	sadd.s32 s4, s5  }
0x12: {  	[tilespmem:s2], [sflag:$0x3] =	stream.linear.gather [hbm4b:s4+s3], $0x20, $0x38;
	[tilespmem:$0x1A040] =	vst v63  }
0x13: {  	s1 =	simm.s32 $0x3  }
0x14: {  	_ =	swait.ge [sflag:s1], $0x7D00  }
0x15: {  	s0 =	sld [smem:$0x7FB]  }
0x16: {  	s30 =	simm.s32 $0x400;
	[sflag:s1] =	ssyncset.done $0x0  }
0x17: {  	s31 =	simm.s32 $0x8000;
	s5 =	simm.s32 $0x9C40;
	[sflag:s1] =	ssyncadd.s32 $0xFFFF8300  }
0x18: {  	[tilespmem:s5], [sflag:$0x3] =	stream.strided.gather [hbm4b:s0+s30], $0x6400, s31, s30, $0x38;
	[tilespmem:$0x1A040] =	vst v63  }
0x19: {  	_ =	swait.ge [sflag:s1], $0x6400  }
0x1a: {  	[sflag:s1] =	ssyncset.done $0x0  }
0x1b: {  	s29 =	simm.s32 $0x0;
	[sflag:s1] =	ssyncadd.s32 $0xFFFF9C00  }
.LBB2_4:
0x1c: {  	p0 =	seq.s32 s29, $0x0;
	s1 =	smul.u32 $0xA, s29  }
0x1d: {  	s0 =	simm.s32 @!p0 $0x1  }
0x1e: {  	_ =	swait.ge @!p0 [sflag:s0], $0x5000;
	[dreg:$0x4] =	wrdreg s1  }
0x1f: {  	s1 =	rddreg [dreg:$0x4]  }
0x20: {  	s1 =	sadd.s32 $0x0, s1  }
0x21: {  	s7 =	simm.s32 $0x0;
	s1 =	sshll.u32 s1, $0x7  }
0x22: {  	s17 =	sand.u32 $0x70, s7;
	[sflag:s0] =	ssyncset.done @!p0 $0x0;
	s1 =	sand.u32 $0x1FF80, s1  }
0x23: {  	[sflag:s0] =	ssyncadd.s32 @!p0 $0xFFFFB000;
	s6 =	sor.u32 s17, s1  }
0x24: {  	v0 =	vld [tilespmem:s6+$0x9C40];
	_ =	sdelay $0x4  }
0x25: {  	v2 =	vmul.u32 $0x28, v0;
	_ =	sdelay $0x5  }
0x26: {  	v0 =	vld.idx.msk [tilespmem:v2+s3+$0x0], $0xffff  }
0x27: {  	v1 =	vor.u32 $0x1, v2;
	_ =	sdelay $0x2  }
0x28: {  	s8 =	sadd.s32 $0x10040, s17  }
0x29: {  	[tilespmem:s8+$0x0] =	vst v0  }
0x2a: {  	v0 =	vld.idx.msk [tilespmem:v1+s3+$0x0], $0xffff  }
0x2b: {  	v1 =	vor.u32 $0x2, v2;
	_ =	sdelay $0x1  }
0x2c: {  	s8 =	sor.u32 $0x80, s17  }
0x2d: {  	s9 =	sadd.s32 $0x10040, s8  }
0x2e: {  	[tilespmem:s9+$0x0] =	vst v0  }
0x2f: {  	s10 =	rddreg [dreg:$0x4];
	v0 =	vld.idx.msk [tilespmem:v1+s3+$0x0], $0xffff  }
0x30: {  	s11 =	sadd.s32 $0x0, s10;
	v1 =	vor.u32 $0x3, v2  }
0x31: {  	s0 =	sshll.u32 s11, $0x7;
	s1 =	simm.s32 $0x10  }
0x32: {  	s20 =	sor.u32 $0x100, s17;
	s0 =	sand.u32 $0x1FF80, s0;
	s2 =	sand.u32 $0x70, s1  }
0x33: {  	s5 =	sadd.s32 $0x10040, s20;
	s0 =	sor.u32 s2, s0  }
0x34: {  	v3 =	vld [tilespmem:s0+$0x9C40];
	[tilespmem:s5+$0x0] =	vst v0  }
0x35: {  	v0 =	vld.idx.msk [tilespmem:v1+s3+$0x0], $0xffff  }
0x36: {  	v1 =	vor.u32 $0x4, v2;
	_ =	sdelay $0x1  }
0x37: {  	s11 =	sor.u32 $0x180, s17  }
0x38: {  	s12 =	sadd.s32 $0x10040, s11  }
0x39: {  	[tilespmem:s12+$0x0] =	vst v0;
	v0 =	vmul.u32 $0x28, v3  }
0x3a: {  	v1 =	vld.idx.msk [tilespmem:v1+s3+$0x0], $0xffff  }
0x3b: {  	v3 =	vor.u32 $0x5, v2;
	_ =	sdelay $0x1  }
0x3c: {  	s31 =	sor.u32 $0x200, s17  }
0x3d: {  	s13 =	sadd.s32 $0x10040, s31  }
0x3e: {  	v4 =	vld.idx.msk [tilespmem:v0+s3+$0x0], $0xffff;
	[tilespmem:s13+$0x0] =	vst v1  }
0x3f: {  	v1 =	vld.idx.msk [tilespmem:v3+s3+$0x0], $0xffff;
	v3 =	vor.u32 $0x1, v0;
	_ =	sdelay $0x1  }
0x40: {  	v5 =	vor.u32 $0x6, v2  }
0x41: {  	s14 =	sadd.s32 $0x10040, s2  }
0x42: {  	s28 =	sor.u32 $0x280, s17;
	[tilespmem:s14+$0x0] =	vst v4  }
0x43: {  	s15 =	sadd.s32 $0x10040, s28;
	v3 =	vld.idx.msk [tilespmem:v3+s3+$0x0], $0xffff  }
0x44: {  	[tilespmem:s15+$0x0] =	vst v1  }
0x45: {  	v4 =	vor.u32 $0x2, v0;
	v1 =	vld.idx.msk [tilespmem:v5+s3+$0x0], $0xffff  }
0x46: {  	s26 =	sor.u32 $0x80, s2  }
0x47: {  	s16 =	sadd.s32 $0x10040, s26  }
0x48: {  	s15 =	sor.u32 $0x300, s17;
	v5 =	vor.u32 $0x7, v2;
	[tilespmem:s16+$0x0] =	vst v3  }
0x49: {  	s19 =	sadd.s32 $0x10040, s15;
	[dreg:$0xe] =	wrdreg s15  }
0x4a: {  	[tilespmem:s19+$0x0] =	vst v1;
	v1 =	vld.idx.msk [tilespmem:v4+s3+$0x0], $0xffff  }
0x4b: {  	s18 =	rddreg [dreg:$0x4]  }
0x4c: {  	s21 =	sadd.s32 $0x0, s18;
	s0 =	simm.s32 $0x20;
	v4 =	vor.u32 $0x3, v0  }
0x4d: {  	s23 =	sand.u32 $0x70, s0;
	s5 =	sshll.u32 s21, $0x7;
	s12 =	sor.u32 $0x100, s2;
	v3 =	vld.idx.msk [tilespmem:v5+s3+$0x0], $0xffff  }
0x4e: {  	s5 =	sand.u32 $0x1FF80, s5;
	s6 =	sadd.s32 $0x10040, s12;
	v5 =	vadd.s32 $0x8, v2;
	[smem:$0x7EA] =	sst s12  }
0x4f: {  	s5 =	sor.u32 s23, s5;
	s14 =	sor.u32 $0x380, s7;
	[tilespmem:s6+$0x0] =	vst v1  }
0x50: {  	v6 =	vld [tilespmem:s5+$0x9C40];
	[smem:$0x7EB] =	sst s14  }
0x51: {  	s22 =	sadd.s32 $0x10040, s14;
	v1 =	vld.idx.msk [tilespmem:v4+s3+$0x0], $0xffff  }
0x52: {  	[tilespmem:s22+$0x0] =	vst v3;
	v4 =	vor.u32 $0x4, v0  }
0x53: {  	v3 =	vld.idx.msk [tilespmem:v5+s3+$0x0], $0xffff  }
0x54: {  	s13 =	sor.u32 $0x180, s2;
	v5 =	vadd.s32 $0x9, v2  }
0x55: {  	s24 =	sadd.s32 $0x10040, s13  }
0x56: {  	[tilespmem:s24+$0x0] =	vst v1;
	v1 =	vmul.u32 $0x28, v6  }
0x57: {  	s25 =	sadd.s32 $0x10440, s17;
	v4 =	vld.idx.msk [tilespmem:v4+s3+$0x0], $0xffff  }
0x58: {  	[tilespmem:s25+$0x0] =	vst v3  }
0x59: {  	v3 =	vld.idx.msk [tilespmem:v5+s3+$0x0], $0xffff;
	v5 =	vor.u32 $0x5, v0  }
0x5a: {  	s10 =	sor.u32 $0x200, s2  }
0x5b: {  	s4 =	sadd.s32 $0x10040, s10;
	v6 =	vadd.s32 $0xA, v2;
	[smem:$0x7EF] =	sst s10  }
0x5c: {  	v7 =	vld.idx.msk [tilespmem:v1+s3+$0x0], $0xffff;
	[tilespmem:s4+$0x0] =	vst v4  }
0x5d: {  	[smem:$0x7F0] =	sst s8  }
0x5e: {  	s6 =	sadd.s32 $0x10440, s8;
	v4 =	vld.idx.msk [tilespmem:v5+s3+$0x0], $0xffff  }
0x5f: {  	[tilespmem:s6+$0x0] =	vst v3;
	v3 =	vor.u32 $0x1, v1  }
0x60: {  	s7 =	sadd.s32 $0x10040, s23;
	v5 =	vld.idx.msk [tilespmem:v6+s3+$0x0], $0xffff;
	v6 =	vor.u32 $0x6, v0  }
0x61: {  	v8 =	vadd.s32 $0xB, v2;
	s16 =	sor.u32 $0x280, s2;
	[tilespmem:s7+$0x0] =	vst v7  }
0x62: {  	s24 =	smov.u32 s8;
	s8 =	sadd.s32 $0x10040, s16;
	[dreg:$0x6] =	wrdreg s16  }
0x63: {  	[tilespmem:s8+$0x0] =	vst v4  }
0x64: {  	s9 =	sadd.s32 $0x10440, s20;
	v3 =	vld.idx.msk [tilespmem:v3+s3+$0x0], $0xffff;
	[smem:$0x7F2] =	sst s20  }
0x65: {  	v4 =	vld.idx.msk [tilespmem:v6+s3+$0x0], $0xffff;
	[tilespmem:s9+$0x0] =	vst v5;
	v5 =	vor.u32 $0x2, v1  }
0x66: {  	v7 =	vor.u32 $0x7, v0;
	v6 =	vld.idx.msk [tilespmem:v8+s3+$0x0], $0xffff  }
0x67: {  	s8 =	sor.u32 $0x80, s23;
	v8 =	vadd.s32 $0xC, v2  }
0x68: {  	s18 =	sadd.s32 $0x10040, s8;
	s9 =	sor.u32 $0x300, s2  }
0x69: {  	s21 =	sadd.s32 $0x10040, s9;
	[tilespmem:s18+$0x0] =	vst v3  }
0x6a: {  	s19 =	rddreg [dreg:$0x4];
	s22 =	sadd.s32 $0x10440, s11;
	[tilespmem:s21+$0x0] =	vst v4;
	v3 =	vld.idx.msk [tilespmem:v5+s3+$0x0], $0xffff  }
0x6b: {  	s25 =	sadd.s32 $0x0, s19;
	v5 =	vor.u32 $0x3, v1;
	[tilespmem:s22+$0x0] =	vst v6;
	v4 =	vld.idx.msk [tilespmem:v7+s3+$0x0], $0xffff  }
0x6c: {  	s5 =	sshll.u32 s25, $0x7;
	s6 =	simm.s32 $0x30;
	v7 =	vadd.s32 $0x8, v0;
	v6 =	vld.idx.msk [tilespmem:v8+s3+$0x0], $0xffff  }
0x6d: {  	s5 =	sand.u32 $0x1FF80, s5;
	s30 =	sand.u32 $0x70, s6;
	s22 =	sor.u32 $0x100, s23;
	v8 =	vadd.s32 $0xD, v2  }
0x6e: {  	s25 =	sor.u32 $0x380, s1;
	s5 =	sor.u32 s30, s5;
	s4 =	sadd.s32 $0x10040, s22  }
0x6f: {  	s1 =	sadd.s32 $0x10040, s25;
	v9 =	vld [tilespmem:s5+$0x9C40];
	[tilespmem:s4+$0x0] =	vst v3  }
0x70: {  	s18 =	sadd.s32 $0x10440, s31;
	v3 =	vld.idx.msk [tilespmem:v5+s3+$0x0], $0xffff;
	[tilespmem:s1+$0x0] =	vst v4  }
0x71: {  	v5 =	vor.u32 $0x4, v1;
	v4 =	vld.idx.msk [tilespmem:v7+s3+$0x0], $0xffff;
	[tilespmem:s18+$0x0] =	vst v6  }
0x72: {  	v7 =	vadd.s32 $0x9, v0;
	v6 =	vld.idx.msk [tilespmem:v8+s3+$0x0], $0xffff  }
0x73: {  	s7 =	sor.u32 $0x180, s23;
	v8 =	vadd.s32 $0xE, v2  }
0x74: {  	s19 =	sadd.s32 $0x10040, s7  }
0x75: {  	s21 =	sadd.s32 $0x10440, s2;
	[tilespmem:s19+$0x0] =	vst v3;
	v3 =	vmul.u32 $0x28, v9  }
0x76: {  	s4 =	sadd.s32 $0x10440, s28;
	v5 =	vld.idx.msk [tilespmem:v5+s3+$0x0], $0xffff;
	[tilespmem:s21+$0x0] =	vst v4  }
0x77: {  	v4 =	vld.idx.msk [tilespmem:v7+s3+$0x0], $0xffff;
	[tilespmem:s4+$0x0] =	vst v6;
	v6 =	vor.u32 $0x5, v1  }
0x78: {  	v7 =	vld.idx.msk [tilespmem:v8+s3+$0x0], $0xffff;
	v8 =	vadd.s32 $0xA, v0  }
0x79: {  	s19 =	sor.u32 $0x200, s23;
	v9 =	vadd.s32 $0xF, v2  }
0x7a: {  	s5 =	sadd.s32 $0x10040, s19  }
0x7b: {  	s18 =	sadd.s32 $0x10440, s26;
	v10 =	vld.idx.msk [tilespmem:v3+s3+$0x0], $0xffff;
	[tilespmem:s5+$0x0] =	vst v5  }
0x7c: {  	s21 =	sadd.s32 $0x10440, s15;
	v5 =	vld.idx.msk [tilespmem:v6+s3+$0x0], $0xffff;
	[tilespmem:s18+$0x0] =	vst v4;
	v4 =	vor.u32 $0x1, v3  }
0x7d: {  	v6 =	vld.idx.msk [tilespmem:v8+s3+$0x0], $0xffff;
	[tilespmem:s21+$0x0] =	vst v7;
	v7 =	vor.u32 $0x6, v1  }
0x7e: {  	v8 =	vld.idx.msk [tilespmem:v9+s3+$0x0], $0xffff;
	v9 =	vadd.s32 $0xB, v0  }
0x7f: {  	s4 =	sadd.s32 $0x10040, s30;
	s21 =	sor.u32 $0x280, s23  }
0x80: {  	v11 =	vadd.s32 $0x10, v2;
	s5 =	sadd.s32 $0x10040, s21;
	[tilespmem:s4+$0x0] =	vst v10  }
0x81: {  	s12 =	sadd.s32 $0x10440, s12;
	v4 =	vld.idx.msk [tilespmem:v4+s3+$0x0], $0xffff;
	[tilespmem:s5+$0x0] =	vst v5  }
0x82: {  	s14 =	sadd.s32 $0x10440, s14;
	v5 =	vld.idx.msk [tilespmem:v7+s3+$0x0], $0xffff;
	[tilespmem:s12+$0x0] =	vst v6;
	v6 =	vor.u32 $0x2, v3  }
0x83: {  	v7 =	vld.idx.msk [tilespmem:v9+s3+$0x0], $0xffff;
	[tilespmem:s14+$0x0] =	vst v8;
	v8 =	vor.u32 $0x7, v1  }
0x84: {  	v10 =	vadd.s32 $0xC, v0;
	s12 =	sor.u32 $0x80, s30  }
0x85: {  	s15 =	sadd.s32 $0x10040, s12;
	s14 =	sor.u32 $0x300, s23;
	v9 =	vld.idx.msk [tilespmem:v11+s3+$0x0], $0xffff  }
0x86: {  	v11 =	vadd.s32 $0x11, v2;
	s4 =	sadd.s32 $0x10040, s14;
	[tilespmem:s15+$0x0] =	vst v4  }
0x87: {  	s18 =	rddreg [dreg:$0x4];
	s15 =	sadd.s32 $0x10440, s13;
	[tilespmem:s4+$0x0] =	vst v5;
	v4 =	vld.idx.msk [tilespmem:v6+s3+$0x0], $0xffff  }
0x88: {  	s18 =	sadd.s32 $0x0, s18;
	v6 =	vor.u32 $0x3, v3;
	[tilespmem:s15+$0x0] =	vst v7;
	v5 =	vld.idx.msk [tilespmem:v8+s3+$0x0], $0xffff  }
0x89: {  	s4 =	sadd.s32 $0x10840, s17;
	s15 =	sshll.u32 s18, $0x7;
	v8 =	vadd.s32 $0x8, v1;
	s18 =	simm.s32 $0x40;
	v7 =	vld.idx.msk [tilespmem:v10+s3+$0x0], $0xffff  }
0x8a: {  	[tilespmem:s4+$0x0] =	vst v9;
	s5 =	sand.u32 $0x1FF80, s15;
	v10 =	vadd.s32 $0xD, v0;
	s18 =	sand.u32 $0x70, s18;
	s4 =	sor.u32 $0x100, s30  }
0x8b: {  	s15 =	sor.u32 $0x380, s0;
	v9 =	vld.idx.msk [tilespmem:v11+s3+$0x0], $0xffff;
	s5 =	sor.u32 s18, s5;
	s1 =	sadd.s32 $0x10040, s4  }
0x8c: {  	v11 =	vadd.s32 $0x12, v2;
	v12 =	vld [tilespmem:s5+$0x9C40];
	s5 =	sadd.s32 $0x10040, s15;
	[tilespmem:s1+$0x0] =	vst v4  }
0x8d: {  	s1 =	sadd.s32 $0x10440, s10;
	[tilespmem:s5+$0x0] =	vst v5;
	v4 =	vld.idx.msk [tilespmem:v6+s3+$0x0], $0xffff  }
0x8e: {  	v6 =	vor.u32 $0x4, v3;
	[tilespmem:s1+$0x0] =	vst v7;
	v5 =	vld.idx.msk [tilespmem:v8+s3+$0x0], $0xffff  }
0x8f: {  	s5 =	sadd.s32 $0x10840, s24;
	v8 =	vadd.s32 $0x9, v1;
	v7 =	vld.idx.msk [tilespmem:v10+s3+$0x0], $0xffff  }
0x90: {  	s1 =	sor.u32 $0x180, s30;
	[tilespmem:s5+$0x0] =	vst v9;
	v10 =	vadd.s32 $0xE, v0  }
0x91: {  	s10 =	sadd.s32 $0x10040, s1;
	v9 =	vld.idx.msk [tilespmem:v11+s3+$0x0], $0xffff  }
0x92: {  	s24 =	sadd.s32 $0x10440, s23;
	v11 =	vadd.s32 $0x13, v2;
	[tilespmem:s10+$0x0] =	vst v4;
	v4 =	vmul.u32 $0x28, v12  }
0x93: {  	s5 =	sadd.s32 $0x10440, s16;
	[tilespmem:s24+$0x0] =	vst v5;
	v5 =	vld.idx.msk [tilespmem:v6+s3+$0x0], $0xffff  }
0x94: {  	[tilespmem:s5+$0x0] =	vst v7;
	v6 =	vld.idx.msk [tilespmem:v8+s3+$0x0], $0xffff  }
0x95: {  	s10 =	sadd.s32 $0x10840, s20;
	v7 =	vor.u32 $0x5, v3;
	v8 =	vld.idx.msk [tilespmem:v10+s3+$0x0], $0xffff  }
0x96: {  	s20 =	sor.u32 $0x200, s30;
	[tilespmem:s10+$0x0] =	vst v9;
	v9 =	vadd.s32 $0xA, v1  }
0x97: {  	s16 =	sadd.s32 $0x10040, s20;
	v10 =	vld.idx.msk [tilespmem:v11+s3+$0x0], $0xffff  }
0x98: {  	s24 =	sadd.s32 $0x10440, s8;
	v11 =	vadd.s32 $0xF, v0;
	[tilespmem:s16+$0x0] =	vst v5;
	v5 =	vld.idx.msk [tilespmem:v4+s3+$0x0], $0xffff  }
0x99: {  	v12 =	vadd.s32 $0x14, v2;
	s5 =	sadd.s32 $0x10440, s9;
	[tilespmem:s24+$0x0] =	vst v6  }
0x9a: {  	v6 =	vld.idx.msk [tilespmem:v7+s3+$0x0], $0xffff;
	[tilespmem:s5+$0x0] =	vst v8  }
0x9b: {  	s16 =	smov.u32 s8;
	s8 =	sadd.s32 $0x10840, s11;
	v7 =	vor.u32 $0x1, v4;
	v8 =	vld.idx.msk [tilespmem:v9+s3+$0x0], $0xffff;
	[smem:$0x7E3] =	sst s11  }
0x9c: {  	s24 =	smov.u32 s9;
	s9 =	sadd.s32 $0x10040, s18;
	[tilespmem:s8+$0x0] =	vst v10  }
0x9d: {  	s10 =	sor.u32 $0x280, s30;
	v9 =	vor.u32 $0x6, v3;
	v10 =	vld.idx.msk [tilespmem:v11+s3+$0x0], $0xffff;
	[tilespmem:s9+$0x0] =	vst v5  }
0x9e: {  	s11 =	sadd.s32 $0x10040, s10;
	v11 =	vadd.s32 $0xB, v1;
	v12 =	vld.idx.msk [tilespmem:v12+s3+$0x0], $0xffff;
	[smem:$0x7E4] =	sst s10  }
0x9f: {  	v13 =	vadd.s32 $0x10, v0;
	[tilespmem:s11+$0x0] =	vst v6  }
0xa0: {  	v5 =	vadd.s32 $0x15, v2;
	v6 =	vld.idx.msk [tilespmem:v7+s3+$0x0], $0xffff;
	[dreg:$0x10] =	wrdreg s22;
	s22 =	sadd.s32 $0x10440, s22  }
0xa1: {  	s5 =	sadd.s32 $0x10440, s25;
	[tilespmem:s22+$0x0] =	vst v8  }
0xa2: {  	v7 =	vld.idx.msk [tilespmem:v9+s3+$0x0], $0xffff;
	[tilespmem:s5+$0x0] =	vst v10  }
0xa3: {  	s9 =	sadd.s32 $0x10840, s31;
	v9 =	vld.idx.msk [tilespmem:v11+s3+$0x0], $0xffff;
	[dreg:$0x1c] =	wrdreg s31  }
0xa4: {  	s10 =	sor.u32 $0x80, s18;
	v8 =	vor.u32 $0x2, v4;
	[tilespmem:s9+$0x0] =	vst v12;
	v11 =	vld.idx.msk [tilespmem:v13+s3+$0x0], $0xffff  }
0xa5: {  	s5 =	sadd.s32 $0x10040, s10;
	v5 =	vld.idx.msk [tilespmem:v5+s3+$0x0], $0xffff;
	[smem:$0x7E5] =	sst s10  }
0xa6: {  	v10 =	vor.u32 $0x7, v3;
	s22 =	sor.u32 $0x300, s30;
	[tilespmem:s5+$0x0] =	vst v6  }
0xa7: {  	s8 =	smov.u32 s25;
	s25 =	sadd.s32 $0x10040, s22;
	[dreg:$0x1e] =	wrdreg s22  }
0xa8: {  	v12 =	vadd.s32 $0xC, v1;
	[tilespmem:s25+$0x0] =	vst v7  }
0xa9: {  	s9 =	sadd.s32 $0x10440, s7;
	v7 =	vld.idx.msk [tilespmem:v8+s3+$0x0], $0xffff;
	[dreg:$0xf] =	wrdreg s7  }
0xaa: {  	s11 =	rddreg [dreg:$0x4];
	[tilespmem:s9+$0x0] =	vst v9  }
0xab: {  	v13 =	vadd.s32 $0x11, v0;
	s10 =	sadd.s32 $0x10840, s2;
	v8 =	vld.idx.msk [tilespmem:v10+s3+$0x0], $0xffff;
	[smem:$0x7E6] =	sst s2  }
0xac: {  	s0 =	sadd.s32 $0x0, s11;
	[tilespmem:s10+$0x0] =	vst v11  }
0xad: {  	s11 =	simm.s32 $0x50;
	v6 =	vadd.s32 $0x16, v2;
	v10 =	vld.idx.msk [tilespmem:v12+s3+$0x0], $0xffff;
	s10 =	simm.s32 $0x50;
	[dreg:$0x18] =	wrdreg s28  }
0xae: {  	s0 =	sshll.u32 s0, $0x7;
	s25 =	sadd.s32 $0x10840, s28;
	[smem:$0x7E7] =	sst s10  }
0xaf: {  	s5 =	sand.u32 $0x70, s11;
	s22 =	sand.u32 $0x1FF80, s0;
	v9 =	vor.u32 $0x3, v4;
	[tilespmem:s25+$0x0] =	vst v5;
	s25 =	sor.u32 $0x100, s18  }
0xb0: {  	s7 =	sor.u32 s5, s22;
	v5 =	vld.idx.msk [tilespmem:v13+s3+$0x0], $0xffff;
	s22 =	sadd.s32 $0x10040, s25  }
0xb1: {  	s11 =	sor.u32 $0x380, s6;
	v11 =	vadd.s32 $0x8, v3;
	v14 =	vld [tilespmem:s7+$0x9C40];
	[tilespmem:s22+$0x0] =	vst v7  }
0xb2: {  	s10 =	sadd.s32 $0x10040, s11;
	v6 =	vld.idx.msk [tilespmem:v6+s3+$0x0], $0xffff;
	[smem:$0x7E8] =	sst s11  }
0xb3: {  	[tilespmem:s10+$0x0] =	vst v8  }
0xb4: {  	v12 =	vadd.s32 $0xD, v1;
	s11 =	sadd.s32 $0x10440, s19;
	v8 =	vld.idx.msk [tilespmem:v9+s3+$0x0], $0xffff;
	[dreg:$0xc] =	wrdreg s19  }
0xb5: {  	v13 =	vadd.s32 $0x12, v0;
	[tilespmem:s11+$0x0] =	vst v10  }
0xb6: {  	v7 =	vadd.s32 $0x17, v2;
	s22 =	sadd.s32 $0x10840, s26;
	v9 =	vld.idx.msk [tilespmem:v11+s3+$0x0], $0xffff;
	[dreg:$0x11] =	wrdreg s26  }
0xb7: {  	s2 =	rddreg [dreg:$0x4];
	[tilespmem:s22+$0x0] =	vst v5  }
0xb8: {  	s26 =	rddreg [dreg:$0xe]  }
0xb9: {  	s28 =	simm.s32 $0x60;
	s19 =	sadd.s32 $0x0, s2;
	v11 =	vld.idx.msk [tilespmem:v12+s3+$0x0], $0xffff;
	s2 =	sadd.s32 $0x10840, s26  }
0xba: {  	s9 =	sor.u32 $0x180, s18;
	s10 =	sand.u32 $0x70, s28;
	v10 =	vor.u32 $0x4, v4;
	s6 =	sshll.u32 s19, $0x7;
	v13 =	vld.idx.msk [tilespmem:v13+s3+$0x0], $0xffff;
	[tilespmem:s2+$0x0] =	vst v6  }
0xbb: {  	s11 =	sadd.s32 $0x10040, s9;
	s6 =	sand.u32 $0x1FF80, s6;
	v7 =	vld.idx.msk [tilespmem:v7+s3+$0x0], $0xffff;
	[smem:$0x7E9] =	sst s9  }
0xbc: {  	s6 =	sor.u32 s10, s6;
	[tilespmem:s11+$0x0] =	vst v8  }
0xbd: {  	s19 =	sadd.s32 $0x10440, s30;
	v6 =	vld [tilespmem:s6+$0x9C40];
	[dreg:$0x1a] =	wrdreg s30  }
0xbe: {  	[tilespmem:s19+$0x0] =	vst v9  }
0xbf: {  	v9 =	vld.idx.msk [tilespmem:v10+s3+$0x0], $0xffff;
	[dreg:$0x15] =	wrdreg s21;
	s21 =	sadd.s32 $0x10440, s21  }
0xc0: {  	[tilespmem:s21+$0x0] =	vst v11  }
0xc1: {  	s22 =	sld [smem:$0x7EA]  }
0xc2: {  	v12 =	vadd.s32 $0x9, v3  }
0xc3: {  	v15 =	vadd.s32 $0xE, v1;
	v5 =	vmul.u32 $0x28, v14  }
0xc4: {  	s2 =	sadd.s32 $0x10840, s22  }
0xc5: {  	v16 =	vadd.s32 $0x13, v0;
	[tilespmem:s2+$0x0] =	vst v13  }
0xc6: {  	v8 =	vadd.s32 $0x18, v2;
	s7 =	sld [smem:$0x7EB]  }
0xc7: {  	v10 =	vld.idx.msk [tilespmem:v12+s3+$0x0], $0xffff;
	s21 =	sor.u32 $0x200, s18  }
0xc8: {  	v11 =	vor.u32 $0x5, v4;
	v12 =	vld.idx.msk [tilespmem:v15+s3+$0x0], $0xffff;
	s11 =	sadd.s32 $0x10040, s21  }
0xc9: {  	[tilespmem:s11+$0x0] =	vst v9;
	v9 =	vld.idx.msk [tilespmem:v5+s3+$0x0], $0xffff;
	s9 =	sadd.s32 $0x10840, s7  }
0xca: {  	v13 =	vadd.s32 $0xA, v3;
	[tilespmem:s9+$0x0] =	vst v7;
	v7 =	vld.idx.msk [tilespmem:v16+s3+$0x0], $0xffff  }
0xcb: {  	v14 =	vadd.s32 $0xF, v1;
	v8 =	vld.idx.msk [tilespmem:v8+s3+$0x0], $0xffff;
	[smem:$0x7EC] =	sst s12;
	s12 =	sadd.s32 $0x10440, s12  }
0xcc: {  	v15 =	vadd.s32 $0x14, v0;
	[tilespmem:s12+$0x0] =	vst v10  }
0xcd: {  	v16 =	vadd.s32 $0x19, v2;
	v10 =	vld.idx.msk [tilespmem:v11+s3+$0x0], $0xffff;
	[dreg:$0x8] =	wrdreg s14;
	s14 =	sadd.s32 $0x10440, s14  }
0xce: {  	s0 =	smov.u32 s1;
	s1 =	sadd.s32 $0x10040, s5;
	[tilespmem:s14+$0x0] =	vst v12  }
0xcf: {  	s19 =	sadd.s32 $0x10840, s13;
	v11 =	vor.u32 $0x1, v5;
	v12 =	vld.idx.msk [tilespmem:v13+s3+$0x0], $0xffff;
	[tilespmem:s1+$0x0] =	vst v9  }
0xd0: {  	s26 =	smov.u32 s22;
	s22 =	sadd.s32 $0x10C40, s17;
	[tilespmem:s19+$0x0] =	vst v7;
	v7 =	vld.idx.msk [tilespmem:v14+s3+$0x0], $0xffff  }
0xd1: {  	s2 =	sor.u32 $0x280, s18;
	v13 =	vor.u32 $0x6, v4;
	[tilespmem:s22+$0x0] =	vst v8;
	v8 =	vld.idx.msk [tilespmem:v15+s3+$0x0], $0xffff  }
0xd2: {  	s7 =	sadd.s32 $0x10040, s2;
	v9 =	vld.idx.msk [tilespmem:v16+s3+$0x0], $0xffff;
	[smem:$0x7ED] =	sst s2  }
0xd3: {  	[tilespmem:s7+$0x0] =	vst v10  }
0xd4: {  	s9 =	sadd.s32 $0x10440, s4;
	v10 =	vld.idx.msk [tilespmem:v11+s3+$0x0], $0xffff;
	[smem:$0x7EE] =	sst s4  }
0xd5: {  	[tilespmem:s9+$0x0] =	vst v12  }
0xd6: {  	s12 =	sadd.s32 $0x10440, s15;
	v12 =	vld.idx.msk [tilespmem:v13+s3+$0x0], $0xffff;
	[dreg:$0xa] =	wrdreg s15  }
0xd7: {  	[tilespmem:s12+$0x0] =	vst v7  }
0xd8: {  	s14 =	sld [smem:$0x7EF];
	_ =	sdelay $0x2  }
0xd9: {  	v14 =	vadd.s32 $0xB, v3;
	s15 =	sadd.s32 $0x10840, s14  }
0xda: {  	v15 =	vadd.s32 $0x10, v1;
	[tilespmem:s15+$0x0] =	vst v8  }
0xdb: {  	v16 =	vadd.s32 $0x15, v0;
	s17 =	sld [smem:$0x7F0];
	_ =	sdelay $0x1  }
0xdc: {  	v11 =	vadd.s32 $0x1A, v2  }
0xdd: {  	v13 =	vor.u32 $0x2, v5;
	v7 =	vld.idx.msk [tilespmem:v14+s3+$0x0], $0xffff;
	s19 =	sadd.s32 $0x10C40, s17  }
0xde: {  	s11 =	smov.u32 s20;
	s20 =	sor.u32 $0x80, s5;
	v14 =	vor.u32 $0x7, v4;
	v8 =	vld.idx.msk [tilespmem:v15+s3+$0x0], $0xffff;
	[tilespmem:s19+$0x0] =	vst v9  }
0xdf: {  	s22 =	sadd.s32 $0x10040, s20;
	v9 =	vld.idx.msk [tilespmem:v16+s3+$0x0], $0xffff;
	s19 =	sor.u32 $0x300, s18;
	[smem:$0x7F1] =	sst s20  }
0xe0: {  	s1 =	sadd.s32 $0x10040, s19;
	[tilespmem:s22+$0x0] =	vst v10  }
0xe1: {  	s9 =	sadd.s32 $0x10440, s0;
	v10 =	vld.idx.msk [tilespmem:v11+s3+$0x0], $0xffff;
	[tilespmem:s1+$0x0] =	vst v12  }
0xe2: {  	v15 =	vadd.s32 $0xC, v3;
	v12 =	vld.idx.msk [tilespmem:v13+s3+$0x0], $0xffff;
	s2 =	sld [smem:$0x7F2];
	[tilespmem:s9+$0x0] =	vst v7  }
0xe3: {  	s12 =	sshll.u32 s29, $0x1;
	v7 =	vld.idx.msk [tilespmem:v14+s3+$0x0], $0xffff;
	[smem:$0x7F3] =	sst s29  }
0xe4: {  	s15 =	simm.s32 $0x0;
	[smem:$0x7F4] =	sst s12  }
0xe5: {  	s17 =	sadd.s32 $0x10840, s23;
	[smem:$0x7F5] =	sst s15  }
0xe6: {  	v16 =	vadd.s32 $0x11, v1;
	s20 =	simm.s32 $0x0;
	[tilespmem:s17+$0x0] =	vst v8  }
0xe7: {  	s22 =	simm.s32 $0x0;
	v13 =	vadd.s32 $0x1B, v2;
	v17 =	vld.idx.msk [tilespmem:v15+s3+$0x0], $0xffff;
	[smem:$0x7F6] =	sst s20  }
0xe8: {  	v11 =	vadd.s32 $0x16, v0;
	[smem:$0x7F7] =	sst s22  }
0xe9: {  	s4 =	sadd.s32 $0x10C40, s2;
	s2 =	smov.u32 s23;
	s23 =	rddreg [dreg:$0x6]  }
0xea: {  	s7 =	simm.s32 $0x40;
	v14 =	vor.u32 $0x3, v5;
	s20 =	sor.u32 $0x100, s5;
	s1 =	sadd.s32 $0x10840, s23;
	[tilespmem:s4+$0x0] =	vst v10  }
0xeb: {  	v18 =	vadd.s32 $0x8, v4;
	s31 =	simm.s32 $0x10440;
	s14 =	sor.u32 $0x380, s7;
	s4 =	sadd.s32 $0x10040, s20;
	[tilespmem:s1+$0x0] =	vst v9;
	v9 =	vld.idx.msk [tilespmem:v16+s3+$0x0], $0xffff  }
0xec: {  	s6 =	simm.s32 $0x0;
	s30 =	simm.s32 $0x10040;
	s7 =	sadd.s32 $0x10040, s14;
	[tilespmem:s4+$0x0] =	vst v12;
	v8 =	vld.idx.msk [tilespmem:v13+s3+$0x0], $0xffff  }
0xed: {  	s9 =	sadd.s32 $0x10440, s11;
	s15 =	simm.s32 $0x0;
	v10 =	vld.idx.msk [tilespmem:v11+s3+$0x0], $0xffff;
	[smem:$0x7F8] =	sst s6  }
0xee: {  	s29 =	simm.s32 $0x10840;
	s12 =	simm.s32 $0x0;
	s17 =	smov.u32 s16;
	[tilespmem:s7+$0x0] =	vst v7  }
0xef: {  	s22 =	simm.s32 $0x10C40;
	s23 =	simm.s32 $0x10840;
	v13 =	vadd.s32 $0xD, v3;
	s1 =	simm.s32 $0x7;
	v15 =	vld.idx.msk [tilespmem:v14+s3+$0x0], $0xffff;
	[tilespmem:s9+$0x0] =	vst v17  }
0xf0: {  	v12 =	vadd.s32 $0x12, v1;
	v11 =	vadd.s32 $0x17, v0;
	s6 =	sadd.s32 $0x10840, s16;
	v7 =	vadd.s32 $0x1C, v2;
	s9 =	simm.s32 $0x60;
	v14 =	vld.idx.msk [tilespmem:v18+s3+$0x0], $0xffff;
	[dreg:$0x14] =	wrdreg s17  }
.LBB2_5:
0xf1: {  	[smem:$0x7DA] =	sst s19  }
0xf2: {  	[smem:$0x7E0] =	sst s9  }
0xf3: {  	s7 =	sld [smem:$0x7E3]  }
0xf4: {  	s17 =	rddreg [dreg:$0xf]  }
0xf5: {  	s4 =	smov.u32 s2;
	s2 =	sld [smem:$0x7E9]  }
0xf6: {  	v13 =	vld.idx.msk [tilespmem:v13+s3+$0x0], $0xffff;
	[tilespmem:s6+$0x0] =	vst v9;
	s19 =	sadd.s32 s24, s29;
	s6 =	sor.u32 $0x180, s5;
	[smem:$0x7E2] =	sst s4  }
0xf7: {  	v12 =	vld.idx.msk [tilespmem:v12+s3+$0x0], $0xffff;
	[tilespmem:s19+$0x0] =	vst v10;
	s19 =	smov.u32 s0;
	[smem:$0x7E9] =	sst s6  }
0xf8: {  	[dreg:$0xf] =	wrdreg s19  }
0xf9: {  	s0 =	smov.u32 s18;
	s16 =	smov.u32 s13;
	s13 =	rddreg [dreg:$0x1a]  }
0xfa: {  	[dreg:$0x1a] =	wrdreg s0  }
0xfb: {  	s0 =	sld [smem:$0x7E4]  }
0xfc: {  	v16 =	vor.u32 $0x4, v5;
	[smem:$0x7E3] =	sst s16;
	s16 =	smov.u32 s14;
	s14 =	smov.u32 s17  }
0xfd: {  	v9 =	vadd.s32 $0x9, v4;
	s9 =	sadd.s32 s7, s22;
	s17 =	smov.u32 s13;
	[smem:$0x7DF] =	sst s14  }
0xfe: {  	s7 =	sadd.s32 s6, s30;
	s6 =	smov.u32 s26;
	[smem:$0x7D9] =	sst s17  }
0xff: {  	v11 =	vld.idx.msk [tilespmem:v11+s3+$0x0], $0xffff;
	[tilespmem:s9+$0x0] =	vst v8;
	s9 =	sadd.s32 $0x10440, s15;
	[smem:$0x7DB] =	sst s6  }
0x100: {  	v7 =	vld.idx.msk [tilespmem:v7+s3+$0x0], $0xffff;
	[tilespmem:s7+$0x0] =	vst v15;
	s19 =	sadd.s32 s18, s9;
	s7 =	rddreg [dreg:$0x10]  }
0x101: {  	v10 =	vadd.s32 $0xE, v3;
	s18 =	smov.u32 s5;
	s5 =	sadd.s32 s0, s31;
	v16 =	vld.idx.msk [tilespmem:v16+s3+$0x0], $0xffff;
	[tilespmem:s19+$0x0] =	vst v14;
	s19 =	sld [smem:$0x7EE]  }
0x102: {  	s17 =	smov.u32 s10;
	s10 =	sadd.s32 s7, s23;
	v9 =	vld.idx.msk [tilespmem:v9+s3+$0x0], $0xffff;
	[tilespmem:s5+$0x0] =	vst v13;
	s5 =	rddreg [dreg:$0x1c]  }
0x103: {  	v8 =	vadd.s32 $0x13, v1;
	s6 =	smov.u32 s7;
	s7 =	sld [smem:$0x7EF];
	s13 =	sadd.s32 s5, s22  }
0x104: {  	s5 =	smov.u32 s11;
	s11 =	smov.u32 s20;
	s20 =	rddreg [dreg:$0xa]  }
0x105: {  	s4 =	smov.u32 s2;
	[smem:$0x7E1] =	sst s11  }
0x106: {  	v10 =	vld.idx.msk [tilespmem:v10+s3+$0x0], $0xffff;
	[tilespmem:s10+$0x0] =	vst v12;
	s10 =	smov.u32 s7;
	s7 =	smov.u32 s21;
	s21 =	sld [smem:$0x7EB]  }
0x107: {  	s2 =	sadd.s32 s8, s29;
	s11 =	smov.u32 s8;
	s8 =	sld [smem:$0x7E8]  }
0x108: {  	s26 =	smov.u32 s19;
	v8 =	vld.idx.msk [tilespmem:v8+s3+$0x0], $0xffff;
	[tilespmem:s2+$0x0] =	vst v11;
	s2 =	rddreg [dreg:$0x14]  }
0x109: {  	[dreg:$0x10] =	wrdreg s26  }
0x10a: {  	[dreg:$0x1c] =	wrdreg s10  }
0x10b: {  	s26 =	smov.u32 s23;
	s23 =	rddreg [dreg:$0xc]  }
0x10c: {  	[dreg:$0xc] =	wrdreg s5  }
0x10d: {  	v15 =	vadd.s32 $0x18, v0;
	[smem:$0x7DE] =	sst s7  }
0x10e: {  	v6 =	vmul.u32 $0x28, v6;
	v14 =	vadd.s32 $0x1D, v2;
	[smem:$0x7EB] =	sst s11  }
0x10f: {  	s19 =	smov.u32 s25;
	s11 =	smov.u32 s16;
	s16 =	sld [smem:$0x7F5]  }
0x110: {  	[smem:$0x7EE] =	sst s19  }
0x111: {  	[smem:$0x7E8] =	sst s11  }
0x112: {  	v15 =	vld.idx.msk [tilespmem:v15+s3+$0x0], $0xffff;
	[tilespmem:s13+$0x0] =	vst v7;
	s7 =	sor.u32 $0x200, s18;
	s25 =	smov.u32 s23;
	s11 =	sld [smem:$0x7F6]  }
0x113: {  	s10 =	sadd.s32 s7, s30;
	v14 =	vld.idx.msk [tilespmem:v14+s3+$0x0], $0xffff;
	[smem:$0x7EF] =	sst s25  }
0x114: {  	v17 =	vld.idx.msk [tilespmem:v6+s3+$0x0], $0xffff;
	[tilespmem:s10+$0x0] =	vst v16;
	s10 =	sld [smem:$0x7E5]  }
0x115: {  	v13 =	vor.u32 $0x5, v5;
	s23 =	smov.u32 s21;
	s21 =	smov.u32 s20;
	s20 =	sld [smem:$0x7E6]  }
0x116: {  	[smem:$0x7DC] =	sst s23  }
0x117: {  	v12 =	vadd.s32 $0xA, v4;
	[smem:$0x7DD] =	sst s21  }
0x118: {  	v11 =	vadd.s32 $0xF, v3;
	s21 =	smov.u32 s8;
	s8 =	sld [smem:$0x7F7]  }
0x119: {  	[dreg:$0xa] =	wrdreg s21;
	s5 =	sadd.s32 s10, s9  }
0x11a: {  	v13 =	vld.idx.msk [tilespmem:v13+s3+$0x0], $0xffff;
	s13 =	smov.u32 s11;
	[tilespmem:s5+$0x0] =	vst v9;
	s5 =	rddreg [dreg:$0x1e]  }
0x11b: {  	v7 =	vadd.s32 $0x14, v1;
	[smem:$0x7F5] =	sst s13;
	s29 =	smov.u32 s8;
	s23 =	sadd.s32 s5, s31  }
0x11c: {  	s14 =	sadd.s32 s14, s26;
	v16 =	vadd.s32 $0x19, v0;
	v12 =	vld.idx.msk [tilespmem:v12+s3+$0x0], $0xffff;
	[smem:$0x7F6] =	sst s29;
	[tilespmem:s23+$0x0] =	vst v10  }
0x11d: {  	s12 =	sshll.u32 s12, $0xE;
	s16 =	sadd.s32 $0x10C40, s16;
	v11 =	vld.idx.msk [tilespmem:v11+s3+$0x0], $0xffff;
	[tilespmem:s14+$0x0] =	vst v8;
	s14 =	rddreg [dreg:$0x18]  }
0x11e: {  	v9 =	vadd.s32 $0x1E, v2;
	s23 =	sadd.s32 s20, s16;
	s20 =	sadd.s32 s14, s22;
	s14 =	smov.u32 s15  }
0x11f: {  	s12 =	sshra.s32 s12, $0x2;
	v18 =	vor.u32 $0x1, v6;
	[smem:$0x7F7] =	sst s14  }
0x120: {  	s13 =	sadd.s32 $0x10040, s12;
	v7 =	vld.idx.msk [tilespmem:v7+s3+$0x0], $0xffff;
	[tilespmem:s23+$0x0] =	vst v15;
	s14 =	rddreg [dreg:$0x6]  }
0x121: {  	s11 =	sadd.s32 s17, s13;
	v10 =	vor.u32 $0x6, v5;
	v16 =	vld.idx.msk [tilespmem:v16+s3+$0x0], $0xffff;
	[tilespmem:s20+$0x0] =	vst v14;
	s20 =	smov.u32 s12;
	s12 =	sld [smem:$0x7EC]  }
0x122: {  	s23 =	sor.u32 $0x280, s18;
	[tilespmem:s11+$0x0] =	vst v17;
	s11 =	sld [smem:$0x7F8]  }
0x123: {  	s8 =	sadd.s32 s23, s30;
	[smem:$0x7F8] =	sst s20;
	v9 =	vld.idx.msk [tilespmem:v9+s3+$0x0], $0xffff  }
0x124: {  	s20 =	rddreg [dreg:$0x15];
	v17 =	vld.idx.msk [tilespmem:v18+s3+$0x0], $0xffff;
	[tilespmem:s8+$0x0] =	vst v13;
	s8 =	sadd.s32 s19, s9;
	s19 =	smov.u32 s14  }
0x125: {  	[dreg:$0x18] =	wrdreg s19  }
0x126: {  	v8 =	vadd.s32 $0xB, v4;
	v10 =	vld.idx.msk [tilespmem:v10+s3+$0x0], $0xffff;
	[tilespmem:s8+$0x0] =	vst v12;
	s8 =	sadd.s32 s21, s31;
	s31 =	smov.u32 s9;
	s19 =	sld [smem:$0x7ED]  }
0x127: {  	s9 =	smov.u32 s0;
	s21 =	smov.u32 s23;
	s23 =	rddreg [dreg:$0x11]  }
0x128: {  	v15 =	vadd.s32 $0x10, v3;
	[dreg:$0x15] =	wrdreg s9  }
0x129: {  	[smem:$0x7ED] =	sst s21  }
0x12a: {  	s9 =	sld [smem:$0x7F1]  }
0x12b: {  	s14 =	sadd.s32 s25, s26;
	v8 =	vld.idx.msk [tilespmem:v8+s3+$0x0], $0xffff;
	[tilespmem:s8+$0x0] =	vst v11;
	s8 =	smov.u32 s2;
	s2 =	sld [smem:$0x7D9]  }
0x12c: {  	s15 =	smov.u32 s11;
	s11 =	smov.u32 s20;
	[dreg:$0x11] =	wrdreg s8  }
0x12d: {  	v14 =	vadd.s32 $0x15, v1;
	s25 =	sadd.s32 s23, s16;
	s23 =	smov.u32 s10;
	v11 =	vld.idx.msk [tilespmem:v15+s3+$0x0], $0xffff;
	[tilespmem:s14+$0x0] =	vst v7;
	s14 =	rddreg [dreg:$0xe]  }
0x12e: {  	v13 =	vadd.s32 $0x1A, v0;
	s21 =	smov.u32 s12;
	s12 =	sor.u32 $0x80, s17;
	[smem:$0x7EC] =	sst s23  }
0x12f: {  	s23 =	smov.u32 s12;
	[dreg:$0x6] =	wrdreg s11  }
0x130: {  	p1 =	sne.s32 s1, $0x27;
	s0 =	smov.u32 s4;
	[smem:$0x7F1] =	sst s23  }
0x131: {  	v12 =	vadd.s32 $0x1F, v2;
	v2 =	vmov v0;
	s20 =	smov.u32 s19;
	s19 =	sadd.s32 s14, s22;
	s14 =	rddreg [dreg:$0x4]  }
0x132: {  	v0 =	vmovc v1;
	v1 =	vmovc v3;
	v3 =	vmov v4;
	v4 =	vmov v5;
	v5 =	vmov v6;
	s4 =	sadd.s32 s4, s31;
	v14 =	vld.idx.msk [tilespmem:v14+s3+$0x0], $0xffff;
	[tilespmem:s25+$0x0] =	vst v16;
	[smem:$0x7E4] =	sst s20;
	s10 =	smov.u32 s9  }
0x133: {  	v6 =	vor.u32 $0x2, v5;
	s25 =	sadd.s32 s12, s13;
	s23 =	sadd.s32 $0x10840, s29;
	v13 =	vld.idx.msk [tilespmem:v13+s3+$0x0], $0xffff;
	[tilespmem:s19+$0x0] =	vst v9;
	[smem:$0x7E5] =	sst s10  }
0x134: {  	v7 =	vor.u32 $0x7, v4;
	s20 =	sor.u32 $0x300, s18;
	[tilespmem:s25+$0x0] =	vst v17;
	s25 =	smov.u32 s24;
	s10 =	rddreg [dreg:$0x8]  }
0x135: {  	s29 =	smov.u32 s26;
	s19 =	sadd.s32 s20, s30;
	[dreg:$0xe] =	wrdreg s25  }
0x136: {  	v15 =	vadd.s32 $0xC, v3;
	s25 =	sadd.s32 s11, s26;
	s26 =	smov.u32 s6;
	s6 =	sld [smem:$0x7DA]  }
0x137: {  	v9 =	vadd.s32 $0x11, v1;
	v12 =	vld.idx.msk [tilespmem:v12+s3+$0x0], $0xffff;
	[tilespmem:s19+$0x0] =	vst v10;
	s24 =	smov.u32 s10;
	s19 =	smov.u32 s5;
	s10 =	sld [smem:$0x7DB]  }
0x138: {  	s12 =	sshrl.u32 s1, $0x3;
	s8 =	sadd.s32 s2, s23;
	v10 =	vadd.s32 $0x16, v0;
	v16 =	vld.idx.msk [tilespmem:v6+s3+$0x0], $0xffff;
	[tilespmem:s4+$0x0] =	vst v8;
	[dreg:$0x8] =	wrdreg s19  }
0x139: {  	v6 =	vadd.s32 $0x1B, v2;
	s19 =	smov.u32 s20;
	s20 =	sld [smem:$0x7DC];
	v7 =	vld.idx.msk [tilespmem:v7+s3+$0x0], $0xffff;
	[tilespmem:s8+$0x0] =	vst v11;
	s8 =	smov.u32 s6  }
0x13a: {  	s28 =	sadd.s32 $0x10, s28;
	s14 =	sadd.s32 s14, s12;
	[dreg:$0x1e] =	wrdreg s8  }
0x13b: {  	v17 =	vor.u32 $0x3, v5;
	s14 =	sshll.u32 s14, $0x7;
	v63 =	vld.idx.msk [tilespmem:v15+s3+$0x0], $0xffff;
	[tilespmem:s25+$0x0] =	vst v14;
	s11 =	sadd.s32 s10, s16;
	s8 =	sld [smem:$0x7E7]  }
0x13c: {  	[dreg:$0x14] =	wrdreg s21;
	s9 =	sand.u32 $0x1FF80, s14;
	v14 =	vadd.s32 $0x8, v4;
	v9 =	vld.idx.msk [tilespmem:v9+s3+$0x0], $0xffff;
	[tilespmem:s11+$0x0] =	vst v13;
	s22 =	sadd.s32 s20, s22  }
0x13d: {  	s10 =	sand.u32 $0x70, s28;
	s20 =	sor.u32 $0x100, s17;
	s11 =	sld [smem:$0x7DE];
	v10 =	vld.idx.msk [tilespmem:v10+s3+$0x0], $0xffff;
	[tilespmem:s22+$0x0] =	vst v12  }
0x13e: {  	s25 =	sor.u32 s10, s9;
	s5 =	sadd.s32 s20, s13;
	v8 =	vld.idx.msk [tilespmem:v6+s3+$0x0], $0xffff;
	s14 =	sor.u32 $0x380, s8  }
0x13f: {  	v6 =	vld [tilespmem:s25+$0x9C40];
	[tilespmem:s5+$0x0] =	vst v16;
	s5 =	smov.u32 s17;
	s17 =	sld [smem:$0x7E0];
	s9 =	sadd.s32 s14, s30  }
0x140: {  	s22 =	smov.u32 s16;
	s8 =	sld [smem:$0x7DD];
	v15 =	vld.idx.msk [tilespmem:v17+s3+$0x0], $0xffff;
	s16 =	sadd.s32 s11, s31;
	[tilespmem:s9+$0x0] =	vst v7  }
.Ltmp1:
0x141: {  	v14 =	vld.idx.msk [tilespmem:v14+s3+$0x0], $0xffff;
	[tilespmem:s16+$0x0] =	vst v63;
	s16 =	sld [smem:$0x7E2];
	(pc) =	sbr.rel @p1 .LBB2_5-.Ltmp1, $4  }
0x142: {  	s30 =	smov.u32 s13;
	s13 =	sld [smem:$0x7DF];
	s25 =	smov.u32 s17  }
0x143: {  	s1 =	sadd.s32 $0x1, s1;
	[smem:$0x7E7] =	sst s25  }
0x144: {  	v11 =	vadd.s32 $0x17, v0;
	s6 =	sadd.s32 s21, s23;
	s25 =	sld [smem:$0x7E1];
	s17 =	smov.u32 s16  }
0x145: {  	s21 =	smov.u32 s7;
	v13 =	vadd.s32 $0xD, v3;
	v12 =	vadd.s32 $0x12, v1;
	v7 =	vadd.s32 $0x1C, v2;
	s9 =	smov.u32 s28;
	[smem:$0x7E6] =	sst s17  }
0x146: {  	v6 =	vmul.u32 $0x28, v6;
	_ =	sdelay $0x5  }
0x147: {  	v16 =	vld.idx.msk [tilespmem:v6+s3+$0x0], $0xffff  }
0x148: {  	s1 =	sshll.u32 s12, $0xE;
	v17 =	vor.u32 $0x1, v6  }
0x149: {  	s12 =	sshra.s32 s1, $0x2  }
0x14a: {  	s1 =	sadd.s32 $0x10040, s12  }
0x14b: {  	s7 =	sadd.s32 s10, s1;
	[smem:$0x7B4] =	sst s12  }
0x14c: {  	[tilespmem:s7+$0x0] =	vst v16  }
0x14d: {  	v16 =	vld.idx.msk [tilespmem:v17+s3+$0x0], $0xffff  }
0x14e: {  	v17 =	vor.u32 $0x2, v6;
	_ =	sdelay $0x1  }
0x14f: {  	s17 =	sor.u32 $0x80, s10  }
0x150: {  	s16 =	sadd.s32 s17, s1;
	[smem:$0x7B5] =	sst s17  }
0x151: {  	[tilespmem:s16+$0x0] =	vst v16  }
0x152: {  	v16 =	vld.idx.msk [tilespmem:v17+s3+$0x0], $0xffff  }
0x153: {  	v17 =	vor.u32 $0x3, v6;
	_ =	sdelay $0x1  }
0x154: {  	s16 =	sor.u32 $0x100, s10  }
0x155: {  	s4 =	sadd.s32 s16, s1;
	[smem:$0x7B6] =	sst s16  }
0x156: {  	[tilespmem:s4+$0x0] =	vst v16;
	v16 =	vor.u32 $0x4, v5  }
0x157: {  	s28 =	sor.u32 $0x180, s5;
	v17 =	vld.idx.msk [tilespmem:v17+s3+$0x0], $0xffff  }
0x158: {  	v18 =	vor.u32 $0x4, v6;
	s4 =	sor.u32 $0x180, s10;
	[smem:$0x7B7] =	sst s28  }
0x159: {  	s7 =	sadd.s32 s28, s30;
	[smem:$0x7B8] =	sst s4  }
0x15a: {  	[tilespmem:s7+$0x0] =	vst v15  }
0x15b: {  	s4 =	sadd.s32 s4, s1;
	v15 =	vld.idx.msk [tilespmem:v16+s3+$0x0], $0xffff  }
0x15c: {  	v16 =	vor.u32 $0x5, v5;
	[tilespmem:s4+$0x0] =	vst v17  }
0x15d: {  	s7 =	sor.u32 $0x200, s5;
	v17 =	vld.idx.msk [tilespmem:v18+s3+$0x0], $0xffff  }
0x15e: {  	v47 =	vor.u32 $0x5, v6;
	s4 =	sor.u32 $0x200, s10;
	[smem:$0x7BA] =	sst s7  }
0x15f: {  	s7 =	sadd.s32 s7, s30;
	[smem:$0x7BB] =	sst s4  }
0x160: {  	[tilespmem:s7+$0x0] =	vst v15  }
0x161: {  	s4 =	sadd.s32 s4, s1;
	v15 =	vld.idx.msk [tilespmem:v16+s3+$0x0], $0xffff  }
0x162: {  	v16 =	vor.u32 $0x6, v5;
	[tilespmem:s4+$0x0] =	vst v17  }
0x163: {  	s4 =	sor.u32 $0x280, s5;
	v17 =	vld.idx.msk [tilespmem:v47+s3+$0x0], $0xffff  }
0x164: {  	v48 =	vor.u32 $0x6, v6;
	s7 =	sadd.s32 s4, s30;
	[smem:$0x7BC] =	sst s4;
	s4 =	sor.u32 $0x280, s10  }
0x165: {  	[smem:$0x7BD] =	sst s4  }
0x166: {  	[tilespmem:s7+$0x0] =	vst v15  }
0x167: {  	s4 =	sadd.s32 s4, s1;
	v15 =	vld.idx.msk [tilespmem:v16+s3+$0x0], $0xffff  }
0x168: {  	[tilespmem:s4+$0x0] =	vst v17  }
0x169: {  	v17 =	vld.idx.msk [tilespmem:v48+s3+$0x0], $0xffff  }
0x16a: {  	v16 =	vor.u32 $0x7, v5;
	s4 =	sor.u32 $0x300, s5  }
0x16b: {  	s7 =	sadd.s32 s4, s30;
	[smem:$0x7BF] =	sst s4  }
0x16c: {  	v49 =	vor.u32 $0x7, v6;
	s4 =	sor.u32 $0x300, s10;
	[tilespmem:s7+$0x0] =	vst v15  }
0x16d: {  	s7 =	sadd.s32 s4, s1;
	[smem:$0x7C0] =	sst s4  }
0x16e: {  	[tilespmem:s7+$0x0] =	vst v17  }
0x16f: {  	v15 =	vld.idx.msk [tilespmem:v16+s3+$0x0], $0xffff;
	s7 =	sld [smem:$0x7E7];
	_ =	sdelay $0x1  }
0x170: {  	v16 =	vadd.s32 $0x8, v5;
	v17 =	vld.idx.msk [tilespmem:v49+s3+$0x0], $0xffff  }
0x171: {  	v50 =	vadd.s32 $0x8, v6;
	[smem:$0x7B3] =	sst s5;
	s4 =	sor.u32 $0x380, s7  }
0x172: {  	s7 =	sadd.s32 s4, s30;
	[smem:$0x7B0] =	sst s4  }
0x173: {  	s9 =	sor.u32 $0x380, s9;
	[tilespmem:s7+$0x0] =	vst v15  }
0x174: {  	s1 =	sadd.s32 s9, s1;
	[smem:$0x7B1] =	sst s9  }
0x175: {  	[tilespmem:s1+$0x0] =	vst v17;
	v16 =	vld.idx.msk [tilespmem:v16+s3+$0x0], $0xffff  }
0x176: {  	v18 =	vld.idx.msk [tilespmem:v50+s3+$0x0], $0xffff;
	[smem:$0x7B2] =	sst s15  }
0x177: {  	s7 =	sadd.s32 $0x10440, s15;
	s15 =	sld [smem:$0x7F8]  }
0x178: {  	v15 =	vadd.s32 $0x9, v4  }
0x179: {  	s9 =	sadd.s32 s18, s7  }
0x17a: {  	[tilespmem:s9+$0x0] =	vst v14;
	s15 =	sadd.s32 $0x10440, s15  }
0x17b: {  	s1 =	sadd.s32 $0x10440, s12;
	[smem:$0x7AF] =	sst s22;
	s5 =	sadd.s32 s5, s15  }
0x17c: {  	v19 =	vadd.s32 $0x9, v6;
	s12 =	sadd.s32 s10, s1;
	[tilespmem:s5+$0x0] =	vst v16  }
0x17d: {  	v17 =	vadd.s32 $0x9, v5;
	v14 =	vld.idx.msk [tilespmem:v15+s3+$0x0], $0xffff;
	[tilespmem:s12+$0x0] =	vst v18  }
0x17e: {  	s22 =	sld [smem:$0x7E5];
	_ =	sdelay $0x2  }
0x17f: {  	v15 =	vadd.s32 $0xA, v4;
	v18 =	vld.idx.msk [tilespmem:v19+s3+$0x0], $0xffff;
	s5 =	sadd.s32 s22, s7  }
0x180: {  	v51 =	vadd.s32 $0xA, v6;
	v16 =	vld.idx.msk [tilespmem:v17+s3+$0x0], $0xffff;
	[tilespmem:s5+$0x0] =	vst v14  }
0x181: {  	v17 =	vadd.s32 $0xA, v5;
	s12 =	sld [smem:$0x7F1];
	_ =	sdelay $0x1  }
0x182: {  	s30 =	smov.u32 s4;
	s4 =	sadd.s32 s17, s1  }
0x183: {  	v14 =	vld.idx.msk [tilespmem:v15+s3+$0x0], $0xffff;
	[tilespmem:s4+$0x0] =	vst v18;
	s22 =	sadd.s32 s12, s15  }
0x184: {  	v18 =	vld.idx.msk [tilespmem:v51+s3+$0x0], $0xffff;
	[tilespmem:s22+$0x0] =	vst v16  }
0x185: {  	v15 =	vadd.s32 $0xB, v4;
	v16 =	vld.idx.msk [tilespmem:v17+s3+$0x0], $0xffff  }
0x186: {  	v17 =	vadd.s32 $0xB, v5  }
0x187: {  	s5 =	sadd.s32 s25, s7  }
0x188: {  	s17 =	sadd.s32 s16, s1;
	[tilespmem:s5+$0x0] =	vst v14  }
0x189: {  	s12 =	sadd.s32 s20, s15;
	[tilespmem:s17+$0x0] =	vst v18  }
0x18a: {  	v14 =	vld.idx.msk [tilespmem:v15+s3+$0x0], $0xffff;
	[tilespmem:s12+$0x0] =	vst v16  }
0x18b: {  	v52 =	vadd.s32 $0xB, v6;
	v16 =	vld.idx.msk [tilespmem:v17+s3+$0x0], $0xffff;
	s22 =	sld [smem:$0x7E9]  }
0x18c: {  	v15 =	vadd.s32 $0xC, v4;
	_ =	sdelay $0x1  }
0x18d: {  	s5 =	sadd.s32 s22, s7  }
0x18e: {  	s12 =	sadd.s32 s28, s15;
	[tilespmem:s5+$0x0] =	vst v14  }
0x18f: {  	v18 =	vld.idx.msk [tilespmem:v52+s3+$0x0], $0xffff;
	[tilespmem:s12+$0x0] =	vst v16  }
0x190: {  	v17 =	vadd.s32 $0xC, v5;
	v14 =	vld.idx.msk [tilespmem:v15+s3+$0x0], $0xffff;
	s4 =	sld [smem:$0x7B8];
	_ =	sdelay $0x2  }
0x191: {  	s16 =	sadd.s32 s4, s1  }
0x192: {  	s17 =	sadd.s32 s21, s7;
	[tilespmem:s16+$0x0] =	vst v18  }
0x193: {  	v53 =	vadd.s32 $0xC, v6;
	v16 =	vld.idx.msk [tilespmem:v17+s3+$0x0], $0xffff;
	[tilespmem:s17+$0x0] =	vst v14  }
0x194: {  	s16 =	sld [smem:$0x7BA];
	_ =	sdelay $0x2  }
0x195: {  	s22 =	sadd.s32 s16, s15  }
0x196: {  	v18 =	vld.idx.msk [tilespmem:v53+s3+$0x0], $0xffff;
	[tilespmem:s22+$0x0] =	vst v16  }
0x197: {  	s17 =	sld [smem:$0x7BB];
	_ =	sdelay $0x2  }
0x198: {  	s5 =	sadd.s32 s17, s1  }
0x199: {  	v13 =	vld.idx.msk [tilespmem:v13+s3+$0x0], $0xffff;
	v15 =	vadd.s32 $0xD, v4;
	[tilespmem:s5+$0x0] =	vst v18  }
0x19a: {  	s9 =	sld [smem:$0x7E4];
	_ =	sdelay $0x2  }
0x19b: {  	s9 =	sadd.s32 s9, s31  }
0x19c: {  	v17 =	vadd.s32 $0xD, v5;
	v15 =	vld.idx.msk [tilespmem:v15+s3+$0x0], $0xffff;
	[tilespmem:s9+$0x0] =	vst v13  }
0x19d: {  	s9 =	sld [smem:$0x7ED];
	_ =	sdelay $0x2  }
0x19e: {  	s9 =	sadd.s32 s9, s7  }
0x19f: {  	v54 =	vadd.s32 $0xD, v6;
	v17 =	vld.idx.msk [tilespmem:v17+s3+$0x0], $0xffff;
	[tilespmem:s9+$0x0] =	vst v15  }
0x1a0: {  	s9 =	sld [smem:$0x7BC]  }
0x1a1: {  	v16 =	vadd.s32 $0xE, v4  }
0x1a2: {  	v14 =	vadd.s32 $0xE, v3  }
0x1a3: {  	s12 =	sadd.s32 s9, s15  }
0x1a4: {  	v19 =	vld.idx.msk [tilespmem:v54+s3+$0x0], $0xffff;
	[tilespmem:s12+$0x0] =	vst v17  }
0x1a5: {  	s22 =	sld [smem:$0x7BD]  }
0x1a6: {  	v15 =	vld.idx.msk [tilespmem:v16+s3+$0x0], $0xffff  }
0x1a7: {  	v55 =	vadd.s32 $0xE, v5;
	v13 =	vld.idx.msk [tilespmem:v14+s3+$0x0], $0xffff  }
0x1a8: {  	s5 =	sadd.s32 s22, s1  }
0x1a9: {  	[tilespmem:s5+$0x0] =	vst v19  }
0x1aa: {  	s12 =	sadd.s32 s19, s7;
	s9 =	rddreg [dreg:$0x1e]  }
0x1ab: {  	[tilespmem:s12+$0x0] =	vst v15;
	s9 =	sadd.s32 s9, s31  }
0x1ac: {  	v20 =	vadd.s32 $0xE, v6;
	v17 =	vld.idx.msk [tilespmem:v55+s3+$0x0], $0xffff;
	[tilespmem:s9+$0x0] =	vst v13  }
0x1ad: {  	s22 =	sld [smem:$0x7BF];
	_ =	sdelay $0x1  }
0x1ae: {  	v16 =	vadd.s32 $0xF, v4  }
0x1af: {  	v56 =	vadd.s32 $0xF, v5;
	s5 =	sadd.s32 s22, s15  }
0x1b0: {  	v14 =	vadd.s32 $0xF, v3;
	v19 =	vld.idx.msk [tilespmem:v20+s3+$0x0], $0xffff;
	[tilespmem:s5+$0x0] =	vst v17  }
0x1b1: {  	s12 =	sld [smem:$0x7C0];
	_ =	sdelay $0x1  }
0x1b2: {  	v15 =	vld.idx.msk [tilespmem:v16+s3+$0x0], $0xffff  }
0x1b3: {  	v17 =	vld.idx.msk [tilespmem:v56+s3+$0x0], $0xffff;
	s22 =	sadd.s32 s12, s1  }
0x1b4: {  	v57 =	vadd.s32 $0xF, v6;
	v13 =	vld.idx.msk [tilespmem:v14+s3+$0x0], $0xffff;
	[tilespmem:s22+$0x0] =	vst v19  }
0x1b5: {  	s22 =	sld [smem:$0x7E8]  }
0x1b6: {  	s7 =	sadd.s32 s14, s7  }
0x1b7: {  	s9 =	sadd.s32 s30, s15;
	[tilespmem:s7+$0x0] =	vst v15  }
0x1b8: {  	v16 =	vadd.s32 $0x10, v4;
	[tilespmem:s9+$0x0] =	vst v17;
	s5 =	sadd.s32 s22, s31  }
0x1b9: {  	v58 =	vadd.s32 $0x10, v5;
	v19 =	vld.idx.msk [tilespmem:v57+s3+$0x0], $0xffff;
	[tilespmem:s5+$0x0] =	vst v13  }
0x1ba: {  	v14 =	vadd.s32 $0x10, v3;
	s5 =	sld [smem:$0x7B1]  }
0x1bb: {  	v59 =	vadd.s32 $0x10, v6;
	_ =	sdelay $0x1  }
0x1bc: {  	v15 =	vld.idx.msk [tilespmem:v16+s3+$0x0], $0xffff;
	s1 =	sadd.s32 s5, s1  }
0x1bd: {  	v17 =	vld.idx.msk [tilespmem:v58+s3+$0x0], $0xffff;
	[tilespmem:s1+$0x0] =	vst v19  }
0x1be: {  	v13 =	vld.idx.msk [tilespmem:v14+s3+$0x0], $0xffff;
	s15 =	sld [smem:$0x7F7]  }
0x1bf: {  	v19 =	vld.idx.msk [tilespmem:v59+s3+$0x0], $0xffff;
	s30 =	rddreg [dreg:$0x1a]  }
0x1c0: {  	s7 =	sld [smem:$0x7B2];
	_ =	sdelay $0x1  }
0x1c1: {  	s28 =	sadd.s32 $0x10840, s15  }
0x1c2: {  	s7 =	sadd.s32 $0x10840, s7;
	s12 =	sadd.s32 s30, s28  }
0x1c3: {  	s9 =	sadd.s32 s18, s7;
	[tilespmem:s12+$0x0] =	vst v13  }
0x1c4: {  	v14 =	vadd.s32 $0x11, v3;
	s12 =	sld [smem:$0x7F8];
	[tilespmem:s9+$0x0] =	vst v15  }
0x1c5: {  	v16 =	vadd.s32 $0x11, v4;
	s1 =	sld [smem:$0x7B3]  }
0x1c6: {  	v60 =	vadd.s32 $0x11, v5;
	s9 =	sld [smem:$0x7B4]  }
0x1c7: {  	v61 =	vadd.s32 $0x11, v6  }
0x1c8: {  	s12 =	sadd.s32 $0x10840, s12  }
0x1c9: {  	v13 =	vld.idx.msk [tilespmem:v14+s3+$0x0], $0xffff;
	[tilespmem:s6+$0x0] =	vst v9;
	s1 =	sadd.s32 s1, s12;
	s5 =	sadd.s32 $0x10840, s9  }
0x1ca: {  	v15 =	vld.idx.msk [tilespmem:v16+s3+$0x0], $0xffff;
	[tilespmem:s1+$0x0] =	vst v17;
	s9 =	sadd.s32 s10, s5  }
0x1cb: {  	[tilespmem:s9+$0x0] =	vst v19;
	v17 =	vld.idx.msk [tilespmem:v60+s3+$0x0], $0xffff  }
0x1cc: {  	s9 =	sadd.s32 s24, s29;
	v62 =	vld.idx.msk [tilespmem:v61+s3+$0x0], $0xffff;
	[smem:$0x7BE] =	sst s24  }
0x1cd: {  	[tilespmem:s9+$0x0] =	vst v10  }
0x1ce: {  	s31 =	sld [smem:$0x7EC];
	_ =	sdelay $0x2  }
0x1cf: {  	s24 =	sadd.s32 s31, s28  }
0x1d0: {  	[tilespmem:s24+$0x0] =	vst v13  }
0x1d1: {  	s1 =	sld [smem:$0x7E5];
	_ =	sdelay $0x2  }
0x1d2: {  	s1 =	sadd.s32 s1, s7  }
0x1d3: {  	[tilespmem:s1+$0x0] =	vst v15  }
0x1d4: {  	s1 =	sld [smem:$0x7F1];
	_ =	sdelay $0x2  }
0x1d5: {  	s1 =	sadd.s32 s1, s12  }
0x1d6: {  	[tilespmem:s1+$0x0] =	vst v17  }
0x1d7: {  	s1 =	sld [smem:$0x7B5];
	_ =	sdelay $0x2  }
0x1d8: {  	s1 =	sadd.s32 s1, s5  }
0x1d9: {  	[tilespmem:s1+$0x0] =	vst v62  }
0x1da: {  	s1 =	sld [smem:$0x7E3]  }
0x1db: {  	v16 =	vadd.s32 $0x12, v4;
	s9 =	sld [smem:$0x7AF]  }
0x1dc: {  	v9 =	vadd.s32 $0x12, v5  }
0x1dd: {  	v14 =	vadd.s32 $0x12, v3;
	v12 =	vld.idx.msk [tilespmem:v12+s3+$0x0], $0xffff  }
0x1de: {  	s1 =	sadd.s32 s1, s9  }
0x1df: {  	[tilespmem:s1+$0x0] =	vst v8  }
0x1e0: {  	v16 =	vld.idx.msk [tilespmem:v16+s3+$0x0], $0xffff;
	s24 =	rddreg [dreg:$0x10]  }
0x1e1: {  	v9 =	vld.idx.msk [tilespmem:v9+s3+$0x0], $0xffff;
	s6 =	sadd.s32 s24, s23  }
0x1e2: {  	v10 =	vadd.s32 $0x12, v6;
	v14 =	vld.idx.msk [tilespmem:v14+s3+$0x0], $0xffff;
	[tilespmem:s6+$0x0] =	vst v12  }
0x1e3: {  	s1 =	sld [smem:$0x7EE]  }
0x1e4: {  	s25 =	sadd.s32 s25, s7;
	v15 =	vadd.s32 $0x13, v3  }
0x1e5: {  	v13 =	vadd.s32 $0x13, v1;
	s6 =	sadd.s32 s20, s12;
	[tilespmem:s25+$0x0] =	vst v16  }
0x1e6: {  	v11 =	vld.idx.msk [tilespmem:v11+s3+$0x0], $0xffff;
	[tilespmem:s6+$0x0] =	vst v9;
	s1 =	sadd.s32 s1, s28  }
0x1e7: {  	v10 =	vld.idx.msk [tilespmem:v10+s3+$0x0], $0xffff;
	[tilespmem:s1+$0x0] =	vst v14  }
0x1e8: {  	s1 =	sld [smem:$0x7B6]  }
0x1e9: {  	v15 =	vld.idx.msk [tilespmem:v15+s3+$0x0], $0xffff  }
0x1ea: {  	s8 =	sadd.s32 s8, s29;
	v17 =	vadd.s32 $0x13, v4;
	v13 =	vld.idx.msk [tilespmem:v13+s3+$0x0], $0xffff  }
0x1eb: {  	[tilespmem:s8+$0x0] =	vst v11;
	s1 =	sadd.s32 s1, s5  }
0x1ec: {  	[tilespmem:s1+$0x0] =	vst v10  }
0x1ed: {  	s6 =	sadd.s32 s0, s28;
	s29 =	rddreg [dreg:$0xf]  }
0x1ee: {  	v12 =	vadd.s32 $0x13, v6;
	[tilespmem:s6+$0x0] =	vst v15;
	s25 =	sadd.s32 s29, s23  }
0x1ef: {  	v8 =	vadd.s32 $0x13, v5;
	v16 =	vld.idx.msk [tilespmem:v17+s3+$0x0], $0xffff;
	[tilespmem:s25+$0x0] =	vst v13  }
0x1f0: {  	s1 =	sld [smem:$0x7E9];
	_ =	sdelay $0x2  }
0x1f1: {  	v9 =	vadd.s32 $0x14, v3;
	v12 =	vld.idx.msk [tilespmem:v12+s3+$0x0], $0xffff;
	s1 =	sadd.s32 s1, s7  }
0x1f2: {  	v8 =	vld.idx.msk [tilespmem:v8+s3+$0x0], $0xffff;
	v10 =	vadd.s32 $0x14, v4;
	[tilespmem:s1+$0x0] =	vst v16  }
0x1f3: {  	v14 =	vadd.s32 $0x14, v1;
	s1 =	sld [smem:$0x7B7]  }
0x1f4: {  	v11 =	vadd.s32 $0x14, v5  }
0x1f5: {  	v7 =	vld.idx.msk [tilespmem:v7+s3+$0x0], $0xffff;
	s8 =	sadd.s32 s4, s5;
	v13 =	vadd.s32 $0x14, v6  }
0x1f6: {  	v9 =	vld.idx.msk [tilespmem:v9+s3+$0x0], $0xffff;
	[tilespmem:s8+$0x0] =	vst v12;
	s1 =	sadd.s32 s1, s12  }
0x1f7: {  	v10 =	vld.idx.msk [tilespmem:v10+s3+$0x0], $0xffff;
	[tilespmem:s1+$0x0] =	vst v8  }
0x1f8: {  	v14 =	vld.idx.msk [tilespmem:v14+s3+$0x0], $0xffff;
	s1 =	rddreg [dreg:$0x1c]  }
0x1f9: {  	v11 =	vld.idx.msk [tilespmem:v11+s3+$0x0], $0xffff;
	s1 =	sadd.s32 s1, s9  }
0x1fa: {  	v15 =	vadd.s32 $0x18, v0;
	s25 =	sadd.s32 s11, s28;
	v13 =	vld.idx.msk [tilespmem:v13+s3+$0x0], $0xffff;
	[tilespmem:s1+$0x0] =	vst v7  }
0x1fb: {  	s4 =	sadd.s32 s21, s7;
	s1 =	rddreg [dreg:$0xc];
	[tilespmem:s25+$0x0] =	vst v9  }
0x1fc: {  	v8 =	vadd.s32 $0x15, v3;
	[tilespmem:s4+$0x0] =	vst v10;
	s1 =	sadd.s32 s1, s23  }
0x1fd: {  	s6 =	sadd.s32 s16, s12;
	v12 =	vadd.s32 $0x15, v4;
	[tilespmem:s1+$0x0] =	vst v14  }
0x1fe: {  	v16 =	vadd.s32 $0x15, v1;
	s8 =	sadd.s32 s17, s5;
	[tilespmem:s6+$0x0] =	vst v11  }
0x1ff: {  	v7 =	vadd.s32 $0x15, v5;
	v14 =	vld.idx.msk [tilespmem:v15+s3+$0x0], $0xffff;
	s1 =	sld [smem:$0x7F5];
	[tilespmem:s8+$0x0] =	vst v13  }
0x200: {  	v15 =	vadd.s32 $0x15, v6;
	s11 =	sld [smem:$0x7E6]  }
0x201: {  	v8 =	vld.idx.msk [tilespmem:v8+s3+$0x0], $0xffff  }
0x202: {  	v12 =	vld.idx.msk [tilespmem:v12+s3+$0x0], $0xffff;
	s1 =	sadd.s32 $0x10C40, s1  }
0x203: {  	v16 =	vld.idx.msk [tilespmem:v16+s3+$0x0], $0xffff;
	s16 =	sadd.s32 s11, s1  }
0x204: {  	v7 =	vld.idx.msk [tilespmem:v7+s3+$0x0], $0xffff;
	[tilespmem:s16+$0x0] =	vst v14  }
0x205: {  	v15 =	vld.idx.msk [tilespmem:v15+s3+$0x0], $0xffff;
	[smem:$0x7B9] =	sst s21  }
0x206: {  	s21 =	rddreg [dreg:$0x15]  }
0x207: {  	s17 =	sadd.s32 s21, s23  }
0x208: {  	[tilespmem:s17+$0x0] =	vst v16  }
0x209: {  	s25 =	sld [smem:$0x7E4];
	_ =	sdelay $0x2  }
0x20a: {  	s4 =	sadd.s32 s25, s28  }
0x20b: {  	[tilespmem:s4+$0x0] =	vst v8  }
0x20c: {  	s8 =	sld [smem:$0x7ED];
	_ =	sdelay $0x2  }
0x20d: {  	s11 =	sadd.s32 s8, s7  }
0x20e: {  	[tilespmem:s11+$0x0] =	vst v12  }
0x20f: {  	s16 =	sld [smem:$0x7BC];
	_ =	sdelay $0x1  }
0x210: {  	v9 =	vadd.s32 $0x1D, v2  }
0x211: {  	s17 =	sadd.s32 s16, s12  }
0x212: {  	v10 =	vadd.s32 $0x16, v1;
	[tilespmem:s17+$0x0] =	vst v7  }
0x213: {  	v11 =	vadd.s32 $0x16, v3;
	s25 =	sld [smem:$0x7BD]  }
0x214: {  	v13 =	vadd.s32 $0x16, v4  }
0x215: {  	v14 =	vadd.s32 $0x16, v5;
	v9 =	vld.idx.msk [tilespmem:v9+s3+$0x0], $0xffff  }
0x216: {  	v16 =	vadd.s32 $0x16, v6;
	s4 =	sadd.s32 s25, s5  }
0x217: {  	v10 =	vld.idx.msk [tilespmem:v10+s3+$0x0], $0xffff;
	[tilespmem:s4+$0x0] =	vst v15  }
0x218: {  	v11 =	vld.idx.msk [tilespmem:v11+s3+$0x0], $0xffff;
	s6 =	rddreg [dreg:$0x18]  }
0x219: {  	v13 =	vld.idx.msk [tilespmem:v13+s3+$0x0], $0xffff;
	s8 =	sadd.s32 s6, s9  }
0x21a: {  	v14 =	vld.idx.msk [tilespmem:v14+s3+$0x0], $0xffff;
	[tilespmem:s8+$0x0] =	vst v9  }
0x21b: {  	v16 =	vld.idx.msk [tilespmem:v16+s3+$0x0], $0xffff;
	[smem:$0x7DA] =	sst s19  }
0x21c: {  	s11 =	smov.u32 s19;
	s19 =	rddreg [dreg:$0x8]  }
0x21d: {  	s16 =	sadd.s32 s19, s23  }
0x21e: {  	[tilespmem:s16+$0x0] =	vst v10  }
0x21f: {  	s4 =	sadd.s32 s11, s7;
	s17 =	rddreg [dreg:$0x1e]  }
0x220: {  	[tilespmem:s4+$0x0] =	vst v13;
	s25 =	sadd.s32 s17, s28  }
0x221: {  	[tilespmem:s25+$0x0] =	vst v11  }
0x222: {  	s6 =	sld [smem:$0x7BF];
	_ =	sdelay $0x1  }
0x223: {  	v8 =	vadd.s32 $0x19, v0  }
0x224: {  	v7 =	vadd.s32 $0x17, v3;
	s8 =	sadd.s32 s6, s12  }
0x225: {  	v15 =	vadd.s32 $0x17, v4;
	[tilespmem:s8+$0x0] =	vst v14  }
0x226: {  	v12 =	vadd.s32 $0x17, v1;
	s11 =	sld [smem:$0x7C0];
	_ =	sdelay $0x1  }
0x227: {  	v8 =	vld.idx.msk [tilespmem:v8+s3+$0x0], $0xffff  }
0x228: {  	v7 =	vld.idx.msk [tilespmem:v7+s3+$0x0], $0xffff;
	s16 =	sadd.s32 s11, s5  }
0x229: {  	v15 =	vld.idx.msk [tilespmem:v15+s3+$0x0], $0xffff;
	[tilespmem:s16+$0x0] =	vst v16  }
0x22a: {  	v9 =	vadd.s32 $0x17, v5;
	v12 =	vld.idx.msk [tilespmem:v12+s3+$0x0], $0xffff;
	s17 =	rddreg [dreg:$0x11]  }
0x22b: {  	s25 =	sadd.s32 s17, s1  }
0x22c: {  	s4 =	sadd.s32 s22, s28;
	[tilespmem:s25+$0x0] =	vst v8  }
0x22d: {  	s7 =	sadd.s32 s14, s7;
	s16 =	rddreg [dreg:$0xa];
	[tilespmem:s4+$0x0] =	vst v7  }
0x22e: {  	s11 =	smov.u32 s2;
	[tilespmem:s7+$0x0] =	vst v15;
	s2 =	sadd.s32 s16, s23  }
0x22f: {  	v10 =	vadd.s32 $0x17, v6;
	v9 =	vld.idx.msk [tilespmem:v9+s3+$0x0], $0xffff;
	[tilespmem:s2+$0x0] =	vst v12  }
0x230: {  	s17 =	sld [smem:$0x7B0];
	_ =	sdelay $0x2  }
0x231: {  	s8 =	sadd.s32 s17, s12  }
0x232: {  	v11 =	vadd.s32 $0x1E, v2;
	v10 =	vld.idx.msk [tilespmem:v10+s3+$0x0], $0xffff;
	[tilespmem:s8+$0x0] =	vst v9  }
0x233: {  	v13 =	vadd.s32 $0x18, v1;
	s25 =	sld [smem:$0x7B1];
	_ =	sdelay $0x2  }
0x234: {  	s5 =	sadd.s32 s25, s5  }
0x235: {  	v11 =	vld.idx.msk [tilespmem:v11+s3+$0x0], $0xffff;
	[tilespmem:s5+$0x0] =	vst v10  }
0x236: {  	v14 =	vadd.s32 $0x18, v3;
	v13 =	vld.idx.msk [tilespmem:v13+s3+$0x0], $0xffff;
	s6 =	sld [smem:$0x7F6]  }
0x237: {  	v16 =	vadd.s32 $0x18, v4  }
0x238: {  	s12 =	rddreg [dreg:$0xe]  }
0x239: {  	s23 =	sadd.s32 s12, s9;
	s4 =	sadd.s32 $0x10C40, s6  }
0x23a: {  	[tilespmem:s23+$0x0] =	vst v11;
	s7 =	sadd.s32 s11, s4  }
0x23b: {  	v14 =	vld.idx.msk [tilespmem:v14+s3+$0x0], $0xffff;
	[tilespmem:s7+$0x0] =	vst v13  }
0x23c: {  	v7 =	vadd.s32 $0x1A, v0;
	v16 =	vld.idx.msk [tilespmem:v16+s3+$0x0], $0xffff;
	s11 =	sld [smem:$0x7B2]  }
0x23d: {  	v8 =	vadd.s32 $0x18, v5  }
0x23e: {  	v12 =	vadd.s32 $0x18, v6;
	s5 =	sadd.s32 $0x10C40, s15  }
0x23f: {  	s8 =	sadd.s32 s30, s5;
	s2 =	sadd.s32 $0x10C40, s11  }
0x240: {  	v9 =	vadd.s32 $0x19, v3;
	[tilespmem:s8+$0x0] =	vst v14;
	s12 =	sadd.s32 s18, s2  }
0x241: {  	v15 =	vadd.s32 $0x19, v1;
	v7 =	vld.idx.msk [tilespmem:v7+s3+$0x0], $0xffff;
	s6 =	sld [smem:$0x7F8];
	[tilespmem:s12+$0x0] =	vst v16  }
0x242: {  	v8 =	vld.idx.msk [tilespmem:v8+s3+$0x0], $0xffff;
	s7 =	sld [smem:$0x7B3]  }
0x243: {  	v12 =	vld.idx.msk [tilespmem:v12+s3+$0x0], $0xffff;
	s15 =	sld [smem:$0x7B4];
	_ =	sdelay $0x1  }
0x244: {  	s8 =	sadd.s32 s26, s1;
	v9 =	vld.idx.msk [tilespmem:v9+s3+$0x0], $0xffff;
	s6 =	sadd.s32 $0x10C40, s6  }
0x245: {  	v10 =	vadd.s32 $0x19, v4;
	s23 =	smov.u32 s0;
	v14 =	vld.idx.msk [tilespmem:v15+s3+$0x0], $0xffff;
	[tilespmem:s8+$0x0] =	vst v7;
	s7 =	sadd.s32 s7, s6;
	s0 =	sadd.s32 $0x10C40, s15  }
0x246: {  	[tilespmem:s7+$0x0] =	vst v8;
	s18 =	sadd.s32 s10, s0  }
0x247: {  	[tilespmem:s18+$0x0] =	vst v12  }
0x248: {  	s10 =	sadd.s32 s31, s5;
	s7 =	rddreg [dreg:$0x14]  }
0x249: {  	[tilespmem:s10+$0x0] =	vst v9;
	s7 =	sadd.s32 s7, s4  }
0x24a: {  	v11 =	vadd.s32 $0x19, v5;
	v10 =	vld.idx.msk [tilespmem:v10+s3+$0x0], $0xffff;
	[tilespmem:s7+$0x0] =	vst v14  }
0x24b: {  	s7 =	sld [smem:$0x7E5];
	_ =	sdelay $0x2  }
0x24c: {  	v15 =	vadd.s32 $0x1A, v1;
	s7 =	sadd.s32 s7, s2  }
0x24d: {  	v13 =	vadd.s32 $0x19, v6;
	v11 =	vld.idx.msk [tilespmem:v11+s3+$0x0], $0xffff;
	[tilespmem:s7+$0x0] =	vst v10  }
0x24e: {  	v2 =	vadd.s32 $0x1F, v2;
	s7 =	sld [smem:$0x7F1];
	_ =	sdelay $0x2  }
0x24f: {  	v15 =	vld.idx.msk [tilespmem:v15+s3+$0x0], $0xffff;
	s7 =	sadd.s32 s7, s6  }
0x250: {  	v13 =	vld.idx.msk [tilespmem:v13+s3+$0x0], $0xffff;
	[tilespmem:s7+$0x0] =	vst v11  }
0x251: {  	v2 =	vld.idx.msk [tilespmem:v2+s3+$0x0], $0xffff;
	v8 =	vadd.s32 $0x1A, v3;
	s7 =	sld [smem:$0x7B5]  }
0x252: {  	s11 =	sld [smem:$0x7EB]  }
0x253: {  	s12 =	sadd.s32 s24, s4  }
0x254: {  	[tilespmem:s12+$0x0] =	vst v15;
	s7 =	sadd.s32 s7, s0  }
0x255: {  	v7 =	vadd.s32 $0x1A, v5;
	s8 =	sadd.s32 s11, s9;
	[tilespmem:s7+$0x0] =	vst v13  }
0x256: {  	v12 =	vadd.s32 $0x1A, v4;
	v8 =	vld.idx.msk [tilespmem:v8+s3+$0x0], $0xffff;
	[tilespmem:s8+$0x0] =	vst v2  }
0x257: {  	s7 =	sld [smem:$0x7EE]  }
0x258: {  	v9 =	vadd.s32 $0x1B, v0  }
0x259: {  	v10 =	vadd.s32 $0x1B, v1  }
0x25a: {  	v11 =	vadd.s32 $0x1B, v3;
	v7 =	vld.idx.msk [tilespmem:v7+s3+$0x0], $0xffff;
	s7 =	sadd.s32 s7, s5  }
0x25b: {  	v14 =	vadd.s32 $0x1A, v6;
	v12 =	vld.idx.msk [tilespmem:v12+s3+$0x0], $0xffff;
	[tilespmem:s7+$0x0] =	vst v8  }
0x25c: {  	s7 =	sld [smem:$0x7E1]  }
0x25d: {  	v9 =	vld.idx.msk [tilespmem:v9+s3+$0x0], $0xffff  }
0x25e: {  	s15 =	sadd.s32 s20, s6;
	v10 =	vld.idx.msk [tilespmem:v10+s3+$0x0], $0xffff  }
0x25f: {  	v11 =	vld.idx.msk [tilespmem:v11+s3+$0x0], $0xffff;
	[tilespmem:s15+$0x0] =	vst v7;
	s7 =	sadd.s32 s7, s2  }
0x260: {  	v13 =	vadd.s32 $0x1B, v4;
	v14 =	vld.idx.msk [tilespmem:v14+s3+$0x0], $0xffff;
	[tilespmem:s7+$0x0] =	vst v12  }
0x261: {  	s18 =	sadd.s32 s13, s1;
	s7 =	sld [smem:$0x7B6]  }
0x262: {  	s20 =	sadd.s32 s29, s4;
	[tilespmem:s18+$0x0] =	vst v9  }
0x263: {  	s23 =	sadd.s32 s23, s5;
	[tilespmem:s20+$0x0] =	vst v10  }
0x264: {  	[tilespmem:s23+$0x0] =	vst v11;
	s7 =	sadd.s32 s7, s0  }
0x265: {  	v2 =	vadd.s32 $0x1B, v5;
	v13 =	vld.idx.msk [tilespmem:v13+s3+$0x0], $0xffff;
	[tilespmem:s7+$0x0] =	vst v14  }
0x266: {  	s7 =	sld [smem:$0x7E9];
	_ =	sdelay $0x2  }
0x267: {  	s7 =	sadd.s32 s7, s2  }
0x268: {  	v15 =	vadd.s32 $0x1B, v6;
	v2 =	vld.idx.msk [tilespmem:v2+s3+$0x0], $0xffff;
	[tilespmem:s7+$0x0] =	vst v13  }
0x269: {  	s7 =	sld [smem:$0x7B7];
	_ =	sdelay $0x2  }
0x26a: {  	s7 =	sadd.s32 s7, s6  }
0x26b: {  	v8 =	vadd.s32 $0x1C, v0;
	v15 =	vld.idx.msk [tilespmem:v15+s3+$0x0], $0xffff;
	[tilespmem:s7+$0x0] =	vst v2  }
0x26c: {  	s7 =	sld [smem:$0x7B8];
	_ =	sdelay $0x1  }
0x26d: {  	v12 =	vadd.s32 $0x1C, v1  }
0x26e: {  	s7 =	sadd.s32 s7, s0  }
0x26f: {  	v8 =	vld.idx.msk [tilespmem:v8+s3+$0x0], $0xffff;
	[tilespmem:s7+$0x0] =	vst v15  }
0x270: {  	s7 =	sld [smem:$0x7EF];
	_ =	sdelay $0x1  }
0x271: {  	v7 =	vadd.s32 $0x1C, v3;
	v12 =	vld.idx.msk [tilespmem:v12+s3+$0x0], $0xffff  }
0x272: {  	s7 =	sadd.s32 s7, s1  }
0x273: {  	[tilespmem:s7+$0x0] =	vst v8  }
0x274: {  	s7 =	rddreg [dreg:$0xc]  }
0x275: {  	s7 =	sadd.s32 s7, s4  }
0x276: {  	v7 =	vld.idx.msk [tilespmem:v7+s3+$0x0], $0xffff;
	v14 =	vadd.s32 $0x1C, v4;
	[tilespmem:s7+$0x0] =	vst v12  }
0x277: {  	s7 =	sld [smem:$0x7DE];
	_ =	sdelay $0x2  }
0x278: {  	s7 =	sadd.s32 s7, s5  }
0x279: {  	v9 =	vadd.s32 $0x1C, v5;
	v14 =	vld.idx.msk [tilespmem:v14+s3+$0x0], $0xffff;
	[tilespmem:s7+$0x0] =	vst v7  }
0x27a: {  	s7 =	sld [smem:$0x7B9];
	_ =	sdelay $0x1  }
0x27b: {  	v13 =	vadd.s32 $0x1D, v1  }
0x27c: {  	v11 =	vadd.s32 $0x1D, v0;
	s7 =	sadd.s32 s7, s2  }
0x27d: {  	v10 =	vadd.s32 $0x1C, v6;
	v9 =	vld.idx.msk [tilespmem:v9+s3+$0x0], $0xffff;
	[tilespmem:s7+$0x0] =	vst v14  }
0x27e: {  	s7 =	sld [smem:$0x7BA];
	_ =	sdelay $0x1  }
0x27f: {  	v13 =	vld.idx.msk [tilespmem:v13+s3+$0x0], $0xffff  }
0x280: {  	v11 =	vld.idx.msk [tilespmem:v11+s3+$0x0], $0xffff;
	s7 =	sadd.s32 s7, s6  }
0x281: {  	v2 =	vadd.s32 $0x1D, v3;
	v10 =	vld.idx.msk [tilespmem:v10+s3+$0x0], $0xffff;
	[tilespmem:s7+$0x0] =	vst v9  }
0x282: {  	s7 =	sld [smem:$0x7BB]  }
0x283: {  	s24 =	sadd.s32 s21, s4;
	s8 =	rddreg [dreg:$0x6]  }
0x284: {  	[tilespmem:s24+$0x0] =	vst v13;
	s8 =	sadd.s32 s8, s1  }
0x285: {  	[tilespmem:s8+$0x0] =	vst v11;
	s7 =	sadd.s32 s7, s0  }
0x286: {  	v15 =	vadd.s32 $0x1D, v4;
	v2 =	vld.idx.msk [tilespmem:v2+s3+$0x0], $0xffff;
	[tilespmem:s7+$0x0] =	vst v10  }
0x287: {  	s7 =	sld [smem:$0x7E4];
	_ =	sdelay $0x2  }
0x288: {  	s7 =	sadd.s32 s7, s5  }
0x289: {  	v8 =	vadd.s32 $0x1D, v5;
	v15 =	vld.idx.msk [tilespmem:v15+s3+$0x0], $0xffff;
	[tilespmem:s7+$0x0] =	vst v2  }
0x28a: {  	s7 =	sld [smem:$0x7ED];
	_ =	sdelay $0x2  }
0x28b: {  	v14 =	vadd.s32 $0x1E, v1;
	s7 =	sadd.s32 s7, s2  }
0x28c: {  	v12 =	vadd.s32 $0x1D, v6;
	v8 =	vld.idx.msk [tilespmem:v8+s3+$0x0], $0xffff;
	[tilespmem:s7+$0x0] =	vst v15  }
0x28d: {  	v7 =	vadd.s32 $0x1E, v0;
	s7 =	sld [smem:$0x7BC];
	_ =	sdelay $0x2  }
0x28e: {  	v9 =	vadd.s32 $0x1E, v3;
	v13 =	vld.idx.msk [tilespmem:v14+s3+$0x0], $0xffff;
	s7 =	sadd.s32 s7, s6  }
0x28f: {  	v11 =	vld.idx.msk [tilespmem:v12+s3+$0x0], $0xffff;
	[tilespmem:s7+$0x0] =	vst v8  }
0x290: {  	v7 =	vld.idx.msk [tilespmem:v7+s3+$0x0], $0xffff;
	s7 =	sld [smem:$0x7BD]  }
0x291: {  	s8 =	sld [smem:$0x7BE]  }
0x292: {  	s26 =	sadd.s32 s19, s4  }
0x293: {  	v16 =	vadd.s32 $0x1E, v4;
	v2 =	vld.idx.msk [tilespmem:v9+s3+$0x0], $0xffff;
	[tilespmem:s26+$0x0] =	vst v13;
	s7 =	sadd.s32 s7, s0  }
0x294: {  	s8 =	sadd.s32 s8, s1;
	[tilespmem:s7+$0x0] =	vst v11  }
0x295: {  	[tilespmem:s8+$0x0] =	vst v7  }
0x296: {  	s7 =	rddreg [dreg:$0x1e]  }
0x297: {  	s7 =	sadd.s32 s7, s5  }
0x298: {  	v10 =	vadd.s32 $0x1E, v5;
	v9 =	vld.idx.msk [tilespmem:v16+s3+$0x0], $0xffff;
	[tilespmem:s7+$0x0] =	vst v2  }
0x299: {  	s7 =	sld [smem:$0x7DA];
	_ =	sdelay $0x1  }
0x29a: {  	v3 =	vadd.s32 $0x1F, v3  }
0x29b: {  	v4 =	vadd.s32 $0x1F, v4;
	s7 =	sadd.s32 s7, s2  }
0x29c: {  	v12 =	vadd.s32 $0x1E, v6;
	v8 =	vld.idx.msk [tilespmem:v10+s3+$0x0], $0xffff;
	[tilespmem:s7+$0x0] =	vst v9  }
0x29d: {  	v0 =	vadd.s32 $0x1F, v0;
	s7 =	sld [smem:$0x7BF];
	_ =	sdelay $0x1  }
0x29e: {  	v1 =	vadd.s32 $0x1F, v1;
	v2 =	vld.idx.msk [tilespmem:v3+s3+$0x0], $0xffff  }
0x29f: {  	v5 =	vadd.s32 $0x1F, v5;
	v3 =	vld.idx.msk [tilespmem:v4+s3+$0x0], $0xffff;
	s7 =	sadd.s32 s7, s6  }
0x2a0: {  	v7 =	vld.idx.msk [tilespmem:v12+s3+$0x0], $0xffff;
	[tilespmem:s7+$0x0] =	vst v8  }
0x2a1: {  	v0 =	vld.idx.msk [tilespmem:v0+s3+$0x0], $0xffff;
	s7 =	sld [smem:$0x7C0]  }
0x2a2: {  	s8 =	sld [smem:$0x7DD]  }
0x2a3: {  	s9 =	sadd.s32 s14, s2;
	v6 =	vadd.s32 $0x1F, v6;
	v1 =	vld.idx.msk [tilespmem:v1+s3+$0x0], $0xffff  }
0x2a4: {  	v4 =	vld.idx.msk [tilespmem:v5+s3+$0x0], $0xffff;
	[tilespmem:s9+$0x0] =	vst v3;
	s7 =	sadd.s32 s7, s0  }
0x2a5: {  	s1 =	sadd.s32 s8, s1;
	[tilespmem:s7+$0x0] =	vst v7  }
0x2a6: {  	s8 =	sadd.s32 s22, s5;
	[tilespmem:s1+$0x0] =	vst v0  }
0x2a7: {  	s7 =	sadd.s32 s16, s4;
	[tilespmem:s8+$0x0] =	vst v2  }
0x2a8: {  	s10 =	sadd.s32 s17, s6;
	v0 =	vld.idx.msk [tilespmem:v6+s3+$0x0], $0xffff;
	[tilespmem:s7+$0x0] =	vst v1  }
0x2a9: {  	[tilespmem:s10+$0x0] =	vst v4  }
0x2aa: {  	s11 =	sld [smem:$0x7F4];
	_ =	sdelay $0x1  }
0x2ab: {  	s0 =	sadd.s32 s25, s0  }
0x2ac: {  	s1 =	sld [smem:$0x7F3];
	s2 =	sor.u32 $0x1, s11;
	[tilespmem:s0+$0x0] =	vst v0  }
0x2ad: {  	s0 =	simm.s32 @!p0 $0x2;
	[smem:$0x7C1] =	sst s2  }
0x2ae: {  	_ =	swait.ge @!p0 [sflag:s0], $0x5000  }
0x2af: {  	s2 =	smul.u32 $0x5, s2;
	s12 =	sld [smem:$0x7FA]  }
0x2b0: {  	s1 =	smul.u32 $0x140000, s1  }
0x2b1: {  	s13 =	simm.s32 $0x400;
	[dreg:$0x5] =	wrdreg s2;
	[sflag:s0] =	ssyncset.done @!p0 $0x0  }
0x2b2: {  	s2 =	rddreg [dreg:$0x5];
	[sflag:s0] =	ssyncadd.s32 @!p0 $0xFFFFB000;
	s1 =	sor.u32 s12, s1  }
0x2b3: {  	s14 =	simm.s32 $0x8000;
	s0 =	rddreg [dreg:$0x2];
	s1 =	sshrl.u32 s1, $0x3  }
0x2b4: {  	s15 =	simm.s32 $0x10040;
	s16 =	sadd.s32 $0x0, s2;
	s0 =	sadd.s32 s0, s1  }
0x2b5: {  	[hbm4b:s0+s13] =	stream.strided.scatter [tilespmem:s15], [sflag:$0x1], $0x5000, s14, s13, $0x38;
	[tilespmem:$0x1A040] =	vst v63  }
0x2b6: {  	s17 =	simm.s32 $0x0;
	s0 =	sshll.u32 s16, $0x7  }
0x2b7: {  	s8 =	sand.u32 $0x70, s17;
	s0 =	sand.u32 $0x1FFFFF80, s0  }
0x2b8: {  	s0 =	sor.u32 s8, s0  }
0x2b9: {  	v0 =	vld [tilespmem:s0+$0x9C40];
	_ =	sdelay $0x4  }
0x2ba: {  	v2 =	vmul.u32 $0x28, v0;
	_ =	sdelay $0x5  }
0x2bb: {  	v0 =	vld.idx.msk [tilespmem:v2+s3+$0x0], $0xffff  }
0x2bc: {  	v1 =	vor.u32 $0x1, v2;
	_ =	sdelay $0x2  }
0x2bd: {  	s18 =	sadd.s32 $0x15040, s8  }
0x2be: {  	[tilespmem:s18+$0x0] =	vst v0  }
0x2bf: {  	v0 =	vld.idx.msk [tilespmem:v1+s3+$0x0], $0xffff  }
0x2c0: {  	v1 =	vor.u32 $0x2, v2;
	_ =	sdelay $0x1  }
0x2c1: {  	s6 =	sor.u32 $0x80, s8  }
0x2c2: {  	s19 =	sadd.s32 $0x15040, s6  }
0x2c3: {  	[tilespmem:s19+$0x0] =	vst v0  }
0x2c4: {  	s20 =	rddreg [dreg:$0x5];
	v0 =	vld.idx.msk [tilespmem:v1+s3+$0x0], $0xffff  }
0x2c5: {  	s21 =	sadd.s32 $0x0, s20;
	v1 =	vor.u32 $0x3, v2  }
0x2c6: {  	s1 =	sshll.u32 s21, $0x7;
	s0 =	simm.s32 $0x10  }
0x2c7: {  	s4 =	sor.u32 $0x100, s8;
	s1 =	sand.u32 $0x1FFFFF80, s1;
	s18 =	sand.u32 $0x70, s0  }
0x2c8: {  	s22 =	sadd.s32 $0x15040, s4;
	s1 =	sor.u32 s18, s1  }
0x2c9: {  	v3 =	vld [tilespmem:s1+$0x9C40];
	[tilespmem:s22+$0x0] =	vst v0  }
0x2ca: {  	v0 =	vld.idx.msk [tilespmem:v1+s3+$0x0], $0xffff  }
0x2cb: {  	v1 =	vor.u32 $0x4, v2;
	_ =	sdelay $0x1  }
0x2cc: {  	s13 =	sor.u32 $0x180, s8  }
0x2cd: {  	s23 =	sadd.s32 $0x15040, s13  }
0x2ce: {  	[tilespmem:s23+$0x0] =	vst v0;
	v0 =	vmul.u32 $0x28, v3  }
0x2cf: {  	v1 =	vld.idx.msk [tilespmem:v1+s3+$0x0], $0xffff  }
0x2d0: {  	v3 =	vor.u32 $0x5, v2;
	_ =	sdelay $0x1  }
0x2d1: {  	s29 =	sor.u32 $0x200, s8  }
0x2d2: {  	s24 =	sadd.s32 $0x15040, s29  }
0x2d3: {  	v4 =	vld.idx.msk [tilespmem:v0+s3+$0x0], $0xffff;
	[tilespmem:s24+$0x0] =	vst v1  }
0x2d4: {  	v1 =	vld.idx.msk [tilespmem:v3+s3+$0x0], $0xffff;
	v3 =	vor.u32 $0x1, v0  }
0x2d5: {  	v5 =	vor.u32 $0x6, v2;
	_ =	sdelay $0x1  }
0x2d6: {  	s25 =	sadd.s32 $0x15040, s18;
	s24 =	sor.u32 $0x280, s8  }
0x2d7: {  	s26 =	sadd.s32 $0x15040, s24;
	[tilespmem:s25+$0x0] =	vst v4  }
0x2d8: {  	v3 =	vld.idx.msk [tilespmem:v3+s3+$0x0], $0xffff;
	[tilespmem:s26+$0x0] =	vst v1  }
0x2d9: {  	v4 =	vor.u32 $0x2, v0;
	v1 =	vld.idx.msk [tilespmem:v5+s3+$0x0], $0xffff;
	_ =	sdelay $0x1  }
0x2da: {  	s20 =	sor.u32 $0x80, s18;
	v5 =	vor.u32 $0x7, v2  }
0x2db: {  	s15 =	sor.u32 $0x300, s8;
	s5 =	sadd.s32 $0x15040, s20  }
0x2dc: {  	s9 =	sadd.s32 $0x15040, s15;
	[tilespmem:s5+$0x0] =	vst v3  }
0x2dd: {  	s7 =	rddreg [dreg:$0x5];
	[tilespmem:s9+$0x0] =	vst v1;
	v1 =	vld.idx.msk [tilespmem:v4+s3+$0x0], $0xffff  }
0x2de: {  	s10 =	sadd.s32 $0x0, s7;
	v4 =	vor.u32 $0x3, v0  }
0x2df: {  	s1 =	simm.s32 $0x20;
	s5 =	sshll.u32 s10, $0x7;
	v3 =	vld.idx.msk [tilespmem:v5+s3+$0x0], $0xffff  }
0x2e0: {  	s21 =	sand.u32 $0x70, s1;
	s23 =	sor.u32 $0x100, s18;
	s5 =	sand.u32 $0x1FFFFF80, s5;
	v5 =	vadd.s32 $0x8, v2  }
0x2e1: {  	s11 =	sadd.s32 $0x15040, s23;
	s5 =	sor.u32 s21, s5  }
0x2e2: {  	s30 =	sor.u32 $0x380, s17;
	v6 =	vld [tilespmem:s5+$0x9C40];
	[tilespmem:s11+$0x0] =	vst v1  }
0x2e3: {  	s2 =	sadd.s32 $0x15040, s30;
	v1 =	vld.idx.msk [tilespmem:v4+s3+$0x0], $0xffff  }
0x2e4: {  	[tilespmem:s2+$0x0] =	vst v3;
	v4 =	vor.u32 $0x4, v0  }
0x2e5: {  	v3 =	vld.idx.msk [tilespmem:v5+s3+$0x0], $0xffff  }
0x2e6: {  	s26 =	sor.u32 $0x180, s18;
	v5 =	vadd.s32 $0x9, v2  }
0x2e7: {  	s12 =	sadd.s32 $0x15040, s26  }
0x2e8: {  	[tilespmem:s12+$0x0] =	vst v1;
	v1 =	vmul.u32 $0x28, v6  }
0x2e9: {  	s14 =	sadd.s32 $0x15440, s8;
	v4 =	vld.idx.msk [tilespmem:v4+s3+$0x0], $0xffff  }
0x2ea: {  	[tilespmem:s14+$0x0] =	vst v3  }
0x2eb: {  	v3 =	vld.idx.msk [tilespmem:v5+s3+$0x0], $0xffff;
	v5 =	vor.u32 $0x5, v0  }
0x2ec: {  	s17 =	sor.u32 $0x200, s18  }
0x2ed: {  	s16 =	sadd.s32 $0x15040, s17;
	v6 =	vadd.s32 $0xA, v2  }
0x2ee: {  	v7 =	vld.idx.msk [tilespmem:v1+s3+$0x0], $0xffff;
	[tilespmem:s16+$0x0] =	vst v4  }
0x2ef: {  	[smem:$0x7D1] =	sst s6  }
0x2f0: {  	s19 =	sadd.s32 $0x15440, s6;
	v4 =	vld.idx.msk [tilespmem:v5+s3+$0x0], $0xffff  }
0x2f1: {  	[tilespmem:s19+$0x0] =	vst v3;
	v3 =	vor.u32 $0x1, v1  }
0x2f2: {  	s22 =	sadd.s32 $0x15040, s21;
	v5 =	vld.idx.msk [tilespmem:v6+s3+$0x0], $0xffff;
	v6 =	vor.u32 $0x6, v0  }
0x2f3: {  	v8 =	vadd.s32 $0xB, v2;
	s10 =	sor.u32 $0x280, s18;
	[tilespmem:s22+$0x0] =	vst v7  }
0x2f4: {  	s25 =	sadd.s32 $0x15040, s10;
	[dreg:$0x7] =	wrdreg s10  }
0x2f5: {  	[tilespmem:s25+$0x0] =	vst v4  }
0x2f6: {  	s5 =	sadd.s32 $0x15440, s4;
	v3 =	vld.idx.msk [tilespmem:v3+s3+$0x0], $0xffff;
	[smem:$0x7D3] =	sst s4  }
0x2f7: {  	v4 =	vld.idx.msk [tilespmem:v6+s3+$0x0], $0xffff;
	[tilespmem:s5+$0x0] =	vst v5;
	v5 =	vor.u32 $0x2, v1  }
0x2f8: {  	v7 =	vor.u32 $0x7, v0;
	v6 =	vld.idx.msk [tilespmem:v8+s3+$0x0], $0xffff  }
0x2f9: {  	s31 =	smov.u32 s6;
	s25 =	sor.u32 $0x80, s21;
	v8 =	vadd.s32 $0xC, v2  }
0x2fa: {  	s9 =	sor.u32 $0x300, s18;
	s6 =	sadd.s32 $0x15040, s25;
	[dreg:$0x16] =	wrdreg s25  }
0x2fb: {  	s12 =	sadd.s32 $0x15040, s9;
	[tilespmem:s6+$0x0] =	vst v3  }
0x2fc: {  	s11 =	rddreg [dreg:$0x5];
	s14 =	sadd.s32 $0x15440, s13;
	[tilespmem:s12+$0x0] =	vst v4;
	v3 =	vld.idx.msk [tilespmem:v5+s3+$0x0], $0xffff  }
0x2fd: {  	s16 =	sadd.s32 $0x0, s11;
	v5 =	vor.u32 $0x3, v1;
	[tilespmem:s14+$0x0] =	vst v6;
	v4 =	vld.idx.msk [tilespmem:v7+s3+$0x0], $0xffff  }
0x2fe: {  	s2 =	sshll.u32 s16, $0x7;
	s19 =	simm.s32 $0x30;
	v7 =	vadd.s32 $0x8, v0;
	v6 =	vld.idx.msk [tilespmem:v8+s3+$0x0], $0xffff  }
0x2ff: {  	s2 =	sand.u32 $0x1FFFFF80, s2;
	s28 =	sand.u32 $0x70, s19;
	s19 =	sor.u32 $0x100, s21;
	v8 =	vadd.s32 $0xD, v2  }
0x300: {  	s2 =	sor.u32 s28, s2;
	s22 =	sadd.s32 $0x15040, s19;
	s14 =	sor.u32 $0x380, s0  }
0x301: {  	v9 =	vld [tilespmem:s2+$0x9C40];
	s0 =	sadd.s32 $0x15040, s14;
	[tilespmem:s22+$0x0] =	vst v3  }
0x302: {  	s2 =	sadd.s32 $0x15440, s29;
	v3 =	vld.idx.msk [tilespmem:v5+s3+$0x0], $0xffff;
	[tilespmem:s0+$0x0] =	vst v4  }
0x303: {  	v5 =	vor.u32 $0x4, v1;
	v4 =	vld.idx.msk [tilespmem:v7+s3+$0x0], $0xffff;
	[tilespmem:s2+$0x0] =	vst v6  }
0x304: {  	v7 =	vadd.s32 $0x9, v0;
	v6 =	vld.idx.msk [tilespmem:v8+s3+$0x0], $0xffff  }
0x305: {  	s16 =	sor.u32 $0x180, s21;
	v8 =	vadd.s32 $0xE, v2  }
0x306: {  	s7 =	smov.u32 s4;
	s4 =	sadd.s32 $0x15040, s16  }
0x307: {  	s5 =	sadd.s32 $0x15440, s18;
	[tilespmem:s4+$0x0] =	vst v3;
	v3 =	vmul.u32 $0x28, v9  }
0x308: {  	s6 =	sadd.s32 $0x15440, s24;
	v5 =	vld.idx.msk [tilespmem:v5+s3+$0x0], $0xffff;
	[tilespmem:s5+$0x0] =	vst v4  }
0x309: {  	v4 =	vld.idx.msk [tilespmem:v7+s3+$0x0], $0xffff;
	[tilespmem:s6+$0x0] =	vst v6;
	v6 =	vor.u32 $0x5, v1  }
0x30a: {  	v7 =	vld.idx.msk [tilespmem:v8+s3+$0x0], $0xffff;
	v8 =	vadd.s32 $0xA, v0  }
0x30b: {  	v9 =	vadd.s32 $0xF, v2;
	s5 =	sor.u32 $0x200, s21  }
0x30c: {  	s11 =	sadd.s32 $0x15040, s5  }
0x30d: {  	s12 =	sadd.s32 $0x15440, s20;
	v10 =	vld.idx.msk [tilespmem:v3+s3+$0x0], $0xffff;
	[tilespmem:s11+$0x0] =	vst v5  }
0x30e: {  	s22 =	sadd.s32 $0x15440, s15;
	v5 =	vld.idx.msk [tilespmem:v6+s3+$0x0], $0xffff;
	[tilespmem:s12+$0x0] =	vst v4;
	v4 =	vor.u32 $0x1, v3  }
0x30f: {  	v6 =	vld.idx.msk [tilespmem:v8+s3+$0x0], $0xffff;
	[tilespmem:s22+$0x0] =	vst v7;
	v7 =	vor.u32 $0x6, v1  }
0x310: {  	v8 =	vld.idx.msk [tilespmem:v9+s3+$0x0], $0xffff;
	v9 =	vadd.s32 $0xB, v0  }
0x311: {  	v11 =	vadd.s32 $0x10, v2;
	s2 =	sadd.s32 $0x15040, s28;
	s22 =	sor.u32 $0x280, s21  }
0x312: {  	s4 =	sadd.s32 $0x15040, s22;
	[tilespmem:s2+$0x0] =	vst v10  }
0x313: {  	s6 =	sadd.s32 $0x15440, s23;
	[tilespmem:s4+$0x0] =	vst v5;
	v4 =	vld.idx.msk [tilespmem:v4+s3+$0x0], $0xffff  }
0x314: {  	s11 =	sadd.s32 $0x15440, s30;
	[tilespmem:s6+$0x0] =	vst v6;
	v5 =	vld.idx.msk [tilespmem:v7+s3+$0x0], $0xffff;
	v6 =	vor.u32 $0x2, v3  }
0x315: {  	[tilespmem:s11+$0x0] =	vst v8;
	v7 =	vld.idx.msk [tilespmem:v9+s3+$0x0], $0xffff;
	v8 =	vor.u32 $0x7, v1  }
0x316: {  	v10 =	vadd.s32 $0xC, v0;
	s4 =	sor.u32 $0x80, s28;
	v9 =	vld.idx.msk [tilespmem:v11+s3+$0x0], $0xffff  }
0x317: {  	s12 =	sadd.s32 $0x15040, s4;
	s11 =	sor.u32 $0x300, s21  }
0x318: {  	v11 =	vadd.s32 $0x11, v2;
	s6 =	sadd.s32 $0x15040, s11;
	[tilespmem:s12+$0x0] =	vst v4  }
0x319: {  	s2 =	rddreg [dreg:$0x5];
	s12 =	sadd.s32 $0x15440, s26;
	[tilespmem:s6+$0x0] =	vst v5;
	v4 =	vld.idx.msk [tilespmem:v6+s3+$0x0], $0xffff  }
0x31a: {  	s6 =	sadd.s32 $0x0, s2;
	v6 =	vor.u32 $0x3, v3;
	[tilespmem:s12+$0x0] =	vst v7;
	v5 =	vld.idx.msk [tilespmem:v8+s3+$0x0], $0xffff;
	s12 =	sadd.s32 $0x15840, s8  }
0x31b: {  	s6 =	sshll.u32 s6, $0x7;
	v8 =	vadd.s32 $0x8, v1;
	[tilespmem:s12+$0x0] =	vst v9;
	v7 =	vld.idx.msk [tilespmem:v10+s3+$0x0], $0xffff;
	s12 =	simm.s32 $0x40  }
0x31c: {  	s2 =	sand.u32 $0x1FFFFF80, s6;
	v10 =	vadd.s32 $0xD, v0;
	s6 =	sor.u32 $0x100, s28;
	s0 =	sand.u32 $0x70, s12  }
0x31d: {  	v9 =	vld.idx.msk [tilespmem:v11+s3+$0x0], $0xffff;
	s12 =	sor.u32 $0x380, s1;
	s1 =	sadd.s32 $0x15040, s6;
	s2 =	sor.u32 s0, s2  }
0x31e: {  	v11 =	vadd.s32 $0x12, v2;
	v12 =	vld [tilespmem:s2+$0x9C40];
	[tilespmem:s1+$0x0] =	vst v4;
	s2 =	sadd.s32 $0x15040, s12  }
0x31f: {  	[tilespmem:s2+$0x0] =	vst v5;
	v4 =	vld.idx.msk [tilespmem:v6+s3+$0x0], $0xffff;
	s2 =	sadd.s32 $0x15440, s17  }
0x320: {  	v6 =	vor.u32 $0x4, v3;
	[tilespmem:s2+$0x0] =	vst v7;
	v5 =	vld.idx.msk [tilespmem:v8+s3+$0x0], $0xffff  }
0x321: {  	s2 =	sadd.s32 $0x15840, s31;
	v8 =	vadd.s32 $0x9, v1;
	v7 =	vld.idx.msk [tilespmem:v10+s3+$0x0], $0xffff  }
0x322: {  	s31 =	sor.u32 $0x180, s28;
	[tilespmem:s2+$0x0] =	vst v9;
	v10 =	vadd.s32 $0xE, v0  }
0x323: {  	s2 =	sadd.s32 $0x15040, s31;
	v9 =	vld.idx.msk [tilespmem:v11+s3+$0x0], $0xffff  }
0x324: {  	v11 =	vadd.s32 $0x13, v2;
	[tilespmem:s2+$0x0] =	vst v4;
	v4 =	vmul.u32 $0x28, v12;
	s2 =	sadd.s32 $0x15440, s21  }
0x325: {  	[tilespmem:s2+$0x0] =	vst v5;
	v5 =	vld.idx.msk [tilespmem:v6+s3+$0x0], $0xffff;
	s2 =	sadd.s32 $0x15440, s10  }
0x326: {  	[tilespmem:s2+$0x0] =	vst v7;
	v6 =	vld.idx.msk [tilespmem:v8+s3+$0x0], $0xffff  }
0x327: {  	s10 =	sadd.s32 $0x15840, s7;
	v7 =	vor.u32 $0x5, v3;
	v8 =	vld.idx.msk [tilespmem:v10+s3+$0x0], $0xffff  }
0x328: {  	[tilespmem:s10+$0x0] =	vst v9;
	v9 =	vadd.s32 $0xA, v1;
	s10 =	sor.u32 $0x200, s28  }
0x329: {  	v10 =	vld.idx.msk [tilespmem:v11+s3+$0x0], $0xffff;
	s2 =	sadd.s32 $0x15040, s10  }
0x32a: {  	s7 =	sadd.s32 $0x15440, s25;
	v11 =	vadd.s32 $0xF, v0;
	[tilespmem:s2+$0x0] =	vst v5;
	v5 =	vld.idx.msk [tilespmem:v4+s3+$0x0], $0xffff  }
0x32b: {  	v12 =	vadd.s32 $0x14, v2;
	s25 =	smov.u32 s9;
	s9 =	sadd.s32 $0x15440, s9;
	[tilespmem:s7+$0x0] =	vst v6  }
0x32c: {  	v6 =	vld.idx.msk [tilespmem:v7+s3+$0x0], $0xffff;
	[tilespmem:s9+$0x0] =	vst v8  }
0x32d: {  	s2 =	sadd.s32 $0x15840, s13;
	v7 =	vor.u32 $0x1, v4;
	v8 =	vld.idx.msk [tilespmem:v9+s3+$0x0], $0xffff;
	[smem:$0x7C2] =	sst s13  }
0x32e: {  	s7 =	sadd.s32 $0x15040, s0;
	[tilespmem:s2+$0x0] =	vst v10  }
0x32f: {  	v9 =	vor.u32 $0x6, v3;
	s9 =	sor.u32 $0x280, s28;
	v10 =	vld.idx.msk [tilespmem:v11+s3+$0x0], $0xffff;
	[tilespmem:s7+$0x0] =	vst v5  }
0x330: {  	s13 =	sadd.s32 $0x15040, s9;
	v11 =	vadd.s32 $0xB, v1;
	v12 =	vld.idx.msk [tilespmem:v12+s3+$0x0], $0xffff;
	[smem:$0x7C3] =	sst s9  }
0x331: {  	v13 =	vadd.s32 $0x10, v0;
	[tilespmem:s13+$0x0] =	vst v6  }
0x332: {  	v5 =	vadd.s32 $0x15, v2;
	v6 =	vld.idx.msk [tilespmem:v7+s3+$0x0], $0xffff;
	[dreg:$0x12] =	wrdreg s19;
	s19 =	sadd.s32 $0x15440, s19  }
0x333: {  	s2 =	sadd.s32 $0x15440, s14;
	[tilespmem:s19+$0x0] =	vst v8  }
0x334: {  	v7 =	vld.idx.msk [tilespmem:v9+s3+$0x0], $0xffff;
	[tilespmem:s2+$0x0] =	vst v10  }
0x335: {  	s7 =	sadd.s32 $0x15840, s29;
	v9 =	vld.idx.msk [tilespmem:v11+s3+$0x0], $0xffff;
	[dreg:$0x1d] =	wrdreg s29  }
0x336: {  	s9 =	sor.u32 $0x80, s0;
	v8 =	vor.u32 $0x2, v4;
	[tilespmem:s7+$0x0] =	vst v12;
	v11 =	vld.idx.msk [tilespmem:v13+s3+$0x0], $0xffff  }
0x337: {  	s2 =	sadd.s32 $0x15040, s9;
	v5 =	vld.idx.msk [tilespmem:v5+s3+$0x0], $0xffff;
	[smem:$0x7C4] =	sst s9  }
0x338: {  	v10 =	vor.u32 $0x7, v3;
	s7 =	sor.u32 $0x300, s28;
	[tilespmem:s2+$0x0] =	vst v6  }
0x339: {  	v12 =	vadd.s32 $0xC, v1;
	s9 =	sadd.s32 $0x15040, s7;
	[smem:$0x7C5] =	sst s7  }
0x33a: {  	s19 =	rddreg [dreg:$0x5];
	[tilespmem:s9+$0x0] =	vst v7  }
0x33b: {  	s13 =	smov.u32 s14;
	v13 =	vadd.s32 $0x11, v0;
	v7 =	vld.idx.msk [tilespmem:v8+s3+$0x0], $0xffff;
	[smem:$0x7C6] =	sst s16;
	s16 =	sadd.s32 $0x15440, s16  }
0x33c: {  	s14 =	smov.u32 s18;
	s1 =	sadd.s32 $0x0, s19;
	s19 =	sadd.s32 $0x15840, s18;
	v6 =	vadd.s32 $0x16, v2;
	[tilespmem:s16+$0x0] =	vst v9  }
0x33d: {  	s18 =	sadd.s32 $0x15840, s24;
	s1 =	sshll.u32 s1, $0x7;
	s7 =	simm.s32 $0x50;
	v8 =	vld.idx.msk [tilespmem:v10+s3+$0x0], $0xffff;
	[tilespmem:s19+$0x0] =	vst v11  }
0x33e: {  	s16 =	sand.u32 $0x1FFFFF80, s1;
	v10 =	vld.idx.msk [tilespmem:v12+s3+$0x0], $0xffff;
	[dreg:$0x19] =	wrdreg s24;
	s24 =	simm.s32 $0x50  }
0x33f: {  	s19 =	simm.s32 $0x0;
	s3 =	sand.u32 $0x70, s7;
	[smem:$0x7C7] =	sst s24  }
0x340: {  	v9 =	vor.u32 $0x3, v4;
	s7 =	sor.u32 $0x100, s0;
	s2 =	sor.u32 s3, s16;
	[tilespmem:s18+$0x0] =	vst v5;
	v5 =	vld.idx.msk [tilespmem:v13+s19+$0x0], $0xffff  }
0x341: {  	s16 =	simm.s32 $0x30;
	s18 =	sadd.s32 $0x15040, s7;
	v6 =	vld.idx.msk [tilespmem:v6+s19+$0x0], $0xffff;
	[smem:$0x7C8] =	sst s7  }
0x342: {  	v11 =	vadd.s32 $0x8, v3;
	s1 =	sor.u32 $0x380, s16;
	[tilespmem:s18+$0x0] =	vst v7  }
0x343: {  	s16 =	sadd.s32 $0x15040, s1;
	v14 =	vld [tilespmem:s2+$0x9C40];
	[smem:$0x7C9] =	sst s1  }
0x344: {  	v12 =	vadd.s32 $0xD, v1;
	[tilespmem:s16+$0x0] =	vst v8  }
0x345: {  	v13 =	vadd.s32 $0x12, v0;
	s18 =	sadd.s32 $0x15440, s5;
	v8 =	vld.idx.msk [tilespmem:v9+s19+$0x0], $0xffff;
	[dreg:$0xd] =	wrdreg s5  }
0x346: {  	v7 =	vadd.s32 $0x17, v2;
	[tilespmem:s18+$0x0] =	vst v10  }
0x347: {  	s1 =	sadd.s32 $0x15840, s20;
	v9 =	vld.idx.msk [tilespmem:v11+s19+$0x0], $0xffff;
	[dreg:$0x13] =	wrdreg s20  }
0x348: {  	s29 =	simm.s32 $0x60;
	s24 =	rddreg [dreg:$0x5];
	[tilespmem:s1+$0x0] =	vst v5  }
0x349: {  	s24 =	sadd.s32 $0x0, s24;
	s5 =	sadd.s32 $0x15840, s15;
	v11 =	vld.idx.msk [tilespmem:v12+s19+$0x0], $0xffff;
	[dreg:$0x1f] =	wrdreg s15  }
0x34a: {  	s9 =	sand.u32 $0x70, s29;
	s7 =	sor.u32 $0x180, s0;
	s2 =	sshll.u32 s24, $0x7;
	v10 =	vor.u32 $0x4, v4;
	[tilespmem:s5+$0x0] =	vst v6;
	v13 =	vld.idx.msk [tilespmem:v13+s19+$0x0], $0xffff  }
0x34b: {  	s2 =	sand.u32 $0x1FFFFF80, s2;
	s15 =	sadd.s32 $0x15040, s7;
	v7 =	vld.idx.msk [tilespmem:v7+s19+$0x0], $0xffff;
	[smem:$0x7CA] =	sst s7  }
0x34c: {  	s2 =	sor.u32 s9, s2;
	v12 =	vadd.s32 $0x9, v3;
	[tilespmem:s15+$0x0] =	vst v8  }
0x34d: {  	s16 =	sadd.s32 $0x15440, s28;
	v6 =	vld [tilespmem:s2+$0x9C40];
	[dreg:$0x1b] =	wrdreg s28  }
0x34e: {  	v15 =	vadd.s32 $0xE, v1;
	[tilespmem:s16+$0x0] =	vst v9  }
0x34f: {  	s18 =	sadd.s32 $0x15440, s22;
	v9 =	vld.idx.msk [tilespmem:v10+s19+$0x0], $0xffff;
	[dreg:$0x17] =	wrdreg s22  }
0x350: {  	v16 =	vadd.s32 $0x13, v0;
	[tilespmem:s18+$0x0] =	vst v11  }
0x351: {  	s20 =	sadd.s32 $0x15840, s23;
	v5 =	vmul.u32 $0x28, v14;
	v8 =	vadd.s32 $0x18, v2;
	v10 =	vld.idx.msk [tilespmem:v12+s19+$0x0], $0xffff;
	[smem:$0x7CB] =	sst s23  }
0x352: {  	[tilespmem:s20+$0x0] =	vst v13  }
0x353: {  	s22 =	sadd.s32 $0x15840, s30;
	v12 =	vld.idx.msk [tilespmem:v15+s19+$0x0], $0xffff;
	[smem:$0x7CC] =	sst s30  }
0x354: {  	v11 =	vor.u32 $0x5, v4;
	[tilespmem:s22+$0x0] =	vst v7;
	s22 =	sor.u32 $0x200, s0  }
0x355: {  	v7 =	vld.idx.msk [tilespmem:v16+s19+$0x0], $0xffff;
	s23 =	sadd.s32 $0x15040, s22  }
0x356: {  	v13 =	vadd.s32 $0xA, v3;
	v8 =	vld.idx.msk [tilespmem:v8+s19+$0x0], $0xffff;
	[tilespmem:s23+$0x0] =	vst v9  }
0x357: {  	s24 =	sadd.s32 $0x15440, s4;
	v9 =	vld.idx.msk [tilespmem:v5+s19+$0x0], $0xffff;
	[smem:$0x7CD] =	sst s4  }
0x358: {  	v14 =	vadd.s32 $0xF, v1;
	[tilespmem:s24+$0x0] =	vst v10  }
0x359: {  	s1 =	sadd.s32 $0x15440, s11;
	v15 =	vadd.s32 $0x14, v0;
	v10 =	vld.idx.msk [tilespmem:v11+s19+$0x0], $0xffff;
	[dreg:$0x9] =	wrdreg s11  }
0x35a: {  	v16 =	vadd.s32 $0x19, v2;
	[tilespmem:s1+$0x0] =	vst v12  }
0x35b: {  	s4 =	sadd.s32 $0x15840, s26;
	v12 =	vld.idx.msk [tilespmem:v13+s19+$0x0], $0xffff;
	[smem:$0x7CE] =	sst s26  }
0x35c: {  	s7 =	sadd.s32 $0x15C40, s8;
	v11 =	vor.u32 $0x1, v5;
	[tilespmem:s4+$0x0] =	vst v7  }
0x35d: {  	s8 =	sadd.s32 $0x15040, s3;
	v7 =	vld.idx.msk [tilespmem:v14+s19+$0x0], $0xffff;
	[tilespmem:s7+$0x0] =	vst v8  }
0x35e: {  	v13 =	vor.u32 $0x6, v4;
	s26 =	smov.u32 s9;
	s9 =	sor.u32 $0x280, s0;
	[tilespmem:s8+$0x0] =	vst v9;
	v8 =	vld.idx.msk [tilespmem:v15+s19+$0x0], $0xffff  }
0x35f: {  	s11 =	sadd.s32 $0x15040, s9;
	v9 =	vld.idx.msk [tilespmem:v16+s19+$0x0], $0xffff;
	[smem:$0x7CF] =	sst s9  }
0x360: {  	[tilespmem:s11+$0x0] =	vst v10  }
0x361: {  	s15 =	sadd.s32 $0x15440, s6;
	v10 =	vld.idx.msk [tilespmem:v11+s19+$0x0], $0xffff;
	[smem:$0x7D0] =	sst s6  }
0x362: {  	[tilespmem:s15+$0x0] =	vst v12  }
0x363: {  	s16 =	sadd.s32 $0x15440, s12;
	v12 =	vld.idx.msk [tilespmem:v13+s19+$0x0], $0xffff;
	[dreg:$0xb] =	wrdreg s12  }
0x364: {  	s18 =	sadd.s32 $0x15840, s17;
	v14 =	vadd.s32 $0xB, v3;
	[tilespmem:s16+$0x0] =	vst v7  }
0x365: {  	v15 =	vadd.s32 $0x10, v1;
	[tilespmem:s18+$0x0] =	vst v8  }
0x366: {  	v16 =	vadd.s32 $0x15, v0;
	s20 =	sld [smem:$0x7D1];
	_ =	sdelay $0x1  }
0x367: {  	v11 =	vadd.s32 $0x1A, v2  }
0x368: {  	v13 =	vor.u32 $0x2, v5;
	v7 =	vld.idx.msk [tilespmem:v14+s19+$0x0], $0xffff;
	s23 =	sadd.s32 $0x15C40, s20  }
0x369: {  	s24 =	sor.u32 $0x80, s3;
	v14 =	vor.u32 $0x7, v4;
	v8 =	vld.idx.msk [tilespmem:v15+s19+$0x0], $0xffff;
	[tilespmem:s23+$0x0] =	vst v9  }
0x36a: {  	s1 =	sadd.s32 $0x15040, s24;
	s6 =	sor.u32 $0x300, s0;
	v9 =	vld.idx.msk [tilespmem:v16+s19+$0x0], $0xffff;
	[smem:$0x7D2] =	sst s24  }
0x36b: {  	s4 =	sadd.s32 $0x15040, s6;
	v15 =	vadd.s32 $0xC, v3;
	[tilespmem:s1+$0x0] =	vst v10  }
0x36c: {  	s8 =	sadd.s32 $0x15440, s31;
	v10 =	vld.idx.msk [tilespmem:v11+s19+$0x0], $0xffff;
	[tilespmem:s4+$0x0] =	vst v12  }
0x36d: {  	s15 =	simm.s32 $0x0;
	v12 =	vld.idx.msk [tilespmem:v13+s19+$0x0], $0xffff;
	s5 =	sld [smem:$0x7D3];
	[tilespmem:s8+$0x0] =	vst v7  }
0x36e: {  	s18 =	sadd.s32 $0x15840, s21;
	v7 =	vld.idx.msk [tilespmem:v14+s19+$0x0], $0xffff;
	[smem:$0x7D4] =	sst s15  }
0x36f: {  	s20 =	simm.s32 $0x0;
	v16 =	vadd.s32 $0x11, v1;
	[tilespmem:s18+$0x0] =	vst v8  }
0x370: {  	s23 =	simm.s32 $0x0;
	v11 =	vadd.s32 $0x16, v0;
	v17 =	vld.idx.msk [tilespmem:v15+s19+$0x0], $0xffff;
	[smem:$0x7D5] =	sst s20  }
0x371: {  	s28 =	simm.s32 $0x15440;
	s30 =	simm.s32 $0x15840;
	v13 =	vadd.s32 $0x1B, v2;
	[smem:$0x7D6] =	sst s23  }
0x372: {  	s11 =	simm.s32 $0x40;
	s7 =	sadd.s32 $0x15C40, s5;
	s24 =	rddreg [dreg:$0x7]  }
0x373: {  	s16 =	smov.u32 s0;
	s18 =	sor.u32 $0x100, s3;
	s0 =	sadd.s32 $0x15840, s24;
	[tilespmem:s7+$0x0] =	vst v10  }
0x374: {  	v14 =	vor.u32 $0x3, v5;
	s2 =	sadd.s32 $0x15040, s18;
	[tilespmem:s0+$0x0] =	vst v9;
	v9 =	vld.idx.msk [tilespmem:v16+s19+$0x0], $0xffff;
	s19 =	smov.u32 s3;
	s3 =	simm.s32 $0x0  }
0x375: {  	v63 =	vadd.s32 $0x8, v4;
	s9 =	smov.u32 s31;
	s12 =	sor.u32 $0x380, s11;
	s4 =	simm.s32 $0x0;
	[tilespmem:s2+$0x0] =	vst v12;
	v10 =	vld.idx.msk [tilespmem:v11+s3+$0x0], $0xffff  }
0x376: {  	s31 =	simm.s32 $0x15040;
	s5 =	sadd.s32 $0x15040, s12;
	v8 =	vld.idx.msk [tilespmem:v13+s3+$0x0], $0xffff;
	[smem:$0x7D7] =	sst s4  }
0x377: {  	s11 =	simm.s32 $0x7;
	s8 =	smov.u32 s10;
	s7 =	sadd.s32 $0x15440, s10;
	[tilespmem:s5+$0x0] =	vst v7  }
0x378: {  	s15 =	smov.u32 s12;
	s20 =	simm.s32 $0x0;
	s12 =	simm.s32 $0x0;
	[tilespmem:s7+$0x0] =	vst v17  }
0x379: {  	s23 =	simm.s32 $0x15C40;
	s10 =	simm.s32 $0x60;
	v12 =	vadd.s32 $0x12, v1;
	v15 =	vld.idx.msk [tilespmem:v14+s3+$0x0], $0xffff;
	s0 =	rddreg [dreg:$0x16]  }
0x37a: {  	s24 =	simm.s32 $0x15840;
	v13 =	vadd.s32 $0xD, v3;
	v11 =	vadd.s32 $0x17, v0;
	v7 =	vadd.s32 $0x1C, v2;
	v14 =	vld.idx.msk [tilespmem:v63+s3+$0x0], $0xffff;
	[smem:$0x7D8] =	sst s10;
	s7 =	sadd.s32 $0x15840, s0  }
.LBB2_7:
0x37b: {  	[smem:$0x7AA] =	sst s6  }
0x37c: {  	s1 =	sld [smem:$0x7C2]  }
0x37d: {  	s5 =	sld [smem:$0x7CE]  }
0x37e: {  	s4 =	sld [smem:$0x7C6]  }
0x37f: {  	v13 =	vld.idx.msk [tilespmem:v13+s3+$0x0], $0xffff;
	[tilespmem:s7+$0x0] =	vst v9;
	s0 =	smov.u32 s21;
	s7 =	smov.u32 s9;
	s9 =	sld [smem:$0x7CA]  }
0x380: {  	[smem:$0x7AE] =	sst s0  }
0x381: {  	[smem:$0x7C6] =	sst s7  }
0x382: {  	s0 =	rddreg [dreg:$0x1b]  }
0x383: {  	s7 =	smov.u32 s0;
	s0 =	sld [smem:$0x7CB];
	s6 =	smov.u32 s5  }
0x384: {  	s21 =	smov.u32 s4;
	[smem:$0x7C2] =	sst s6  }
0x385: {  	v16 =	vor.u32 $0x4, v5;
	s2 =	sadd.s32 s25, s30;
	s5 =	smov.u32 s16;
	[smem:$0x7CE] =	sst s21  }
0x386: {  	v12 =	vld.idx.msk [tilespmem:v12+s3+$0x0], $0xffff;
	[tilespmem:s2+$0x0] =	vst v10;
	s10 =	sadd.s32 s1, s23;
	[dreg:$0x1b] =	wrdreg s5  }
0x387: {  	v9 =	vadd.s32 $0x9, v4;
	v11 =	vld.idx.msk [tilespmem:v11+s3+$0x0], $0xffff;
	s1 =	smov.u32 s9;
	[tilespmem:s10+$0x0] =	vst v8;
	s10 =	sor.u32 $0x180, s19;
	s5 =	sld [smem:$0x7C3]  }
0x388: {  	[smem:$0x7CA] =	sst s10;
	s2 =	sadd.s32 s10, s31;
	s10 =	sadd.s32 $0x15440, s20  }
0x389: {  	s6 =	sadd.s32 s13, s30;
	v7 =	vld.idx.msk [tilespmem:v7+s3+$0x0], $0xffff;
	[tilespmem:s2+$0x0] =	vst v15;
	s4 =	sadd.s32 s16, s10;
	s16 =	smov.u32 s14  }
0x38a: {  	s14 =	smov.u32 s19;
	v16 =	vld.idx.msk [tilespmem:v16+s3+$0x0], $0xffff;
	[tilespmem:s4+$0x0] =	vst v14;
	s4 =	smov.u32 s0;
	s0 =	sld [smem:$0x7D0]  }
0x38b: {  	s19 =	simm.s32 $0x0;
	s9 =	sadd.s32 s5, s28;
	[smem:$0x7AB] =	sst s4  }
0x38c: {  	s30 =	smov.u32 s24;
	s3 =	smov.u32 s26;
	v9 =	vld.idx.msk [tilespmem:v9+s19+$0x0], $0xffff;
	[tilespmem:s9+$0x0] =	vst v13;
	s9 =	rddreg [dreg:$0x12]  }
0x38d: {  	s2 =	sadd.s32 s9, s24;
	s26 =	smov.u32 s9;
	s24 =	sld [smem:$0x7C8]  }
0x38e: {  	[smem:$0x7CB] =	sst s26  }
0x38f: {  	s4 =	smov.u32 s0;
	s26 =	rddreg [dreg:$0x1d]  }
0x390: {  	s0 =	smov.u32 s17;
	[dreg:$0x12] =	wrdreg s4  }
0x391: {  	[dreg:$0x1d] =	wrdreg s0  }
0x392: {  	s4 =	rddreg [dreg:$0xd];
	s0 =	smov.u32 s22  }
0x393: {  	s22 =	sld [smem:$0x7CC];
	s9 =	smov.u32 s24;
	s24 =	smov.u32 s8  }
0x394: {  	s8 =	smov.u32 s18;
	s18 =	smov.u32 s13;
	s13 =	sld [smem:$0x7C9]  }
0x395: {  	[dreg:$0xd] =	wrdreg s24  }
0x396: {  	[smem:$0x7C8] =	sst s8  }
0x397: {  	v10 =	vadd.s32 $0xE, v3;
	s8 =	sld [smem:$0x7C4]  }
0x398: {  	v8 =	vadd.s32 $0x13, v1;
	[smem:$0x7CC] =	sst s18  }
0x399: {  	v15 =	vadd.s32 $0x18, v0;
	s18 =	sld [smem:$0x7C5]  }
0x39a: {  	v6 =	vmul.u32 $0x28, v6;
	v14 =	vadd.s32 $0x1D, v2;
	[smem:$0x7D0] =	sst s9  }
0x39b: {  	s24 =	smov.u32 s22;
	s22 =	rddreg [dreg:$0xb]  }
0x39c: {  	s12 =	sshll.u32 s12, $0xE;
	v13 =	vor.u32 $0x5, v5;
	v10 =	vld.idx.msk [tilespmem:v10+s19+$0x0], $0xffff;
	[tilespmem:s2+$0x0] =	vst v12;
	[smem:$0x7AC] =	sst s24;
	s24 =	smov.u32 s22  }
0x39d: {  	v12 =	vadd.s32 $0xA, v4;
	v8 =	vld.idx.msk [tilespmem:v8+s19+$0x0], $0xffff;
	[tilespmem:s6+$0x0] =	vst v11;
	s2 =	sadd.s32 s26, s23;
	s17 =	smov.u32 s4;
	[smem:$0x7AD] =	sst s24  }
0x39e: {  	v11 =	vadd.s32 $0xF, v3;
	v15 =	vld.idx.msk [tilespmem:v15+s19+$0x0], $0xffff;
	[tilespmem:s2+$0x0] =	vst v7;
	s4 =	sor.u32 $0x200, s14;
	s24 =	smov.u32 s15;
	s15 =	sld [smem:$0x7D4]  }
0x39f: {  	s12 =	sshra.s32 s12, $0x2;
	s26 =	sadd.s32 s4, s31;
	v14 =	vld.idx.msk [tilespmem:v14+s19+$0x0], $0xffff;
	[smem:$0x7C9] =	sst s24  }
0x3a0: {  	v7 =	vadd.s32 $0x14, v1;
	v17 =	vld.idx.msk [tilespmem:v6+s19+$0x0], $0xffff;
	[tilespmem:s26+$0x0] =	vst v16;
	s22 =	smov.u32 s13;
	s26 =	sadd.s32 s8, s10;
	s24 =	sld [smem:$0x7D5]  }
0x3a1: {  	v16 =	vadd.s32 $0x19, v0;
	v13 =	vld.idx.msk [tilespmem:v13+s19+$0x0], $0xffff;
	[dreg:$0xb] =	wrdreg s22;
	[tilespmem:s26+$0x0] =	vst v9;
	s26 =	sadd.s32 s18, s28;
	s13 =	sadd.s32 $0x15C40, s15  }
0x3a2: {  	v12 =	vld.idx.msk [tilespmem:v12+s19+$0x0], $0xffff;
	[tilespmem:s26+$0x0] =	vst v10;
	s26 =	sadd.s32 s21, s30;
	s21 =	sadd.s32 s16, s13;
	s16 =	rddreg [dreg:$0x19]  }
0x3a3: {  	v11 =	vld.idx.msk [tilespmem:v11+s19+$0x0], $0xffff;
	[tilespmem:s26+$0x0] =	vst v8;
	s15 =	smov.u32 s20;
	s26 =	smov.u32 s24;
	s24 =	sld [smem:$0x7D6]  }
0x3a4: {  	s2 =	sadd.s32 $0x15040, s12;
	v9 =	vadd.s32 $0x1E, v2;
	[smem:$0x7D6] =	sst s15  }
0x3a5: {  	v18 =	vor.u32 $0x1, v6;
	v7 =	vld.idx.msk [tilespmem:v7+s19+$0x0], $0xffff;
	[smem:$0x7D4] =	sst s26;
	[tilespmem:s21+$0x0] =	vst v15;
	s21 =	sadd.s32 s16, s23;
	s16 =	sadd.s32 s3, s2  }
0x3a6: {  	v16 =	vld.idx.msk [tilespmem:v16+s19+$0x0], $0xffff;
	[tilespmem:s21+$0x0] =	vst v14;
	s21 =	smov.u32 s12;
	s12 =	sadd.s32 s9, s10;
	s9 =	sld [smem:$0x7CD]  }
0x3a7: {  	[tilespmem:s16+$0x0] =	vst v17;
	s16 =	sld [smem:$0x7D7]  }
0x3a8: {  	s26 =	smov.u32 s24;
	s24 =	sor.u32 $0x280, s14;
	[smem:$0x7D7] =	sst s21  }
0x3a9: {  	s15 =	sadd.s32 s24, s31;
	v9 =	vld.idx.msk [tilespmem:v9+s19+$0x0], $0xffff;
	[smem:$0x7D5] =	sst s26  }
0x3aa: {  	v17 =	vld.idx.msk [tilespmem:v18+s19+$0x0], $0xffff;
	[tilespmem:s15+$0x0] =	vst v13;
	s15 =	rddreg [dreg:$0x17]  }
0x3ab: {  	s20 =	smov.u32 s16;
	s16 =	rddreg [dreg:$0x7];
	s6 =	smov.u32 s15  }
0x3ac: {  	v10 =	vor.u32 $0x6, v5;
	s15 =	smov.u32 s24;
	s24 =	rddreg [dreg:$0x16];
	s21 =	smov.u32 s16  }
0x3ad: {  	v8 =	vadd.s32 $0xB, v4;
	s16 =	sadd.s32 s22, s28;
	s28 =	smov.u32 s10;
	s10 =	rddreg [dreg:$0x1f]  }
0x3ae: {  	[dreg:$0x7] =	wrdreg s6  }
0x3af: {  	v15 =	vadd.s32 $0x10, v3;
	[dreg:$0x19] =	wrdreg s21  }
0x3b0: {  	v14 =	vadd.s32 $0x15, v1;
	s21 =	smov.u32 s5;
	s5 =	sld [smem:$0x7CF]  }
0x3b1: {  	v10 =	vld.idx.msk [tilespmem:v10+s19+$0x0], $0xffff;
	[tilespmem:s12+$0x0] =	vst v12;
	[smem:$0x7CF] =	sst s15  }
0x3b2: {  	v8 =	vld.idx.msk [tilespmem:v8+s19+$0x0], $0xffff;
	[tilespmem:s16+$0x0] =	vst v11;
	s16 =	rddreg [dreg:$0x13]  }
0x3b3: {  	s22 =	sadd.s32 s17, s30;
	[dreg:$0x17] =	wrdreg s21  }
0x3b4: {  	v11 =	vld.idx.msk [tilespmem:v15+s19+$0x0], $0xffff;
	[tilespmem:s22+$0x0] =	vst v7;
	s21 =	sadd.s32 s16, s13;
	s22 =	smov.u32 s9;
	s9 =	sld [smem:$0x7D2]  }
0x3b5: {  	v13 =	vadd.s32 $0x1A, v0;
	v14 =	vld.idx.msk [tilespmem:v14+s19+$0x0], $0xffff;
	[tilespmem:s21+$0x0] =	vst v16;
	s21 =	smov.u32 s8;
	s8 =	sld [smem:$0x7AA]  }
0x3b6: {  	[dreg:$0x16] =	wrdreg s22  }
0x3b7: {  	s12 =	smov.u32 s5;
	[smem:$0x7CD] =	sst s21  }
0x3b8: {  	s15 =	sadd.s32 s10, s23;
	s5 =	smov.u32 s24;
	[smem:$0x7C3] =	sst s12  }
0x3b9: {  	v12 =	vadd.s32 $0x1F, v2;
	v2 =	vmov v0;
	[dreg:$0x13] =	wrdreg s5;
	s12 =	sor.u32 $0x80, s3;
	s10 =	smov.u32 s9  }
0x3ba: {  	p0 =	sne.s32 s11, $0x27;
	v0 =	vmovc v1;
	v1 =	vmovc v3;
	v3 =	vmov v4;
	v4 =	vmov v5;
	v5 =	vmov v6;
	v13 =	vld.idx.msk [tilespmem:v13+s19+$0x0], $0xffff;
	[tilespmem:s15+$0x0] =	vst v9;
	[smem:$0x7C4] =	sst s10;
	s15 =	smov.u32 s12  }
0x3bb: {  	v6 =	vor.u32 $0x2, v5;
	s21 =	sor.u32 $0x300, s14;
	s9 =	smov.u32 s1;
	[smem:$0x7D2] =	sst s15  }
0x3bc: {  	v7 =	vor.u32 $0x7, v4;
	s5 =	smov.u32 s18;
	s24 =	sadd.s32 s12, s2;
	s15 =	rddreg [dreg:$0x5]  }
0x3bd: {  	v15 =	vadd.s32 $0xC, v3;
	[tilespmem:s24+$0x0] =	vst v17;
	s24 =	smov.u32 s25;
	s25 =	sadd.s32 s1, s28;
	s1 =	rddreg [dreg:$0x9]  }
0x3be: {  	s16 =	smov.u32 s14;
	s14 =	sadd.s32 s21, s31;
	[dreg:$0x9] =	wrdreg s5  }
0x3bf: {  	s18 =	smov.u32 s8;
	v12 =	vld.idx.msk [tilespmem:v12+s19+$0x0], $0xffff;
	[dreg:$0x1f] =	wrdreg s24;
	[tilespmem:s14+$0x0] =	vst v10;
	s24 =	sadd.s32 $0x15840, s26  }
0x3c0: {  	v9 =	vadd.s32 $0x11, v1;
	s12 =	sshrl.u32 s11, $0x3;
	[smem:$0x7C5] =	sst s18;
	v16 =	vld.idx.msk [tilespmem:v6+s19+$0x0], $0xffff;
	[tilespmem:s25+$0x0] =	vst v8;
	s26 =	sadd.s32 s7, s24  }
0x3c1: {  	v10 =	vadd.s32 $0x16, v0;
	s14 =	smov.u32 s7;
	s7 =	sadd.s32 s6, s30;
	v7 =	vld.idx.msk [tilespmem:v7+s19+$0x0], $0xffff;
	[tilespmem:s26+$0x0] =	vst v11;
	s26 =	sld [smem:$0x7AB]  }
0x3c2: {  	s29 =	sadd.s32 $0x10, s29;
	s15 =	sadd.s32 s15, s12;
	v6 =	vadd.s32 $0x1B, v2;
	v63 =	vld.idx.msk [tilespmem:v15+s19+$0x0], $0xffff;
	[tilespmem:s7+$0x0] =	vst v14;
	s7 =	sld [smem:$0x7AC]  }
0x3c3: {  	s18 =	sor.u32 $0x100, s3;
	s25 =	smov.u32 s1;
	s5 =	sshll.u32 s15, $0x7  }
0x3c4: {  	s15 =	sand.u32 $0x1FFFFF80, s5;
	s5 =	sld [smem:$0x7C7];
	s1 =	sadd.s32 s26, s13  }
0x3c5: {  	v17 =	vor.u32 $0x3, v5;
	v9 =	vld.idx.msk [tilespmem:v9+s19+$0x0], $0xffff;
	s19 =	smov.u32 s3;
	s3 =	simm.s32 $0x0;
	[tilespmem:s1+$0x0] =	vst v13;
	s8 =	sadd.s32 s7, s23  }
0x3c6: {  	s11 =	sadd.s32 $0x1, s11;
	s6 =	smov.u32 s21;
	s26 =	sand.u32 $0x70, s29;
	v10 =	vld.idx.msk [tilespmem:v10+s3+$0x0], $0xffff;
	[tilespmem:s8+$0x0] =	vst v12  }
0x3c7: {  	s21 =	sor.u32 s26, s15;
	s23 =	sadd.s32 s18, s2;
	s1 =	sor.u32 $0x380, s5;
	v8 =	vld.idx.msk [tilespmem:v6+s3+$0x0], $0xffff  }
0x3c8: {  	v14 =	vadd.s32 $0x8, v4;
	s10 =	sadd.s32 s1, s31;
	s8 =	smov.u32 s0;
	v6 =	vld [tilespmem:s21+$0x9C40];
	s21 =	smov.u32 s14  }
.Ltmp2:
0x3c9: {  	[tilespmem:s23+$0x0] =	vst v16;
	s14 =	sadd.s32 s0, s28;
	s0 =	sld [smem:$0x7D8];
	(pc) =	sbr.rel @p0 .LBB2_7-.Ltmp2, $4  }
0x3ca: {  	s7 =	smov.u32 s29;
	s15 =	smov.u32 s1;
	v15 =	vld.idx.msk [tilespmem:v17+s3+$0x0], $0xffff;
	[tilespmem:s10+$0x0] =	vst v7;
	s10 =	sld [smem:$0x7AE]  }
0x3cb: {  	s31 =	smov.u32 s2;
	s23 =	smov.u32 s13;
	s13 =	sld [smem:$0x7AD]  }
0x3cc: {  	v11 =	vadd.s32 $0x17, v0;
	[smem:$0x7D8] =	sst s7;
	s7 =	sadd.s32 s22, s24;
	s5 =	smov.u32 s0  }
0x3cd: {  	v13 =	vadd.s32 $0xD, v3;
	v12 =	vadd.s32 $0x12, v1;
	s22 =	smov.u32 s4;
	v7 =	vadd.s32 $0x1C, v2;
	v14 =	vld.idx.msk [tilespmem:v14+s3+$0x0], $0xffff;
	[tilespmem:s14+$0x0] =	vst v63;
	[smem:$0x7C7] =	sst s5;
	s14 =	smov.u32 s10  }
0x3ce: {  	v6 =	vmul.u32 $0x28, v6;
	_ =	sdelay $0x5  }
0x3cf: {  	v16 =	vld.idx.msk [tilespmem:v6+s3+$0x0], $0xffff  }
0x3d0: {  	s2 =	sshll.u32 s12, $0xE;
	v17 =	vor.u32 $0x1, v6  }
0x3d1: {  	s0 =	sshra.s32 s2, $0x2  }
0x3d2: {  	s2 =	sadd.s32 $0x15040, s0;
	[smem:$0x79D] =	sst s0  }
0x3d3: {  	s10 =	sadd.s32 s26, s2;
	[smem:$0x794] =	sst s23  }
0x3d4: {  	[tilespmem:s10+$0x0] =	vst v16  }
0x3d5: {  	v16 =	vld.idx.msk [tilespmem:v17+s3+$0x0], $0xffff  }
0x3d6: {  	v24 =	vor.u32 $0x2, v6;
	_ =	sdelay $0x1  }
0x3d7: {  	s11 =	sor.u32 $0x80, s26  }
0x3d8: {  	s1 =	sadd.s32 s11, s2;
	[smem:$0x79E] =	sst s11  }
0x3d9: {  	[tilespmem:s1+$0x0] =	vst v16  }
0x3da: {  	v16 =	vld.idx.msk [tilespmem:v24+s3+$0x0], $0xffff  }
0x3db: {  	v25 =	vor.u32 $0x3, v6;
	_ =	sdelay $0x1  }
0x3dc: {  	s4 =	sor.u32 $0x100, s26  }
0x3dd: {  	s5 =	sadd.s32 s4, s2;
	[smem:$0x79F] =	sst s4  }
0x3de: {  	v26 =	vor.u32 $0x4, v5;
	[tilespmem:s5+$0x0] =	vst v16  }
0x3df: {  	s12 =	sor.u32 $0x180, s19;
	v17 =	vld.idx.msk [tilespmem:v25+s3+$0x0], $0xffff  }
0x3e0: {  	v18 =	vor.u32 $0x4, v6;
	s23 =	sadd.s32 s12, s31;
	[smem:$0x7A1] =	sst s12  }
0x3e1: {  	s12 =	sor.u32 $0x180, s26;
	[tilespmem:s23+$0x0] =	vst v15  }
0x3e2: {  	[smem:$0x7A2] =	sst s12  }
0x3e3: {  	s0 =	sadd.s32 s12, s2;
	v15 =	vld.idx.msk [tilespmem:v26+s3+$0x0], $0xffff  }
0x3e4: {  	v27 =	vor.u32 $0x5, v5;
	[tilespmem:s0+$0x0] =	vst v17  }
0x3e5: {  	s4 =	sor.u32 $0x200, s19;
	v17 =	vld.idx.msk [tilespmem:v18+s3+$0x0], $0xffff  }
0x3e6: {  	v28 =	vor.u32 $0x5, v6;
	s23 =	sor.u32 $0x200, s26;
	[smem:$0x7A5] =	sst s4  }
0x3e7: {  	s5 =	sadd.s32 s4, s31;
	[smem:$0x7A6] =	sst s23  }
0x3e8: {  	[tilespmem:s5+$0x0] =	vst v15  }
0x3e9: {  	s4 =	sadd.s32 s23, s2;
	v15 =	vld.idx.msk [tilespmem:v27+s3+$0x0], $0xffff  }
0x3ea: {  	v29 =	vor.u32 $0x6, v5;
	[tilespmem:s4+$0x0] =	vst v17  }
0x3eb: {  	v17 =	vld.idx.msk [tilespmem:v28+s3+$0x0], $0xffff  }
0x3ec: {  	v30 =	vor.u32 $0x6, v6;
	s1 =	smov.u32 s19;
	s19 =	sor.u32 $0x280, s19  }
0x3ed: {  	s5 =	sadd.s32 s19, s31;
	[smem:$0x7A7] =	sst s19  }
0x3ee: {  	s29 =	sor.u32 $0x280, s26;
	[tilespmem:s5+$0x0] =	vst v15  }
0x3ef: {  	s23 =	sadd.s32 s29, s2;
	v15 =	vld.idx.msk [tilespmem:v29+s3+$0x0], $0xffff  }
0x3f0: {  	[tilespmem:s23+$0x0] =	vst v17  }
0x3f1: {  	v17 =	vld.idx.msk [tilespmem:v30+s3+$0x0], $0xffff  }
0x3f2: {  	v31 =	vor.u32 $0x7, v5;
	s23 =	sor.u32 $0x300, s1;
	[smem:$0x79C] =	sst s1  }
0x3f3: {  	s0 =	sadd.s32 s23, s31;
	[smem:$0x795] =	sst s23  }
0x3f4: {  	v32 =	vor.u32 $0x7, v6;
	s4 =	sor.u32 $0x300, s26;
	[tilespmem:s0+$0x0] =	vst v15  }
0x3f5: {  	s5 =	sadd.s32 s4, s2;
	[smem:$0x796] =	sst s4  }
0x3f6: {  	[tilespmem:s5+$0x0] =	vst v17  }
0x3f7: {  	v15 =	vld.idx.msk [tilespmem:v31+s3+$0x0], $0xffff;
	s10 =	sld [smem:$0x7C7];
	_ =	sdelay $0x1  }
0x3f8: {  	v33 =	vadd.s32 $0x8, v5;
	v17 =	vld.idx.msk [tilespmem:v32+s3+$0x0], $0xffff;
	s4 =	sld [smem:$0x7D8]  }
0x3f9: {  	v34 =	vadd.s32 $0x8, v6;
	s0 =	sor.u32 $0x380, s10  }
0x3fa: {  	s5 =	sadd.s32 s0, s31;
	[smem:$0x798] =	sst s0  }
0x3fb: {  	s4 =	sor.u32 $0x380, s4;
	[tilespmem:s5+$0x0] =	vst v15  }
0x3fc: {  	s31 =	smov.u32 s0;
	s0 =	sadd.s32 s4, s2;
	[smem:$0x799] =	sst s4  }
0x3fd: {  	[tilespmem:s0+$0x0] =	vst v17;
	v16 =	vld.idx.msk [tilespmem:v33+s3+$0x0], $0xffff  }
0x3fe: {  	s5 =	sadd.s32 $0x15440, s20;
	v18 =	vld.idx.msk [tilespmem:v34+s3+$0x0], $0xffff;
	[smem:$0x79B] =	sst s16  }
0x3ff: {  	s10 =	sadd.s32 s16, s5;
	s16 =	sld [smem:$0x7D7]  }
0x400: {  	[smem:$0x79A] =	sst s20  }
0x401: {  	[tilespmem:s10+$0x0] =	vst v14  }
0x402: {  	v35 =	vadd.s32 $0x9, v4;
	s2 =	sadd.s32 $0x15440, s16;
	s16 =	sld [smem:$0x79D];
	_ =	sdelay $0x2  }
0x403: {  	s20 =	sadd.s32 s1, s2;
	s1 =	sadd.s32 $0x15440, s16  }
0x404: {  	v19 =	vadd.s32 $0x9, v6;
	[tilespmem:s20+$0x0] =	vst v16;
	s0 =	sadd.s32 s26, s1  }
0x405: {  	v36 =	vadd.s32 $0x9, v5;
	v14 =	vld.idx.msk [tilespmem:v35+s3+$0x0], $0xffff;
	[tilespmem:s0+$0x0] =	vst v18  }
0x406: {  	s0 =	sld [smem:$0x7C4];
	_ =	sdelay $0x2  }
0x407: {  	v18 =	vld.idx.msk [tilespmem:v19+s3+$0x0], $0xffff;
	s4 =	sadd.s32 s0, s5  }
0x408: {  	v37 =	vadd.s32 $0xA, v4;
	v16 =	vld.idx.msk [tilespmem:v36+s3+$0x0], $0xffff;
	[tilespmem:s4+$0x0] =	vst v14  }
0x409: {  	v38 =	vadd.s32 $0xA, v5;
	s20 =	sld [smem:$0x7D2];
	_ =	sdelay $0x1  }
0x40a: {  	s4 =	sadd.s32 s11, s1  }
0x40b: {  	[tilespmem:s4+$0x0] =	vst v18;
	s0 =	sadd.s32 s20, s2  }
0x40c: {  	v14 =	vld.idx.msk [tilespmem:v37+s3+$0x0], $0xffff;
	[tilespmem:s0+$0x0] =	vst v16  }
0x40d: {  	v39 =	vadd.s32 $0xA, v6;
	v16 =	vld.idx.msk [tilespmem:v38+s3+$0x0], $0xffff;
	s10 =	sld [smem:$0x7C8];
	_ =	sdelay $0x2  }
0x40e: {  	s11 =	sadd.s32 s10, s5  }
0x40f: {  	s20 =	sadd.s32 s18, s2;
	[tilespmem:s11+$0x0] =	vst v14  }
0x410: {  	v40 =	vadd.s32 $0xB, v4;
	v18 =	vld.idx.msk [tilespmem:v39+s3+$0x0], $0xffff;
	[tilespmem:s20+$0x0] =	vst v16  }
0x411: {  	s4 =	sld [smem:$0x79F];
	_ =	sdelay $0x2  }
0x412: {  	v42 =	vadd.s32 $0xB, v6;
	s0 =	sadd.s32 s4, s1  }
0x413: {  	v41 =	vadd.s32 $0xB, v5;
	v14 =	vld.idx.msk [tilespmem:v40+s3+$0x0], $0xffff;
	[tilespmem:s0+$0x0] =	vst v18  }
0x414: {  	v43 =	vadd.s32 $0xC, v4;
	s11 =	sld [smem:$0x7CA];
	_ =	sdelay $0x2  }
0x415: {  	v18 =	vld.idx.msk [tilespmem:v42+s3+$0x0], $0xffff;
	s20 =	sadd.s32 s11, s5  }
0x416: {  	v16 =	vld.idx.msk [tilespmem:v41+s3+$0x0], $0xffff;
	[tilespmem:s20+$0x0] =	vst v14  }
0x417: {  	v44 =	vadd.s32 $0xC, v5;
	s20 =	sld [smem:$0x7A1];
	v14 =	vld.idx.msk [tilespmem:v43+s3+$0x0], $0xffff;
	_ =	sdelay $0x1  }
0x418: {  	s11 =	sadd.s32 s12, s1  }
0x419: {  	[tilespmem:s11+$0x0] =	vst v18;
	s0 =	sadd.s32 s20, s2  }
0x41a: {  	s12 =	sadd.s32 s22, s5;
	[tilespmem:s0+$0x0] =	vst v16  }
0x41b: {  	v45 =	vadd.s32 $0xC, v6;
	v16 =	vld.idx.msk [tilespmem:v44+s3+$0x0], $0xffff;
	[tilespmem:s12+$0x0] =	vst v14  }
0x41c: {  	s12 =	sld [smem:$0x7A5];
	_ =	sdelay $0x2  }
0x41d: {  	s0 =	sadd.s32 s12, s2  }
0x41e: {  	v18 =	vld.idx.msk [tilespmem:v45+s3+$0x0], $0xffff;
	[tilespmem:s0+$0x0] =	vst v16  }
0x41f: {  	s11 =	sld [smem:$0x7A6];
	_ =	sdelay $0x2  }
0x420: {  	s0 =	sadd.s32 s11, s1  }
0x421: {  	v46 =	vadd.s32 $0xD, v4;
	v13 =	vld.idx.msk [tilespmem:v13+s3+$0x0], $0xffff;
	[tilespmem:s0+$0x0] =	vst v18  }
0x422: {  	v47 =	vadd.s32 $0xD, v5;
	s11 =	sld [smem:$0x7C3];
	_ =	sdelay $0x1  }
0x423: {  	v48 =	vadd.s32 $0xD, v6  }
0x424: {  	s0 =	sadd.s32 s11, s28  }
0x425: {  	v15 =	vld.idx.msk [tilespmem:v46+s3+$0x0], $0xffff;
	[tilespmem:s0+$0x0] =	vst v13  }
0x426: {  	v49 =	vadd.s32 $0xE, v3;
	v17 =	vld.idx.msk [tilespmem:v47+s3+$0x0], $0xffff;
	s11 =	sld [smem:$0x7CF]  }
0x427: {  	v50 =	vadd.s32 $0xE, v4  }
0x428: {  	v19 =	vld.idx.msk [tilespmem:v48+s3+$0x0], $0xffff  }
0x429: {  	v51 =	vadd.s32 $0xE, v5;
	s0 =	sadd.s32 s11, s5  }
0x42a: {  	s11 =	sadd.s32 s19, s2;
	[tilespmem:s0+$0x0] =	vst v15  }
0x42b: {  	v13 =	vld.idx.msk [tilespmem:v49+s3+$0x0], $0xffff;
	[tilespmem:s11+$0x0] =	vst v17  }
0x42c: {  	s19 =	sadd.s32 s29, s1;
	v15 =	vld.idx.msk [tilespmem:v50+s3+$0x0], $0xffff;
	[smem:$0x7A8] =	sst s29  }
0x42d: {  	[tilespmem:s19+$0x0] =	vst v19  }
0x42e: {  	v20 =	vadd.s32 $0xE, v6;
	v17 =	vld.idx.msk [tilespmem:v51+s3+$0x0], $0xffff;
	s19 =	sld [smem:$0x7C5];
	_ =	sdelay $0x1  }
0x42f: {  	s11 =	sadd.s32 s6, s5  }
0x430: {  	s0 =	sadd.s32 s19, s28;
	[tilespmem:s11+$0x0] =	vst v15  }
0x431: {  	[tilespmem:s0+$0x0] =	vst v13;
	s0 =	sadd.s32 s23, s2  }
0x432: {  	v52 =	vadd.s32 $0xF, v3;
	v19 =	vld.idx.msk [tilespmem:v20+s3+$0x0], $0xffff;
	[tilespmem:s0+$0x0] =	vst v17  }
0x433: {  	s10 =	sld [smem:$0x796]  }
0x434: {  	v53 =	vadd.s32 $0xF, v4  }
0x435: {  	v54 =	vadd.s32 $0xF, v5  }
0x436: {  	s11 =	sadd.s32 s10, s1  }
0x437: {  	v13 =	vld.idx.msk [tilespmem:v52+s3+$0x0], $0xffff;
	[tilespmem:s11+$0x0] =	vst v19  }
0x438: {  	v55 =	vadd.s32 $0xF, v6;
	s23 =	sld [smem:$0x7C9]  }
0x439: {  	v15 =	vld.idx.msk [tilespmem:v53+s3+$0x0], $0xffff  }
0x43a: {  	v17 =	vld.idx.msk [tilespmem:v54+s3+$0x0], $0xffff  }
0x43b: {  	s0 =	sadd.s32 s23, s28  }
0x43c: {  	[tilespmem:s0+$0x0] =	vst v13  }
0x43d: {  	s5 =	sadd.s32 s15, s5;
	v19 =	vld.idx.msk [tilespmem:v55+s3+$0x0], $0xffff;
	[smem:$0x797] =	sst s15  }
0x43e: {  	s2 =	sadd.s32 s31, s2;
	[tilespmem:s5+$0x0] =	vst v15  }
0x43f: {  	[tilespmem:s2+$0x0] =	vst v17  }
0x440: {  	v56 =	vadd.s32 $0x10, v3;
	s2 =	sld [smem:$0x799];
	_ =	sdelay $0x2  }
0x441: {  	s0 =	sadd.s32 s2, s1  }
0x442: {  	[tilespmem:s0+$0x0] =	vst v19  }
0x443: {  	v57 =	vadd.s32 $0x10, v4;
	v13 =	vld.idx.msk [tilespmem:v56+s3+$0x0], $0xffff;
	s15 =	sld [smem:$0x7D6];
	_ =	sdelay $0x2  }
0x444: {  	v59 =	vadd.s32 $0x10, v6;
	s23 =	rddreg [dreg:$0x1b];
	s28 =	sadd.s32 $0x15840, s15  }
0x445: {  	s5 =	sadd.s32 s23, s28  }
0x446: {  	v58 =	vadd.s32 $0x10, v5;
	v15 =	vld.idx.msk [tilespmem:v57+s3+$0x0], $0xffff;
	s10 =	sld [smem:$0x79A];
	[tilespmem:s5+$0x0] =	vst v13  }
0x447: {  	s0 =	sld [smem:$0x79B];
	_ =	sdelay $0x1  }
0x448: {  	v60 =	vadd.s32 $0x11, v3;
	v19 =	vld.idx.msk [tilespmem:v59+s3+$0x0], $0xffff;
	s31 =	sadd.s32 $0x15840, s10  }
0x449: {  	v61 =	vadd.s32 $0x11, v4;
	s0 =	sadd.s32 s0, s31  }
0x44a: {  	v63 =	vadd.s32 $0x11, v6;
	v17 =	vld.idx.msk [tilespmem:v58+s3+$0x0], $0xffff;
	s11 =	sld [smem:$0x7D7];
	[tilespmem:s0+$0x0] =	vst v15  }
0x44b: {  	v62 =	vadd.s32 $0x11, v5;
	s5 =	sadd.s32 $0x15840, s16;
	s0 =	sld [smem:$0x79C]  }
0x44c: {  	s16 =	sadd.s32 s26, s5  }
0x44d: {  	v13 =	vld.idx.msk [tilespmem:v60+s3+$0x0], $0xffff;
	s11 =	sadd.s32 $0x15840, s11;
	[tilespmem:s16+$0x0] =	vst v19  }
0x44e: {  	v15 =	vld.idx.msk [tilespmem:v61+s3+$0x0], $0xffff;
	[tilespmem:s7+$0x0] =	vst v9;
	s0 =	sadd.s32 s0, s11  }
0x44f: {  	v24 =	vld.idx.msk [tilespmem:v63+s3+$0x0], $0xffff;
	[tilespmem:s0+$0x0] =	vst v17  }
0x450: {  	v17 =	vld.idx.msk [tilespmem:v62+s3+$0x0], $0xffff;
	[smem:$0x7A9] =	sst s25;
	s25 =	sadd.s32 s25, s30  }
0x451: {  	[tilespmem:s25+$0x0] =	vst v10  }
0x452: {  	s16 =	sld [smem:$0x7CD];
	_ =	sdelay $0x2  }
0x453: {  	s1 =	sadd.s32 s16, s28  }
0x454: {  	[tilespmem:s1+$0x0] =	vst v13  }
0x455: {  	s0 =	sld [smem:$0x7C4];
	_ =	sdelay $0x2  }
0x456: {  	s0 =	sadd.s32 s0, s31  }
0x457: {  	[tilespmem:s0+$0x0] =	vst v15  }
0x458: {  	s0 =	sld [smem:$0x7D2];
	_ =	sdelay $0x2  }
0x459: {  	s0 =	sadd.s32 s0, s11  }
0x45a: {  	[tilespmem:s0+$0x0] =	vst v17  }
0x45b: {  	s0 =	sld [smem:$0x79E];
	_ =	sdelay $0x2  }
0x45c: {  	s0 =	sadd.s32 s0, s5  }
0x45d: {  	[tilespmem:s0+$0x0] =	vst v24  }
0x45e: {  	s0 =	sld [smem:$0x7C2]  }
0x45f: {  	s10 =	sld [smem:$0x794];
	_ =	sdelay $0x1  }
0x460: {  	v21 =	vadd.s32 $0x12, v3;
	v12 =	vld.idx.msk [tilespmem:v12+s3+$0x0], $0xffff  }
0x461: {  	s0 =	sadd.s32 s0, s10  }
0x462: {  	v23 =	vadd.s32 $0x12, v5;
	[tilespmem:s0+$0x0] =	vst v8  }
0x463: {  	v25 =	vadd.s32 $0x12, v6;
	s25 =	rddreg [dreg:$0x12]  }
0x464: {  	s2 =	sadd.s32 s25, s24  }
0x465: {  	v22 =	vadd.s32 $0x12, v4;
	v14 =	vld.idx.msk [tilespmem:v21+s3+$0x0], $0xffff;
	[tilespmem:s2+$0x0] =	vst v12  }
0x466: {  	s0 =	sld [smem:$0x7D0]  }
0x467: {  	v9 =	vld.idx.msk [tilespmem:v23+s3+$0x0], $0xffff  }
0x468: {  	v10 =	vld.idx.msk [tilespmem:v25+s3+$0x0], $0xffff  }
0x469: {  	v11 =	vld.idx.msk [tilespmem:v11+s3+$0x0], $0xffff;
	s0 =	sadd.s32 s0, s28  }
0x46a: {  	v26 =	vadd.s32 $0x13, v1;
	v16 =	vld.idx.msk [tilespmem:v22+s3+$0x0], $0xffff;
	[tilespmem:s0+$0x0] =	vst v14  }
0x46b: {  	s7 =	sadd.s32 s18, s11;
	s0 =	sld [smem:$0x7C8]  }
0x46c: {  	v27 =	vadd.s32 $0x13, v3;
	s1 =	sadd.s32 s4, s5;
	[tilespmem:s7+$0x0] =	vst v9  }
0x46d: {  	s2 =	sadd.s32 s13, s30;
	[tilespmem:s1+$0x0] =	vst v10  }
0x46e: {  	v29 =	vadd.s32 $0x13, v5;
	[tilespmem:s2+$0x0] =	vst v11;
	s0 =	sadd.s32 s0, s31  }
0x46f: {  	v30 =	vadd.s32 $0x13, v6;
	v13 =	vld.idx.msk [tilespmem:v26+s3+$0x0], $0xffff;
	[tilespmem:s0+$0x0] =	vst v16  }
0x470: {  	v28 =	vadd.s32 $0x13, v4;
	s30 =	sld [smem:$0x7C6]  }
0x471: {  	v15 =	vld.idx.msk [tilespmem:v27+s3+$0x0], $0xffff  }
0x472: {  	v7 =	vld.idx.msk [tilespmem:v7+s3+$0x0], $0xffff  }
0x473: {  	v8 =	vld.idx.msk [tilespmem:v29+s3+$0x0], $0xffff;
	s4 =	sadd.s32 s30, s24  }
0x474: {  	v12 =	vld.idx.msk [tilespmem:v30+s3+$0x0], $0xffff;
	[tilespmem:s4+$0x0] =	vst v13  }
0x475: {  	s7 =	sadd.s32 s9, s28;
	v16 =	vld.idx.msk [tilespmem:v28+s3+$0x0], $0xffff;
	[smem:$0x7A0] =	sst s9  }
0x476: {  	[tilespmem:s7+$0x0] =	vst v15  }
0x477: {  	s0 =	sld [smem:$0x7CA];
	_ =	sdelay $0x1  }
0x478: {  	s9 =	sadd.s32 s20, s11  }
0x479: {  	[tilespmem:s9+$0x0] =	vst v8;
	s0 =	sadd.s32 s0, s31  }
0x47a: {  	[tilespmem:s0+$0x0] =	vst v16  }
0x47b: {  	v31 =	vadd.s32 $0x14, v1;
	s0 =	sld [smem:$0x7A2];
	_ =	sdelay $0x1  }
0x47c: {  	v32 =	vadd.s32 $0x14, v3  }
0x47d: {  	v33 =	vadd.s32 $0x14, v4;
	s0 =	sadd.s32 s0, s5  }
0x47e: {  	v34 =	vadd.s32 $0x14, v5;
	[tilespmem:s0+$0x0] =	vst v12  }
0x47f: {  	v36 =	vadd.s32 $0x18, v0;
	v14 =	vld.idx.msk [tilespmem:v31+s3+$0x0], $0xffff;
	s0 =	rddreg [dreg:$0x1d]  }
0x480: {  	v35 =	vadd.s32 $0x14, v6;
	s0 =	sadd.s32 s0, s10  }
0x481: {  	v9 =	vld.idx.msk [tilespmem:v32+s3+$0x0], $0xffff;
	[tilespmem:s0+$0x0] =	vst v7  }
0x482: {  	v10 =	vld.idx.msk [tilespmem:v33+s3+$0x0], $0xffff;
	s0 =	rddreg [dreg:$0xd]  }
0x483: {  	v11 =	vld.idx.msk [tilespmem:v34+s3+$0x0], $0xffff;
	s0 =	sadd.s32 s0, s24  }
0x484: {  	v41 =	vld.idx.msk [tilespmem:v36+s3+$0x0], $0xffff;
	[tilespmem:s0+$0x0] =	vst v14  }
0x485: {  	s13 =	sadd.s32 s8, s28;
	v13 =	vld.idx.msk [tilespmem:v35+s3+$0x0], $0xffff;
	[smem:$0x7A3] =	sst s8  }
0x486: {  	s20 =	sadd.s32 s22, s31;
	[tilespmem:s13+$0x0] =	vst v9  }
0x487: {  	v37 =	vadd.s32 $0x15, v1;
	s1 =	sadd.s32 s12, s11;
	[tilespmem:s20+$0x0] =	vst v10  }
0x488: {  	v38 =	vadd.s32 $0x15, v3;
	[tilespmem:s1+$0x0] =	vst v11  }
0x489: {  	v39 =	vadd.s32 $0x15, v4;
	s0 =	sld [smem:$0x7D4]  }
0x48a: {  	v40 =	vadd.s32 $0x15, v5;
	s2 =	sld [smem:$0x7A6]  }
0x48b: {  	v42 =	vadd.s32 $0x15, v6  }
0x48c: {  	v16 =	vld.idx.msk [tilespmem:v37+s3+$0x0], $0xffff  }
0x48d: {  	v8 =	vld.idx.msk [tilespmem:v38+s3+$0x0], $0xffff;
	s0 =	sadd.s32 $0x15C40, s0;
	s4 =	sadd.s32 s2, s5  }
0x48e: {  	v12 =	vld.idx.msk [tilespmem:v39+s3+$0x0], $0xffff;
	[tilespmem:s4+$0x0] =	vst v13;
	s7 =	sadd.s32 s14, s0  }
0x48f: {  	v7 =	vld.idx.msk [tilespmem:v40+s3+$0x0], $0xffff;
	[tilespmem:s7+$0x0] =	vst v41  }
0x490: {  	v15 =	vld.idx.msk [tilespmem:v42+s3+$0x0], $0xffff;
	[smem:$0x7A4] =	sst s22  }
0x491: {  	s22 =	rddreg [dreg:$0x17]  }
0x492: {  	s8 =	sadd.s32 s22, s24  }
0x493: {  	[tilespmem:s8+$0x0] =	vst v16  }
0x494: {  	s9 =	sld [smem:$0x7C3];
	_ =	sdelay $0x2  }
0x495: {  	s12 =	sadd.s32 s9, s28  }
0x496: {  	[tilespmem:s12+$0x0] =	vst v8  }
0x497: {  	s13 =	sld [smem:$0x7CF];
	_ =	sdelay $0x1  }
0x498: {  	v43 =	vadd.s32 $0x1D, v2  }
0x499: {  	v45 =	vadd.s32 $0x16, v3;
	s14 =	sadd.s32 s13, s31  }
0x49a: {  	v46 =	vadd.s32 $0x16, v4;
	[tilespmem:s14+$0x0] =	vst v12  }
0x49b: {  	v44 =	vadd.s32 $0x16, v1;
	s20 =	sld [smem:$0x7A7];
	_ =	sdelay $0x1  }
0x49c: {  	s4 =	sadd.s32 s29, s5;
	v9 =	vld.idx.msk [tilespmem:v43+s3+$0x0], $0xffff  }
0x49d: {  	v11 =	vld.idx.msk [tilespmem:v45+s3+$0x0], $0xffff;
	[tilespmem:s4+$0x0] =	vst v15;
	s1 =	sadd.s32 s20, s11  }
0x49e: {  	v13 =	vld.idx.msk [tilespmem:v46+s3+$0x0], $0xffff;
	[tilespmem:s1+$0x0] =	vst v7  }
0x49f: {  	v47 =	vadd.s32 $0x16, v5;
	v10 =	vld.idx.msk [tilespmem:v44+s3+$0x0], $0xffff;
	s2 =	rddreg [dreg:$0x19]  }
0x4a0: {  	s2 =	sadd.s32 s2, s10  }
0x4a1: {  	s8 =	sadd.s32 s19, s28;
	[tilespmem:s2+$0x0] =	vst v9  }
0x4a2: {  	s9 =	sadd.s32 s6, s31;
	s14 =	rddreg [dreg:$0x9];
	[tilespmem:s8+$0x0] =	vst v11  }
0x4a3: {  	[tilespmem:s9+$0x0] =	vst v13;
	s7 =	sadd.s32 s14, s24  }
0x4a4: {  	v48 =	vadd.s32 $0x16, v6;
	v14 =	vld.idx.msk [tilespmem:v47+s3+$0x0], $0xffff;
	[tilespmem:s7+$0x0] =	vst v10  }
0x4a5: {  	s13 =	sld [smem:$0x795];
	_ =	sdelay $0x1  }
0x4a6: {  	v49 =	vadd.s32 $0x19, v0  }
0x4a7: {  	s12 =	sadd.s32 s13, s11  }
0x4a8: {  	v16 =	vld.idx.msk [tilespmem:v48+s3+$0x0], $0xffff;
	[tilespmem:s12+$0x0] =	vst v14  }
0x4a9: {  	v50 =	vadd.s32 $0x17, v1;
	s12 =	sld [smem:$0x796];
	_ =	sdelay $0x1  }
0x4aa: {  	v8 =	vld.idx.msk [tilespmem:v49+s3+$0x0], $0xffff  }
0x4ab: {  	s20 =	sadd.s32 s12, s5  }
0x4ac: {  	[tilespmem:s20+$0x0] =	vst v16  }
0x4ad: {  	v51 =	vadd.s32 $0x17, v3;
	v12 =	vld.idx.msk [tilespmem:v50+s3+$0x0], $0xffff;
	s2 =	rddreg [dreg:$0x13]  }
0x4ae: {  	s2 =	sadd.s32 s2, s0  }
0x4af: {  	[tilespmem:s2+$0x0] =	vst v8  }
0x4b0: {  	s8 =	rddreg [dreg:$0xb]  }
0x4b1: {  	s1 =	sadd.s32 s8, s24  }
0x4b2: {  	v52 =	vadd.s32 $0x17, v4;
	v7 =	vld.idx.msk [tilespmem:v51+s3+$0x0], $0xffff;
	[tilespmem:s1+$0x0] =	vst v12  }
0x4b3: {  	s20 =	sld [smem:$0x7C9];
	_ =	sdelay $0x2  }
0x4b4: {  	s4 =	sadd.s32 s20, s28  }
0x4b5: {  	v53 =	vadd.s32 $0x17, v5;
	v15 =	vld.idx.msk [tilespmem:v52+s3+$0x0], $0xffff;
	[tilespmem:s4+$0x0] =	vst v7  }
0x4b6: {  	s24 =	sld [smem:$0x797];
	_ =	sdelay $0x2  }
0x4b7: {  	s29 =	smov.u32 s19;
	s19 =	smov.u32 s6;
	s6 =	sadd.s32 s24, s31  }
0x4b8: {  	v54 =	vadd.s32 $0x17, v6;
	v9 =	vld.idx.msk [tilespmem:v53+s3+$0x0], $0xffff;
	[tilespmem:s6+$0x0] =	vst v15  }
0x4b9: {  	s28 =	sld [smem:$0x798];
	_ =	sdelay $0x2  }
0x4ba: {  	s7 =	sadd.s32 s28, s11  }
0x4bb: {  	v55 =	vadd.s32 $0x1E, v2;
	v10 =	vld.idx.msk [tilespmem:v54+s3+$0x0], $0xffff;
	[tilespmem:s7+$0x0] =	vst v9  }
0x4bc: {  	v56 =	vadd.s32 $0x18, v1;
	s11 =	sld [smem:$0x799]  }
0x4bd: {  	v57 =	vadd.s32 $0x18, v3;
	_ =	sdelay $0x1  }
0x4be: {  	s9 =	sadd.s32 s11, s5  }
0x4bf: {  	v11 =	vld.idx.msk [tilespmem:v55+s3+$0x0], $0xffff;
	[tilespmem:s9+$0x0] =	vst v10  }
0x4c0: {  	v13 =	vld.idx.msk [tilespmem:v56+s3+$0x0], $0xffff;
	s31 =	sld [smem:$0x7D5]  }
0x4c1: {  	v58 =	vadd.s32 $0x18, v4;
	v14 =	vld.idx.msk [tilespmem:v57+s3+$0x0], $0xffff  }
0x4c2: {  	s2 =	rddreg [dreg:$0x1f]  }
0x4c3: {  	s2 =	sadd.s32 s2, s10;
	s5 =	sadd.s32 $0x15C40, s31  }
0x4c4: {  	s4 =	sadd.s32 $0x15C40, s15;
	[tilespmem:s2+$0x0] =	vst v11;
	s1 =	sadd.s32 s21, s5  }
0x4c5: {  	s6 =	sadd.s32 s23, s4;
	[tilespmem:s1+$0x0] =	vst v13  }
0x4c6: {  	v16 =	vld.idx.msk [tilespmem:v58+s3+$0x0], $0xffff;
	s7 =	sld [smem:$0x79A];
	[tilespmem:s6+$0x0] =	vst v14  }
0x4c7: {  	v59 =	vadd.s32 $0x18, v5;
	s9 =	sld [smem:$0x79B]  }
0x4c8: {  	v60 =	vadd.s32 $0x18, v6  }
0x4c9: {  	s7 =	sadd.s32 $0x15C40, s7  }
0x4ca: {  	s15 =	sadd.s32 s9, s7  }
0x4cb: {  	s21 =	sld [smem:$0x7D7];
	[tilespmem:s15+$0x0] =	vst v16  }
0x4cc: {  	v8 =	vld.idx.msk [tilespmem:v59+s3+$0x0], $0xffff;
	s23 =	sld [smem:$0x79C]  }
0x4cd: {  	v61 =	vadd.s32 $0x1A, v0;
	v12 =	vld.idx.msk [tilespmem:v60+s3+$0x0], $0xffff;
	s6 =	sld [smem:$0x79D];
	_ =	sdelay $0x1  }
0x4ce: {  	v63 =	vadd.s32 $0x19, v3;
	s9 =	sadd.s32 $0x15C40, s21  }
0x4cf: {  	v62 =	vadd.s32 $0x19, v1;
	s31 =	sadd.s32 s23, s9;
	s1 =	sadd.s32 $0x15C40, s6  }
0x4d0: {  	[tilespmem:s31+$0x0] =	vst v8;
	s15 =	sadd.s32 s26, s1  }
0x4d1: {  	v7 =	vld.idx.msk [tilespmem:v61+s3+$0x0], $0xffff;
	[tilespmem:s15+$0x0] =	vst v12  }
0x4d2: {  	s2 =	sld [smem:$0x7CB]  }
0x4d3: {  	v9 =	vld.idx.msk [tilespmem:v63+s3+$0x0], $0xffff  }
0x4d4: {  	v19 =	vadd.s32 $0x19, v4;
	v23 =	vld.idx.msk [tilespmem:v62+s3+$0x0], $0xffff  }
0x4d5: {  	s2 =	sadd.s32 s2, s0  }
0x4d6: {  	[tilespmem:s2+$0x0] =	vst v7  }
0x4d7: {  	s21 =	sadd.s32 s16, s4;
	s2 =	rddreg [dreg:$0x16]  }
0x4d8: {  	[tilespmem:s21+$0x0] =	vst v9;
	s2 =	sadd.s32 s2, s5  }
0x4d9: {  	v20 =	vadd.s32 $0x19, v5;
	v10 =	vld.idx.msk [tilespmem:v19+s3+$0x0], $0xffff;
	[tilespmem:s2+$0x0] =	vst v23  }
0x4da: {  	s2 =	sld [smem:$0x7C4];
	_ =	sdelay $0x2  }
0x4db: {  	v24 =	vadd.s32 $0x1A, v1;
	s2 =	sadd.s32 s2, s7  }
0x4dc: {  	v21 =	vadd.s32 $0x19, v6;
	v11 =	vld.idx.msk [tilespmem:v20+s3+$0x0], $0xffff;
	[tilespmem:s2+$0x0] =	vst v10  }
0x4dd: {  	v22 =	vadd.s32 $0x1F, v2;
	s2 =	sld [smem:$0x7D2];
	_ =	sdelay $0x2  }
0x4de: {  	v15 =	vld.idx.msk [tilespmem:v24+s3+$0x0], $0xffff;
	s2 =	sadd.s32 s2, s9  }
0x4df: {  	v13 =	vld.idx.msk [tilespmem:v21+s3+$0x0], $0xffff;
	[tilespmem:s2+$0x0] =	vst v11  }
0x4e0: {  	v25 =	vadd.s32 $0x1A, v3;
	v2 =	vld.idx.msk [tilespmem:v22+s3+$0x0], $0xffff;
	s2 =	sld [smem:$0x79E]  }
0x4e1: {  	s23 =	sld [smem:$0x7CC]  }
0x4e2: {  	s25 =	sadd.s32 s25, s5  }
0x4e3: {  	[tilespmem:s25+$0x0] =	vst v15;
	s2 =	sadd.s32 s2, s1  }
0x4e4: {  	v27 =	vadd.s32 $0x1A, v5;
	s6 =	sadd.s32 s23, s10;
	[tilespmem:s2+$0x0] =	vst v13  }
0x4e5: {  	v26 =	vadd.s32 $0x1A, v4;
	v8 =	vld.idx.msk [tilespmem:v25+s3+$0x0], $0xffff;
	[tilespmem:s6+$0x0] =	vst v2  }
0x4e6: {  	s2 =	sld [smem:$0x7D0];
	_ =	sdelay $0x2  }
0x4e7: {  	v7 =	vld.idx.msk [tilespmem:v27+s3+$0x0], $0xffff;
	s2 =	sadd.s32 s2, s4  }
0x4e8: {  	v28 =	vadd.s32 $0x1A, v6;
	v12 =	vld.idx.msk [tilespmem:v26+s3+$0x0], $0xffff;
	[tilespmem:s2+$0x0] =	vst v8  }
0x4e9: {  	s2 =	sld [smem:$0x7C8];
	_ =	sdelay $0x1  }
0x4ea: {  	s26 =	sadd.s32 s18, s9  }
0x4eb: {  	v30 =	vadd.s32 $0x1B, v1;
	[tilespmem:s26+$0x0] =	vst v7;
	s2 =	sadd.s32 s2, s7  }
0x4ec: {  	v29 =	vadd.s32 $0x1B, v0;
	v14 =	vld.idx.msk [tilespmem:v28+s3+$0x0], $0xffff;
	[tilespmem:s2+$0x0] =	vst v12  }
0x4ed: {  	s2 =	sld [smem:$0x79F];
	_ =	sdelay $0x2  }
0x4ee: {  	v10 =	vld.idx.msk [tilespmem:v30+s3+$0x0], $0xffff;
	s2 =	sadd.s32 s2, s1  }
0x4ef: {  	v31 =	vadd.s32 $0x1B, v3;
	v9 =	vld.idx.msk [tilespmem:v29+s3+$0x0], $0xffff;
	[tilespmem:s2+$0x0] =	vst v14  }
0x4f0: {  	s2 =	sld [smem:$0x7CE];
	_ =	sdelay $0x1  }
0x4f1: {  	s31 =	sadd.s32 s30, s5  }
0x4f2: {  	[tilespmem:s31+$0x0] =	vst v10;
	s2 =	sadd.s32 s2, s0  }
0x4f3: {  	v32 =	vadd.s32 $0x1B, v4;
	v11 =	vld.idx.msk [tilespmem:v31+s3+$0x0], $0xffff;
	[tilespmem:s2+$0x0] =	vst v9  }
0x4f4: {  	s2 =	sld [smem:$0x7A0];
	_ =	sdelay $0x2  }
0x4f5: {  	s2 =	sadd.s32 s2, s4  }
0x4f6: {  	v33 =	vadd.s32 $0x1B, v5;
	v13 =	vld.idx.msk [tilespmem:v32+s3+$0x0], $0xffff;
	[tilespmem:s2+$0x0] =	vst v11  }
0x4f7: {  	s2 =	sld [smem:$0x7CA];
	_ =	sdelay $0x2  }
0x4f8: {  	v35 =	vadd.s32 $0x1C, v0;
	s2 =	sadd.s32 s2, s7  }
0x4f9: {  	v34 =	vadd.s32 $0x1B, v6;
	v2 =	vld.idx.msk [tilespmem:v33+s3+$0x0], $0xffff;
	[tilespmem:s2+$0x0] =	vst v13  }
0x4fa: {  	s2 =	sld [smem:$0x7A1];
	_ =	sdelay $0x1  }
0x4fb: {  	v36 =	vadd.s32 $0x1C, v1  }
0x4fc: {  	v8 =	vld.idx.msk [tilespmem:v35+s3+$0x0], $0xffff;
	s2 =	sadd.s32 s2, s9  }
0x4fd: {  	v15 =	vld.idx.msk [tilespmem:v34+s3+$0x0], $0xffff;
	[tilespmem:s2+$0x0] =	vst v2  }
0x4fe: {  	s2 =	sld [smem:$0x7A2];
	_ =	sdelay $0x1  }
0x4ff: {  	v37 =	vadd.s32 $0x1C, v3;
	s6 =	sadd.s32 s17, s0;
	v12 =	vld.idx.msk [tilespmem:v36+s3+$0x0], $0xffff  }
0x500: {  	[tilespmem:s6+$0x0] =	vst v8;
	s2 =	sadd.s32 s2, s1  }
0x501: {  	[tilespmem:s2+$0x0] =	vst v15  }
0x502: {  	s2 =	rddreg [dreg:$0xd]  }
0x503: {  	s2 =	sadd.s32 s2, s5  }
0x504: {  	v38 =	vadd.s32 $0x1C, v4;
	v7 =	vld.idx.msk [tilespmem:v37+s3+$0x0], $0xffff;
	[tilespmem:s2+$0x0] =	vst v12  }
0x505: {  	s2 =	sld [smem:$0x7A3];
	_ =	sdelay $0x2  }
0x506: {  	s2 =	sadd.s32 s2, s4  }
0x507: {  	v39 =	vadd.s32 $0x1C, v5;
	v14 =	vld.idx.msk [tilespmem:v38+s3+$0x0], $0xffff;
	[tilespmem:s2+$0x0] =	vst v7  }
0x508: {  	s2 =	sld [smem:$0x7A4];
	_ =	sdelay $0x2  }
0x509: {  	s2 =	sadd.s32 s2, s7  }
0x50a: {  	v40 =	vadd.s32 $0x1C, v6;
	v9 =	vld.idx.msk [tilespmem:v39+s3+$0x0], $0xffff;
	[tilespmem:s2+$0x0] =	vst v14  }
0x50b: {  	s2 =	sld [smem:$0x7A5]  }
0x50c: {  	v42 =	vadd.s32 $0x1D, v1  }
0x50d: {  	v41 =	vadd.s32 $0x1D, v0  }
0x50e: {  	s2 =	sadd.s32 s2, s9  }
0x50f: {  	v10 =	vld.idx.msk [tilespmem:v40+s3+$0x0], $0xffff;
	[tilespmem:s2+$0x0] =	vst v9  }
0x510: {  	s2 =	sld [smem:$0x7A6]  }
0x511: {  	v13 =	vld.idx.msk [tilespmem:v42+s3+$0x0], $0xffff  }
0x512: {  	v43 =	vadd.s32 $0x1D, v3;
	v11 =	vld.idx.msk [tilespmem:v41+s3+$0x0], $0xffff  }
0x513: {  	s2 =	sadd.s32 s2, s1  }
0x514: {  	[tilespmem:s2+$0x0] =	vst v10  }
0x515: {  	s10 =	sadd.s32 s22, s5;
	s2 =	rddreg [dreg:$0x7]  }
0x516: {  	[tilespmem:s10+$0x0] =	vst v13;
	s2 =	sadd.s32 s2, s0  }
0x517: {  	v44 =	vadd.s32 $0x1D, v4;
	v2 =	vld.idx.msk [tilespmem:v43+s3+$0x0], $0xffff;
	[tilespmem:s2+$0x0] =	vst v11  }
0x518: {  	s2 =	sld [smem:$0x7C3];
	_ =	sdelay $0x2  }
0x519: {  	s2 =	sadd.s32 s2, s4  }
0x51a: {  	v45 =	vadd.s32 $0x1D, v5;
	v15 =	vld.idx.msk [tilespmem:v44+s3+$0x0], $0xffff;
	[tilespmem:s2+$0x0] =	vst v2  }
0x51b: {  	s2 =	sld [smem:$0x7CF];
	_ =	sdelay $0x2  }
0x51c: {  	s2 =	sadd.s32 s2, s7  }
0x51d: {  	v46 =	vadd.s32 $0x1D, v6;
	v8 =	vld.idx.msk [tilespmem:v45+s3+$0x0], $0xffff;
	[tilespmem:s2+$0x0] =	vst v15  }
0x51e: {  	s2 =	sld [smem:$0x7A7]  }
0x51f: {  	v48 =	vadd.s32 $0x1E, v1  }
0x520: {  	v49 =	vadd.s32 $0x1E, v3  }
0x521: {  	v50 =	vadd.s32 $0x1E, v4;
	s2 =	sadd.s32 s2, s9  }
0x522: {  	v47 =	vadd.s32 $0x1E, v0;
	v12 =	vld.idx.msk [tilespmem:v46+s3+$0x0], $0xffff;
	[tilespmem:s2+$0x0] =	vst v8  }
0x523: {  	v51 =	vadd.s32 $0x1E, v5;
	s2 =	sld [smem:$0x7A8]  }
0x524: {  	v54 =	vld.idx.msk [tilespmem:v48+s3+$0x0], $0xffff  }
0x525: {  	v9 =	vld.idx.msk [tilespmem:v49+s3+$0x0], $0xffff  }
0x526: {  	v52 =	vadd.s32 $0x1E, v6;
	v57 =	vld.idx.msk [tilespmem:v50+s3+$0x0], $0xffff;
	s2 =	sadd.s32 s2, s1  }
0x527: {  	v55 =	vadd.s32 $0x1F, v1;
	v7 =	vld.idx.msk [tilespmem:v47+s3+$0x0], $0xffff;
	[tilespmem:s2+$0x0] =	vst v12  }
0x528: {  	v53 =	vadd.s32 $0x1F, v0;
	s14 =	sadd.s32 s14, s5;
	v59 =	vld.idx.msk [tilespmem:v51+s3+$0x0], $0xffff;
	s2 =	sld [smem:$0x7A9]  }
0x529: {  	v56 =	vadd.s32 $0x1F, v3;
	s15 =	sadd.s32 s29, s4;
	[tilespmem:s14+$0x0] =	vst v54  }
0x52a: {  	v58 =	vadd.s32 $0x1F, v4;
	s16 =	sadd.s32 s19, s7;
	[tilespmem:s15+$0x0] =	vst v9  }
0x52b: {  	v60 =	vadd.s32 $0x1F, v5;
	v61 =	vld.idx.msk [tilespmem:v52+s3+$0x0], $0xffff;
	[tilespmem:s16+$0x0] =	vst v57;
	s2 =	sadd.s32 s2, s0  }
0x52c: {  	v62 =	vadd.s32 $0x1F, v6;
	s17 =	sadd.s32 s13, s9;
	v1 =	vld.idx.msk [tilespmem:v55+s3+$0x0], $0xffff;
	[tilespmem:s2+$0x0] =	vst v7  }
0x52d: {  	[tilespmem:s17+$0x0] =	vst v59;
	v0 =	vld.idx.msk [tilespmem:v53+s3+$0x0], $0xffff  }
0x52e: {  	v3 =	vld.idx.msk [tilespmem:v56+s3+$0x0], $0xffff;
	s6 =	sld [smem:$0x7AD]  }
0x52f: {  	s18 =	sadd.s32 s12, s1;
	v4 =	vld.idx.msk [tilespmem:v58+s3+$0x0], $0xffff  }
0x530: {  	s19 =	sadd.s32 s8, s5;
	v5 =	vld.idx.msk [tilespmem:v60+s3+$0x0], $0xffff;
	[tilespmem:s18+$0x0] =	vst v61  }
0x531: {  	v63 =	vld.idx.msk [tilespmem:v62+s3+$0x0], $0xffff;
	[tilespmem:s19+$0x0] =	vst v1;
	s0 =	sadd.s32 s6, s0  }
0x532: {  	s20 =	sadd.s32 s20, s4;
	[tilespmem:s0+$0x0] =	vst v0  }
0x533: {  	s21 =	sadd.s32 s24, s7;
	s2 =	sld [smem:$0x7C1];
	[tilespmem:s20+$0x0] =	vst v3  }
0x534: {  	s22 =	sadd.s32 s28, s9;
	[tilespmem:s21+$0x0] =	vst v4  }
0x535: {  	s24 =	sadd.s32 s11, s1;
	s23 =	sld [smem:$0x7FA];
	[tilespmem:s22+$0x0] =	vst v5  }
0x536: {  	[tilespmem:s24+$0x0] =	vst v63  }
0x537: {  	s29 =	sld [smem:$0x7F3];
	_ =	sdelay $0x2  }
0x538: {  	s29 =	sadd.s32 $0x1, s29  }
0x539: {  	s2 =	smul.u32 $0xA0000, s2;
	p0 =	sne.s32 s29, $0x14  }
.Ltmp3:
0x53a: {  	_ = 	snop;
	(pc) =	sbr.rel @p0 .LBB2_4-.Ltmp3, $4  }
0x53b: {  	s2 =	sor.u32 s23, s2  }
0x53c: {  	s30 =	simm.s32 $0x8000;
	s26 =	rddreg [dreg:$0x2];
	s25 =	sshrl.u32 s2, $0x3  }
0x53d: {  	s28 =	simm.s32 $0x400;
	s31 =	simm.s32 $0x15040;
	s0 =	sadd.s32 s26, s25  }
0x53e: {  	[hbm4b:s0+s28] =	stream.strided.scatter [tilespmem:s31], [sflag:$0x2], $0x5000, s30, s28, $0x38;
	[tilespmem:$0x1A040] =	vst v63  }
0x53f: {  	s0 =	simm.s32 $0x1  }
0x540: {  	_ =	swait.ge [sflag:s0], $0x5000  }
0x541: {  	[sflag:s0] =	ssyncset.done $0x0  }
0x542: {  	s1 =	simm.s32 $0x2;
	[sflag:s0] =	ssyncadd.s32 $0xFFFFB000  }
0x543: {  	_ =	swait.ge [sflag:s1], $0x5000  }
0x544: {  	s2 =	sld [smem:$0x7F9]  }
0x545: {  	s31 =	sld [smem:$0x7FC];
	_ =	sdelay $0x1  }
0x546: {  	s2 =	sadd.s32 $0x1, s2  }
0x547: {  	p0 =	sne.s32 s2, s31  }
.Ltmp4:
0x548: {  	_ = 	snop;
	(pc) =	sbr.rel @p0 .LBB2_1-.Ltmp4, $3  }
0x549: {  	_ =	sdelay $0x1  }
0x54a: {  	[sflag:s1] =	ssyncset.done $0x0;
	s5 =	sld [smem:$0x7FD]  }
0x54b: {  	[sflag:s1] =	ssyncadd.s32 $0xFFFFB000  }
0x54c: {  	_ =	sfence.sel $0x180000  }
0x54d: {  	[bflag:$0x0] =	sbarrier.arrive $0xFFFF  }
0x54e: {  	_ =	strace $0x90000047  }
0x54f: {  	s0 =	stileid.u32;
	[bflag:$0x2] =	sbarrier.arrive $0xFFFF  }
0x550: {  	p0 =	sne.s32 s0, $0x0;
	s0 =	rddreg [dreg:$0x3]  }
0x551: {  	s0 =	sadd.s32 @!p0 $0x100000, s0  }
0x552: {  	[sflag:s0] =	ssyncadd.tile.s32 @!p0 $0x1;
	_ =	shalt  }
.Lfunc_end2:
_tile_overlayer_lowered:
.L_overlay_start_2:
0x553: {  	(tag) =	ssettag $0x2  }
0x554: {  	s0 =	rddreg [dreg:$0x0];
	s2 =	stileid.u32  }
0x555: {  	s1 =	rddreg [dreg:$0x1];
	p0 =	sne.s32 s2, $0x0  }
0x556: {  	s3 =	rddreg [dreg:$0x2];
	[bflag:$0x3] =	sbarrier.arrive $0xFFFF;
	s2 =	simm.s32 @!p0 $0x1C03  }
0x557: {  	[timem:s3], [sflag:s2] =	dma.local @!p0 [hbm:s0], s1  }
0x558: {  	s0 =	simm.s32 @!p0 $0x3  }
0x559: {  	_ =	swait.ge @!p0 [sflag:s0], s1  }
0x55a: {  	s1 =	ssub.s32 @!p0 $0x0, s1;
	[sflag:s0] =	ssyncset.done @!p0 $0x0  }
0x55b: {  	[sflag:s0] =	ssyncadd.s32 @!p0 s1  }
0x55c: {  	[bflag:$0x3] =	sbarrier.arrive $0xFFFF  }
0x55d: {  	_ =	shalt  }

</sc_bundles>
